<compile_context>
chip_gen: v7x
topology: tpu7x:2x2x1
jax: 0.10.2.dev20260603
libtpu: 0.0.44.dev20260713+nightly
codegen_flags: <defaults>
</compile_context>

<pallas_src>
import functools

import jax
import jax.numpy as jnp
from jax import lax
from jax.experimental import pallas as pl
from jax.experimental.pallas import tpu as pltpu, tpu_sc as plsc

B, L, D = 1024, 200, 128
N = B * L
LANES = 16
NJ = D // LANES
TRIP_ROWS = 512
EPS = 1e-12

_DNUMS = jax.lax.GatherDimensionNumbers(
    offset_dims=(), collapsed_slice_dims=(0,), start_index_map=(0,))


def _lane_sum(x):
    for k in range(4):
        idx = (jnp.arange(LANES, dtype=jnp.int32) ^ (1 << k))[:, None]
        x = x + lax.gather(x, idx, _DNUMS, (1,),
                           mode=lax.GatherScatterMode.PROMISE_IN_BOUNDS)
    return x


def _rsqrt(x):
    i = lax.bitcast_convert_type(x, jnp.int32)
    i = jnp.int32(0x5F3759DF) - (i >> 1)
    y = lax.bitcast_convert_type(i, jnp.float32)
    for _ in range(2):
        y = y * (1.5 - 0.5 * x * y * y)
    return y


def _make_builder(num_cores, num_subcores):
    NW = num_cores * num_subcores
    RPW = TRIP_ROWS // NW

    mesh = plsc.VectorSubcoreMesh(core_axis_name="c", subcore_axis_name="s")

    @functools.partial(
        pl.kernel,
        out_type=jax.ShapeDtypeStruct((TRIP_ROWS, D), jnp.float32),
        mesh=mesh,
        scratch_types=[
            pltpu.VMEM((RPW, D), jnp.float32),
            pltpu.VMEM((RPW, D), jnp.float32),
        ],
    )
    def builder(Wt, Wp, comb_hbm, stga, stgb):
        wid = lax.axis_index("s") * num_cores + lax.axis_index("c")
        r0 = wid * RPW
        pltpu.sync_copy(Wt.at[pl.ds(r0, RPW)], stga)
        pltpu.sync_copy(Wp.at[pl.ds(r0, RPW)], stgb)

        def add_row(r, _):
            for j in range(NJ):
                sl = pl.ds(j * LANES, LANES)
                stga[r, sl] = stga[r, sl] + stgb[r, sl]
            return _
        lax.fori_loop(0, RPW, add_row, None, unroll=4)
        pltpu.sync_copy(stga, comb_hbm.at[pl.ds(r0, RPW)])

    return builder


def _make_sc_kernel(num_cores, num_subcores):
    NW = num_cores * num_subcores
    PER_W = N // NW
    C = 80
    NCH = PER_W // C
    R = 6

    mesh = plsc.VectorSubcoreMesh(core_axis_name="c", subcore_axis_name="s")

    @functools.partial(
        pl.kernel,
        out_type=jax.ShapeDtypeStruct((N, D), jnp.float32),
        mesh=mesh,
        scratch_types=[
            pltpu.VMEM((R, 3, C), jnp.int32),
            pltpu.VMEM((R, C, D), jnp.float32),
            pltpu.VMEM((D,), jnp.float32),
            pltpu.VMEM((D,), jnp.float32),
            pltpu.SemaphoreType.DMA((R,)),
            pltpu.SemaphoreType.DMA((R,)),
            pltpu.SemaphoreType.DMA((R,)),
            pltpu.SemaphoreType.DMA((R,)),
        ],
    )
    def sc_kernel(idx_hbm, Ww, We, Wcomb, gamma_hbm, beta_hbm,
                  out_hbm,
                  idx_v, bsum, gamma_v, beta_v,
                  semi, semw, sema, semo):
        wid = lax.axis_index("s") * num_cores + lax.axis_index("c")
        base = wid * PER_W

        pltpu.sync_copy(gamma_hbm, gamma_v)
        pltpu.sync_copy(beta_hbm, beta_v)
        gs = [gamma_v[pl.ds(j * LANES, LANES)] for j in range(NJ)]
        bs = [beta_v[pl.ds(j * LANES, LANES)] for j in range(NJ)]

        def fire_idx(ci, s):
            pltpu.async_copy(idx_hbm.at[wid, ci], idx_v.at[s], semi.at[s])

        def wait_idx(s):
            pltpu.make_async_copy(idx_hbm.at[wid, 0], idx_v.at[s],
                                  semi.at[s]).wait()

        def fire_word(s):
            pltpu.async_copy(Ww.at[idx_v.at[s, 0]], bsum.at[s], semw.at[s])

        def wait_word(s):
            pltpu.make_async_copy(Ww.at[idx_v.at[s, 0]], bsum.at[s],
                                  semw.at[s]).wait()

        def fire_adds(s):
            pltpu.async_copy(We.at[idx_v.at[s, 1]], bsum.at[s], sema.at[s],
                             add=True)
            pltpu.async_copy(Wcomb.at[idx_v.at[s, 2]], bsum.at[s], sema.at[s],
                             add=True)

        def wait_adds(s):
            for _ in range(2):
                pltpu.make_async_copy(We.at[idx_v.at[s, 1]], bsum.at[s],
                                      sema.at[s]).wait()

        def fire_out(ci, s):
            pltpu.async_copy(bsum.at[s], out_hbm.at[pl.ds(base + ci * C, C)],
                             semo.at[s])

        def wait_out(s):
            pltpu.make_async_copy(bsum.at[s], out_hbm.at[pl.ds(base, C)],
                                  semo.at[s]).wait()

        def token_body(s):
            def body(t, _):
                acc_s = jnp.zeros((LANES,), jnp.float32)
                acc_q = jnp.zeros((LANES,), jnp.float32)
                xs = []
                for j in range(NJ):
                    x = bsum[s, t, pl.ds(j * LANES, LANES)]
                    xs.append(x)
                    acc_s = acc_s + x
                    acc_q = acc_q + x * x
                mu = _lane_sum(acc_s) * (1.0 / D)
                var = _lane_sum(acc_q) * (1.0 / D) - mu * mu
                rstd = _rsqrt(var + EPS)
                for j in range(NJ):
                    bsum[s, t, pl.ds(j * LANES, LANES)] = (
                        (xs[j] - mu) * rstd * gs[j] + bs[j])
                return _
            lax.fori_loop(0, C, body, None, unroll=4)

        for j in range(4):
            fire_idx(j, j)
        for j in range(3):
            wait_idx(j)
            fire_word(j)
        for j in range(2):
            wait_word(j)
            fire_adds(j)

        def phase(ci, _):
            m = lax.rem(ci, R)

            @pl.when(ci + 4 < NCH)
            def _a():
                s = lax.rem(ci + 4, R)
                fire_idx(ci + 4, s)

            @pl.when(ci + 3 < NCH)
            def _b():
                s = lax.rem(ci + 3, R)
                wait_idx(s)

                @pl.when(ci >= 3)
                def _b2():
                    wait_out(s)
                fire_word(s)

            @pl.when(ci + 2 < NCH)
            def _c():
                s = lax.rem(ci + 2, R)
                wait_word(s)
                fire_adds(s)

            wait_adds(m)
            token_body(m)
            fire_out(ci, m)
            return _

        lax.fori_loop(0, NCH, phase, None, unroll=False)

        for k in range(NCH - R, NCH):
            wait_out(k % R)

    return sc_kernel


def kernel(input_ids, entity_ids, triple_ids, position_ids,
           W_word, W_ent, W_trip, W_pos, gamma, beta):
    del position_ids
    info = plsc.get_sparse_core_info()
    NW = info.num_cores * info.num_subcores
    PER_W = N // NW
    C = 80
    NCH = PER_W // C
    stk = jnp.stack([input_ids.reshape(N), entity_ids.reshape(N),
                     triple_ids.reshape(N)]).astype(jnp.int32)
    idx = stk.reshape(3, NW, NCH, C).transpose(1, 2, 0, 3)
    comb = _make_builder(info.num_cores, info.num_subcores)(W_trip, W_pos)
    sc = _make_sc_kernel(info.num_cores, info.num_subcores)
    out = sc(idx, W_word, W_ent, comb, gamma, beta)
    return out.reshape(B, L, D)

# --- scband reference (transcript-rebuilt; emitter-appended) ---
"""Pipeline reference for scband-knowledge-embeddings-51015621542065 (READ-ONLY COPY).

The authoritative reference and input builder live on the scoring server;
editing this copy changes nothing except your own understanding.
"""

import jax, jax.numpy as jnp
import numpy as np

B, L, D = 1024, 200, 128
VOCAB = 100000
MAX_ENT = 100000
MAX_TRIP = 50000
MAX_POS = 512
EPS = 1e-12


def setup_inputs(seed: int = 0) -> dict:
    key = jax.random.key(seed)
    ks = jax.random.split(key, 10)
    input_ids = jax.random.randint(ks[0], (B, L), 0, VOCAB, dtype=jnp.int64 if jax.config.jax_enable_x64 else jnp.int32)
    entity_ids = jax.random.randint(ks[1], (B, L), 0, MAX_ENT, dtype=input_ids.dtype)
    triple_ids = jax.random.randint(ks[2], (B, L), 0, MAX_POS, dtype=input_ids.dtype)
    position_ids = jax.random.randint(ks[3], (B, L), 0, MAX_POS, dtype=input_ids.dtype)
    W_word = jax.random.normal(ks[4], (VOCAB, D), dtype=jnp.float32) * 0.02
    # padding_idx=0 row zeroed, as nn.Embedding(padding_idx=0) does
    W_word = W_word.at[0].set(0.0)
    W_ent = jax.random.normal(ks[5], (MAX_ENT, D), dtype=jnp.float32) * 0.02
    W_trip = jax.random.normal(ks[6], (MAX_TRIP, D), dtype=jnp.float32) * 0.02
    W_pos = jax.random.normal(ks[7], (MAX_POS, D), dtype=jnp.float32) * 0.02
    gamma = jnp.ones((D,), dtype=jnp.float32)
    beta = jnp.zeros((D,), dtype=jnp.float32)
    return {"input_ids": input_ids, "entity_ids": entity_ids, "triple_ids": triple_ids,
            "position_ids": position_ids, "W_word": W_word, "W_ent": W_ent,
            "W_trip": W_trip, "W_pos": W_pos, "gamma": gamma, "beta": beta}


def _layer_norm(x, gamma, beta, eps=EPS):
    mu = jnp.mean(x, axis=-1, keepdims=True)
    var = jnp.var(x, axis=-1, keepdims=True)
    return (x - mu) / jnp.sqrt(var + eps) * gamma + beta


def reference(input_ids, entity_ids, triple_ids, position_ids, W_word, W_ent, W_trip, W_pos, gamma, beta):
    inputs_embeds = jnp.take(W_word, input_ids, axis=0)
    entity_embeddings = jnp.take(W_ent, entity_ids, axis=0)
    triple_embeddings = jnp.take(W_trip, triple_ids, axis=0)
    # NOTE: faithful to original module, position table is indexed by triple_ids
    position_embeddings = jnp.take(W_pos, triple_ids, axis=0)
    embeddings = inputs_embeds + entity_embeddings + triple_embeddings + position_embeddings
    embeddings = _layer_norm(embeddings, gamma, beta)
    # dropout is identity at inference
    return embeddings

if __name__ == "__main__":
    import jax
    _d = setup_inputs()
    print(jax.jit(kernel)(*tuple(_d.values())))

</pallas_src>

<mosaic_0001>
#map = affine_map<(d0, d1) -> (0, 0, 0, 0)>
#map1 = affine_map<(d0, d1) -> (0, 0)>
#map2 = affine_map<(d0, d1) -> (0)>
module attributes {stable_mosaic.version = 14 : i64} {
  func.func @sc_kernel(%arg0: i32, %arg1: i32, %arg2: memref<32x80x3x80xi32, #tpu.memory_space<hbm>>, %arg3: memref<100000x128xf32, #tpu.memory_space<hbm>>, %arg4: memref<100000x128xf32, #tpu.memory_space<hbm>>, %arg5: memref<512x128xf32, #tpu.memory_space<hbm>>, %arg6: memref<128xf32, #tpu.memory_space<hbm>>, %arg7: memref<128xf32, #tpu.memory_space<hbm>>, %arg8: memref<204800x128xf32, #tpu.memory_space<hbm>>, %arg9: memref<6x3x80xi32, #tpu.memory_space<vmem>>, %arg10: memref<6x80x128xf32, #tpu.memory_space<vmem>>, %arg11: memref<128xf32, #tpu.memory_space<vmem>>, %arg12: memref<128xf32, #tpu.memory_space<vmem>>, %arg13: memref<6x!tpu.dma_semaphore, #tpu.memory_space<semaphore_mem>>, %arg14: memref<6x!tpu.dma_semaphore, #tpu.memory_space<semaphore_mem>>, %arg15: memref<6x!tpu.dma_semaphore, #tpu.memory_space<semaphore_mem>>, %arg16: memref<6x!tpu.dma_semaphore, #tpu.memory_space<semaphore_mem>>) attributes {dimension_semantics = [#tpu.dimension_semantics<core_parallel>, #tpu.dimension_semantics<subcore_parallel>], iteration_bounds = array<i64: 2, 16>, scalar_prefetch = 0 : i64, scratch_operands = 8 : i64, tpu.core_type = #tpu.core_type<sc_vector_subcore>, window_params = [{transform_indices = #map}, {transform_indices = #map1}, {transform_indices = #map1}, {transform_indices = #map1}, {transform_indices = #map2}, {transform_indices = #map2}, {transform_indices = #map1}]} {
    %mul3A = arith.constant 2 : i32
    %mul3A_0 = arith.muli %arg1, %mul3A : i32
    %add3A = arith.addi %mul3A_0, %arg0 : i32
    %mul3A_1 = arith.constant 6400 : i32
    %mul3A_2 = arith.muli %add3A, %mul3A_1 : i32
    "tpu.region"() ({
      %run_scoped3A = tpu.sem_alloc : memref<!tpu.dma_semaphore, #tpu.memory_space<semaphore_mem>>
      tpu.enqueue_dma source(%arg6 : memref<128xf32, #tpu.memory_space<hbm>>) target(%arg11 : memref<128xf32, #tpu.memory_space<vmem>>) target_semaphore(%run_scoped3A : memref<!tpu.dma_semaphore, #tpu.memory_space<semaphore_mem>>)
      tpu.wait_dma2 semaphore(%run_scoped3A : memref<!tpu.dma_semaphore, #tpu.memory_space<semaphore_mem>>) src(%arg6 : memref<128xf32, #tpu.memory_space<hbm>>) dst(%arg11 : memref<128xf32, #tpu.memory_space<vmem>>)
      tpu.yield
    }) : () -> ()
    "tpu.region"() ({
      %run_scoped3A = tpu.sem_alloc : memref<!tpu.dma_semaphore, #tpu.memory_space<semaphore_mem>>
      tpu.enqueue_dma source(%arg7 : memref<128xf32, #tpu.memory_space<hbm>>) target(%arg12 : memref<128xf32, #tpu.memory_space<vmem>>) target_semaphore(%run_scoped3A : memref<!tpu.dma_semaphore, #tpu.memory_space<semaphore_mem>>)
      tpu.wait_dma2 semaphore(%run_scoped3A : memref<!tpu.dma_semaphore, #tpu.memory_space<semaphore_mem>>) src(%arg7 : memref<128xf32, #tpu.memory_space<hbm>>) dst(%arg12 : memref<128xf32, #tpu.memory_space<vmem>>)
      tpu.yield
    }) : () -> ()
    %get3A = arith.constant 0 : index
    %get3A_3 = tpu.vector_load %arg11[%get3A] {strides = array<i32>} : memref<128xf32, #tpu.memory_space<vmem>>, vector<16xf32>,
    %get3A_4 = vector.shape_cast %get3A_3 : vector<16xf32> to vector<16xf32>
    %get3A_5 = arith.constant 16 : index
    %get3A_6 = tpu.vector_load %arg11[%get3A_5] {strides = array<i32>} : memref<128xf32, #tpu.memory_space<vmem>>, vector<16xf32>,
    %get3A_7 = vector.shape_cast %get3A_6 : vector<16xf32> to vector<16xf32>
    %get3A_8 = arith.constant 32 : index
    %get3A_9 = tpu.vector_load %arg11[%get3A_8] {strides = array<i32>} : memref<128xf32, #tpu.memory_space<vmem>>, vector<16xf32>,
    %get3A_10 = vector.shape_cast %get3A_9 : vector<16xf32> to vector<16xf32>
    %get3A_11 = arith.constant 48 : index
    %get3A_12 = tpu.vector_load %arg11[%get3A_11] {strides = array<i32>} : memref<128xf32, #tpu.memory_space<vmem>>, vector<16xf32>,
    %get3A_13 = vector.shape_cast %get3A_12 : vector<16xf32> to vector<16xf32>
    %get3A_14 = arith.constant 64 : index
    %get3A_15 = tpu.vector_load %arg11[%get3A_14] {strides = array<i32>} : memref<128xf32, #tpu.memory_space<vmem>>, vector<16xf32>,
    %get3A_16 = vector.shape_cast %get3A_15 : vector<16xf32> to vector<16xf32>
    %get3A_17 = arith.constant 80 : index
    %get3A_18 = tpu.vector_load %arg11[%get3A_17] {strides = array<i32>} : memref<128xf32, #tpu.memory_space<vmem>>, vector<16xf32>,
    %get3A_19 = vector.shape_cast %get3A_18 : vector<16xf32> to vector<16xf32>
    %get3A_20 = arith.constant 96 : index
    %get3A_21 = tpu.vector_load %arg11[%get3A_20] {strides = array<i32>} : memref<128xf32, #tpu.memory_space<vmem>>, vector<16xf32>,
    %get3A_22 = vector.shape_cast %get3A_21 : vector<16xf32> to vector<16xf32>
    %get3A_23 = arith.constant 112 : index
    %get3A_24 = tpu.vector_load %arg11[%get3A_23] {strides = array<i32>} : memref<128xf32, #tpu.memory_space<vmem>>, vector<16xf32>,
    %get3A_25 = vector.shape_cast %get3A_24 : vector<16xf32> to vector<16xf32>
    %get3A_26 = arith.constant 0 : index
    %get3A_27 = tpu.vector_load %arg12[%get3A_26] {strides = array<i32>} : memref<128xf32, #tpu.memory_space<vmem>>, vector<16xf32>,
    %get3A_28 = vector.shape_cast %get3A_27 : vector<16xf32> to vector<16xf32>
    %get3A_29 = arith.constant 16 : index
    %get3A_30 = tpu.vector_load %arg12[%get3A_29] {strides = array<i32>} : memref<128xf32, #tpu.memory_space<vmem>>, vector<16xf32>,
    %get3A_31 = vector.shape_cast %get3A_30 : vector<16xf32> to vector<16xf32>
    %get3A_32 = arith.constant 32 : index
    %get3A_33 = tpu.vector_load %arg12[%get3A_32] {strides = array<i32>} : memref<128xf32, #tpu.memory_space<vmem>>, vector<16xf32>,
    %get3A_34 = vector.shape_cast %get3A_33 : vector<16xf32> to vector<16xf32>
    %get3A_35 = arith.constant 48 : index
    %get3A_36 = tpu.vector_load %arg12[%get3A_35] {strides = array<i32>} : memref<128xf32, #tpu.memory_space<vmem>>, vector<16xf32>,
    %get3A_37 = vector.shape_cast %get3A_36 : vector<16xf32> to vector<16xf32>
    %get3A_38 = arith.constant 64 : index
    %get3A_39 = tpu.vector_load %arg12[%get3A_38] {strides = array<i32>} : memref<128xf32, #tpu.memory_space<vmem>>, vector<16xf32>,
    %get3A_40 = vector.shape_cast %get3A_39 : vector<16xf32> to vector<16xf32>
    %get3A_41 = arith.constant 80 : index
    %get3A_42 = tpu.vector_load %arg12[%get3A_41] {strides = array<i32>} : memref<128xf32, #tpu.memory_space<vmem>>, vector<16xf32>,
    %get3A_43 = vector.shape_cast %get3A_42 : vector<16xf32> to vector<16xf32>
    %get3A_44 = arith.constant 96 : index
    %get3A_45 = tpu.vector_load %arg12[%get3A_44] {strides = array<i32>} : memref<128xf32, #tpu.memory_space<vmem>>, vector<16xf32>,
    %get3A_46 = vector.shape_cast %get3A_45 : vector<16xf32> to vector<16xf32>
    %get3A_47 = arith.constant 112 : index
    %get3A_48 = tpu.vector_load %arg12[%get3A_47] {strides = array<i32>} : memref<128xf32, #tpu.memory_space<vmem>>, vector<16xf32>,
    %get3A_49 = vector.shape_cast %get3A_48 : vector<16xf32> to vector<16xf32>
    %dma_start3A = arith.constant 0 : i32
    %dma_start3A_50 = arith.constant 0 : i32
    %dma_start3A_51 = arith.constant 0 : i32
    %dma_start3A_52 = arith.constant 0 : i32
    %dma_start3A_53 = arith.constant 0 : i32
    %dma_start3A_54 = tpu.memref_slice %arg9[%dma_start3A_50, %dma_start3A_52, %dma_start3A_53] : memref<6x3x80xi32, #tpu.memory_space<vmem>> -> memref<1x3x80xi32, #tpu.memory_space<vmem>>
    %dma_start3A_55 = tpu.memref_squeeze %dma_start3A_54 : memref<1x3x80xi32, #tpu.memory_space<vmem>> -> memref<3x80xi32, #tpu.memory_space<vmem>>
    %dma_start3A_56 = arith.constant 0 : i32
    %dma_start3A_57 = arith.constant 0 : i32
    %dma_start3A_58 = tpu.memref_slice %arg2[%add3A, %dma_start3A, %dma_start3A_56, %dma_start3A_57] : memref<32x80x3x80xi32, #tpu.memory_space<hbm>> -> memref<1x1x3x80xi32, #tpu.memory_space<hbm>>
    %dma_start3A_59 = tpu.memref_squeeze %dma_start3A_58 : memref<1x1x3x80xi32, #tpu.memory_space<hbm>> -> memref<3x80xi32, #tpu.memory_space<hbm>>
    %dma_start3A_60 = tpu.memref_slice %arg13[%dma_start3A_51] : memref<6x!tpu.dma_semaphore, #tpu.memory_space<semaphore_mem>> -> memref<1x!tpu.dma_semaphore, #tpu.memory_space<semaphore_mem>>
    %dma_start3A_61 = tpu.memref_squeeze %dma_start3A_60 : memref<1x!tpu.dma_semaphore, #tpu.memory_space<semaphore_mem>> -> memref<!tpu.dma_semaphore, #tpu.memory_space<semaphore_mem>>
    %dma_start3A_62 = arith.constant 0 : i32
    %dma_start3A_63 = arith.constant 0 : i32
    %dma_start3A_64 = tpu.memref_slice %arg9[%dma_start3A_50, %dma_start3A_62, %dma_start3A_63] : memref<6x3x80xi32, #tpu.memory_space<vmem>> -> memref<1x3x80xi32, #tpu.memory_space<vmem>>
    %dma_start3A_65 = tpu.memref_squeeze %dma_start3A_64 : memref<1x3x80xi32, #tpu.memory_space<vmem>> -> memref<3x80xi32, #tpu.memory_space<vmem>>
    %dma_start3A_66 = arith.constant 0 : i32
    %dma_start3A_67 = arith.constant 0 : i32
    %dma_start3A_68 = tpu.memref_slice %arg2[%add3A, %dma_start3A, %dma_start3A_66, %dma_start3A_67] : memref<32x80x3x80xi32, #tpu.memory_space<hbm>> -> memref<1x1x3x80xi32, #tpu.memory_space<hbm>>
    %dma_start3A_69 = tpu.memref_squeeze %dma_start3A_68 : memref<1x1x3x80xi32, #tpu.memory_space<hbm>> -> memref<3x80xi32, #tpu.memory_space<hbm>>
    tpu.enqueue_dma source(%dma_start3A_69 : memref<3x80xi32, #tpu.memory_space<hbm>>) target(%dma_start3A_65 : memref<3x80xi32, #tpu.memory_space<vmem>>) target_semaphore(%dma_start3A_61 : memref<!tpu.dma_semaphore, #tpu.memory_space<semaphore_mem>>)
    %dma_start3A_70 = arith.constant 1 : i32
    %dma_start3A_71 = arith.constant 1 : i32
    %dma_start3A_72 = arith.constant 1 : i32
    %dma_start3A_73 = arith.constant 0 : i32
    %dma_start3A_74 = arith.constant 0 : i32
    %dma_start3A_75 = tpu.memref_slice %arg9[%dma_start3A_71, %dma_start3A_73, %dma_start3A_74] : memref<6x3x80xi32, #tpu.memory_space<vmem>> -> memref<1x3x80xi32, #tpu.memory_space<vmem>>
    %dma_start3A_76 = tpu.memref_squeeze %dma_start3A_75 : memref<1x3x80xi32, #tpu.memory_space<vmem>> -> memref<3x80xi32, #tpu.memory_space<vmem>>
    %dma_start3A_77 = arith.constant 0 : i32
    %dma_start3A_78 = arith.constant 0 : i32
    %dma_start3A_79 = tpu.memref_slice %arg2[%add3A, %dma_start3A_70, %dma_start3A_77, %dma_start3A_78] : memref<32x80x3x80xi32, #tpu.memory_space<hbm>> -> memref<1x1x3x80xi32, #tpu.memory_space<hbm>>
    %dma_start3A_80 = tpu.memref_squeeze %dma_start3A_79 : memref<1x1x3x80xi32, #tpu.memory_space<hbm>> -> memref<3x80xi32, #tpu.memory_space<hbm>>
    %dma_start3A_81 = tpu.memref_slice %arg13[%dma_start3A_72] : memref<6x!tpu.dma_semaphore, #tpu.memory_space<semaphore_mem>> -> memref<1x!tpu.dma_semaphore, #tpu.memory_space<semaphore_mem>>
    %dma_start3A_82 = tpu.memref_squeeze %dma_start3A_81 : memref<1x!tpu.dma_semaphore, #tpu.memory_space<semaphore_mem>> -> memref<!tpu.dma_semaphore, #tpu.memory_space<semaphore_mem>>
    %dma_start3A_83 = arith.constant 0 : i32
    %dma_start3A_84 = arith.constant 0 : i32
    %dma_start3A_85 = tpu.memref_slice %arg9[%dma_start3A_71, %dma_start3A_83, %dma_start3A_84] : memref<6x3x80xi32, #tpu.memory_space<vmem>> -> memref<1x3x80xi32, #tpu.memory_space<vmem>>
    %dma_start3A_86 = tpu.memref_squeeze %dma_start3A_85 : memref<1x3x80xi32, #tpu.memory_space<vmem>> -> memref<3x80xi32, #tpu.memory_space<vmem>>
    %dma_start3A_87 = arith.constant 0 : i32
    %dma_start3A_88 = arith.constant 0 : i32
    %dma_start3A_89 = tpu.memref_slice %arg2[%add3A, %dma_start3A_70, %dma_start3A_87, %dma_start3A_88] : memref<32x80x3x80xi32, #tpu.memory_space<hbm>> -> memref<1x1x3x80xi32, #tpu.memory_space<hbm>>
    %dma_start3A_90 = tpu.memref_squeeze %dma_start3A_89 : memref<1x1x3x80xi32, #tpu.memory_space<hbm>> -> memref<3x80xi32, #tpu.memory_space<hbm>>
    tpu.enqueue_dma source(%dma_start3A_90 : memref<3x80xi32, #tpu.memory_space<hbm>>) target(%dma_start3A_86 : memref<3x80xi32, #tpu.memory_space<vmem>>) target_semaphore(%dma_start3A_82 : memref<!tpu.dma_semaphore, #tpu.memory_space<semaphore_mem>>)
    %dma_start3A_91 = arith.constant 2 : i32
    %dma_start3A_92 = arith.constant 2 : i32
    %dma_start3A_93 = arith.constant 2 : i32
    %dma_start3A_94 = arith.constant 0 : i32
    %dma_start3A_95 = arith.constant 0 : i32
    %dma_start3A_96 = tpu.memref_slice %arg9[%dma_start3A_92, %dma_start3A_94, %dma_start3A_95] : memref<6x3x80xi32, #tpu.memory_space<vmem>> -> memref<1x3x80xi32, #tpu.memory_space<vmem>>
    %dma_start3A_97 = tpu.memref_squeeze %dma_start3A_96 : memref<1x3x80xi32, #tpu.memory_space<vmem>> -> memref<3x80xi32, #tpu.memory_space<vmem>>
    %dma_start3A_98 = arith.constant 0 : i32
    %dma_start3A_99 = arith.constant 0 : i32
    %dma_start3A_100 = tpu.memref_slice %arg2[%add3A, %dma_start3A_91, %dma_start3A_98, %dma_start3A_99] : memref<32x80x3x80xi32, #tpu.memory_space<hbm>> -> memref<1x1x3x80xi32, #tpu.memory_space<hbm>>
    %dma_start3A_101 = tpu.memref_squeeze %dma_start3A_100 : memref<1x1x3x80xi32, #tpu.memory_space<hbm>> -> memref<3x80xi32, #tpu.memory_space<hbm>>
    %dma_start3A_102 = tpu.memref_slice %arg13[%dma_start3A_93] : memref<6x!tpu.dma_semaphore, #tpu.memory_space<semaphore_mem>> -> memref<1x!tpu.dma_semaphore, #tpu.memory_space<semaphore_mem>>
    %dma_start3A_103 = tpu.memref_squeeze %dma_start3A_102 : memref<1x!tpu.dma_semaphore, #tpu.memory_space<semaphore_mem>> -> memref<!tpu.dma_semaphore, #tpu.memory_space<semaphore_mem>>
    %dma_start3A_104 = arith.constant 0 : i32
    %dma_start3A_105 = arith.constant 0 : i32
    %dma_start3A_106 = tpu.memref_slice %arg9[%dma_start3A_92, %dma_start3A_104, %dma_start3A_105] : memref<6x3x80xi32, #tpu.memory_space<vmem>> -> memref<1x3x80xi32, #tpu.memory_space<vmem>>
    %dma_start3A_107 = tpu.memref_squeeze %dma_start3A_106 : memref<1x3x80xi32, #tpu.memory_space<vmem>> -> memref<3x80xi32, #tpu.memory_space<vmem>>
    %dma_start3A_108 = arith.constant 0 : i32
    %dma_start3A_109 = arith.constant 0 : i32
    %dma_start3A_110 = tpu.memref_slice %arg2[%add3A, %dma_start3A_91, %dma_start3A_108, %dma_start3A_109] : memref<32x80x3x80xi32, #tpu.memory_space<hbm>> -> memref<1x1x3x80xi32, #tpu.memory_space<hbm>>
    %dma_start3A_111 = tpu.memref_squeeze %dma_start3A_110 : memref<1x1x3x80xi32, #tpu.memory_space<hbm>> -> memref<3x80xi32, #tpu.memory_space<hbm>>
    tpu.enqueue_dma source(%dma_start3A_111 : memref<3x80xi32, #tpu.memory_space<hbm>>) target(%dma_start3A_107 : memref<3x80xi32, #tpu.memory_space<vmem>>) target_semaphore(%dma_start3A_103 : memref<!tpu.dma_semaphore, #tpu.memory_space<semaphore_mem>>)
    %dma_start3A_112 = arith.constant 3 : i32
    %dma_start3A_113 = arith.constant 3 : i32
    %dma_start3A_114 = arith.constant 3 : i32
    %dma_start3A_115 = arith.constant 0 : i32
    %dma_start3A_116 = arith.constant 0 : i32
    %dma_start3A_117 = tpu.memref_slice %arg9[%dma_start3A_113, %dma_start3A_115, %dma_start3A_116] : memref<6x3x80xi32, #tpu.memory_space<vmem>> -> memref<1x3x80xi32, #tpu.memory_space<vmem>>
    %dma_start3A_118 = tpu.memref_squeeze %dma_start3A_117 : memref<1x3x80xi32, #tpu.memory_space<vmem>> -> memref<3x80xi32, #tpu.memory_space<vmem>>
    %dma_start3A_119 = arith.constant 0 : i32
    %dma_start3A_120 = arith.constant 0 : i32
    %dma_start3A_121 = tpu.memref_slice %arg2[%add3A, %dma_start3A_112, %dma_start3A_119, %dma_start3A_120] : memref<32x80x3x80xi32, #tpu.memory_space<hbm>> -> memref<1x1x3x80xi32, #tpu.memory_space<hbm>>
    %dma_start3A_122 = tpu.memref_squeeze %dma_start3A_121 : memref<1x1x3x80xi32, #tpu.memory_space<hbm>> -> memref<3x80xi32, #tpu.memory_space<hbm>>
    %dma_start3A_123 = tpu.memref_slice %arg13[%dma_start3A_114] : memref<6x!tpu.dma_semaphore, #tpu.memory_space<semaphore_mem>> -> memref<1x!tpu.dma_semaphore, #tpu.memory_space<semaphore_mem>>
    %dma_start3A_124 = tpu.memref_squeeze %dma_start3A_123 : memref<1x!tpu.dma_semaphore, #tpu.memory_space<semaphore_mem>> -> memref<!tpu.dma_semaphore, #tpu.memory_space<semaphore_mem>>
    %dma_start3A_125 = arith.constant 0 : i32
    %dma_start3A_126 = arith.constant 0 : i32
    %dma_start3A_127 = tpu.memref_slice %arg9[%dma_start3A_113, %dma_start3A_125, %dma_start3A_126] : memref<6x3x80xi32, #tpu.memory_space<vmem>> -> memref<1x3x80xi32, #tpu.memory_space<vmem>>
    %dma_start3A_128 = tpu.memref_squeeze %dma_start3A_127 : memref<1x3x80xi32, #tpu.memory_space<vmem>> -> memref<3x80xi32, #tpu.memory_space<vmem>>
    %dma_start3A_129 = arith.constant 0 : i32
    %dma_start3A_130 = arith.constant 0 : i32
    %dma_start3A_131 = tpu.memref_slice %arg2[%add3A, %dma_start3A_112, %dma_start3A_129, %dma_start3A_130] : memref<32x80x3x80xi32, #tpu.memory_space<hbm>> -> memref<1x1x3x80xi32, #tpu.memory_space<hbm>>
    %dma_start3A_132 = tpu.memref_squeeze %dma_start3A_131 : memref<1x1x3x80xi32, #tpu.memory_space<hbm>> -> memref<3x80xi32, #tpu.memory_space<hbm>>
    tpu.enqueue_dma source(%dma_start3A_132 : memref<3x80xi32, #tpu.memory_space<hbm>>) target(%dma_start3A_128 : memref<3x80xi32, #tpu.memory_space<vmem>>) target_semaphore(%dma_start3A_124 : memref<!tpu.dma_semaphore, #tpu.memory_space<semaphore_mem>>)
    %dma_wait3A = arith.constant 0 : i32
    %dma_wait3A_133 = arith.constant 0 : i32
    %dma_wait3A_134 = arith.constant 0 : i32
    %dma_wait3A_135 = arith.constant 0 : i32
    %dma_wait3A_136 = arith.constant 0 : i32
    %dma_wait3A_137 = tpu.memref_slice %arg9[%dma_wait3A_133, %dma_wait3A_135, %dma_wait3A_136] : memref<6x3x80xi32, #tpu.memory_space<vmem>> -> memref<1x3x80xi32, #tpu.memory_space<vmem>>
    %dma_wait3A_138 = tpu.memref_squeeze %dma_wait3A_137 : memref<1x3x80xi32, #tpu.memory_space<vmem>> -> memref<3x80xi32, #tpu.memory_space<vmem>>
    %dma_wait3A_139 = arith.constant 0 : i32
    %dma_wait3A_140 = arith.constant 0 : i32
    %dma_wait3A_141 = tpu.memref_slice %arg2[%add3A, %dma_wait3A, %dma_wait3A_139, %dma_wait3A_140] : memref<32x80x3x80xi32, #tpu.memory_space<hbm>> -> memref<1x1x3x80xi32, #tpu.memory_space<hbm>>
    %dma_wait3A_142 = tpu.memref_squeeze %dma_wait3A_141 : memref<1x1x3x80xi32, #tpu.memory_space<hbm>> -> memref<3x80xi32, #tpu.memory_space<hbm>>
    %dma_wait3A_143 = tpu.memref_slice %arg13[%dma_wait3A_134] : memref<6x!tpu.dma_semaphore, #tpu.memory_space<semaphore_mem>> -> memref<1x!tpu.dma_semaphore, #tpu.memory_space<semaphore_mem>>
    %dma_wait3A_144 = tpu.memref_squeeze %dma_wait3A_143 : memref<1x!tpu.dma_semaphore, #tpu.memory_space<semaphore_mem>> -> memref<!tpu.dma_semaphore, #tpu.memory_space<semaphore_mem>>
    %dma_wait3A_145 = arith.constant 0 : i32
    %dma_wait3A_146 = arith.constant 0 : i32
    %dma_wait3A_147 = tpu.memref_slice %arg9[%dma_wait3A_133, %dma_wait3A_145, %dma_wait3A_146] : memref<6x3x80xi32, #tpu.memory_space<vmem>> -> memref<1x3x80xi32, #tpu.memory_space<vmem>>
    %dma_wait3A_148 = tpu.memref_squeeze %dma_wait3A_147 : memref<1x3x80xi32, #tpu.memory_space<vmem>> -> memref<3x80xi32, #tpu.memory_space<vmem>>
    %dma_wait3A_149 = arith.constant 0 : i32
    %dma_wait3A_150 = arith.constant 0 : i32
    %dma_wait3A_151 = tpu.memref_slice %arg2[%add3A, %dma_wait3A, %dma_wait3A_149, %dma_wait3A_150] : memref<32x80x3x80xi32, #tpu.memory_space<hbm>> -> memref<1x1x3x80xi32, #tpu.memory_space<hbm>>
    %dma_wait3A_152 = tpu.memref_squeeze %dma_wait3A_151 : memref<1x1x3x80xi32, #tpu.memory_space<hbm>> -> memref<3x80xi32, #tpu.memory_space<hbm>>
    tpu.wait_dma2 semaphore(%dma_wait3A_144 : memref<!tpu.dma_semaphore, #tpu.memory_space<semaphore_mem>>) src(%dma_wait3A_152 : memref<3x80xi32, #tpu.memory_space<hbm>>) dst(%dma_wait3A_148 : memref<3x80xi32, #tpu.memory_space<vmem>>)
    %dma_start3A_153 = arith.constant 0 : i32
    %dma_start3A_154 = arith.constant 0 : i32
    %dma_start3A_155 = arith.constant 0 : i32
    %dma_start3A_156 = arith.constant 0 : i32
    %dma_start3A_157 = arith.constant 0 : i32
    %dma_start3A_158 = arith.constant 0 : i32
    %dma_start3A_159 = tpu.memref_slice %arg10[%dma_start3A_155, %dma_start3A_157, %dma_start3A_158] : memref<6x80x128xf32, #tpu.memory_space<vmem>> -> memref<1x80x128xf32, #tpu.memory_space<vmem>>
    %dma_start3A_160 = tpu.memref_squeeze %dma_start3A_159 : memref<1x80x128xf32, #tpu.memory_space<vmem>> -> memref<80x128xf32, #tpu.memory_space<vmem>>
    %dma_start3A_161 = arith.constant 0 : i32
    %dma_start3A_162 = tpu.memref_slice %arg9[%dma_start3A_153, %dma_start3A_154, %dma_start3A_161] : memref<6x3x80xi32, #tpu.memory_space<vmem>> -> memref<1x1x80xi32, #tpu.memory_space<vmem>>
    %dma_start3A_163 = tpu.memref_squeeze %dma_start3A_162 : memref<1x1x80xi32, #tpu.memory_space<vmem>> -> memref<80xi32, #tpu.memory_space<vmem>>
    %dma_start3A_164 = arith.constant 0 : i32
    %dma_start3A_165 = arith.constant 0 : i32
    %dma_start3A_166 = tpu.memref_slice %arg3[%dma_start3A_164, %dma_start3A_165] : memref<100000x128xf32, #tpu.memory_space<hbm>> -> memref<100000x128xf32, #tpu.memory_space<hbm>>
    %dma_start3A_167 = tpu.memref_slice %arg14[%dma_start3A_156] : memref<6x!tpu.dma_semaphore, #tpu.memory_space<semaphore_mem>> -> memref<1x!tpu.dma_semaphore, #tpu.memory_space<semaphore_mem>>
    %dma_start3A_168 = tpu.memref_squeeze %dma_start3A_167 : memref<1x!tpu.dma_semaphore, #tpu.memory_space<semaphore_mem>> -> memref<!tpu.dma_semaphore, #tpu.memory_space<semaphore_mem>>
    tpu.enqueue_indirect_dma source(%dma_start3A_166 : memref<100000x128xf32, #tpu.memory_space<hbm>>) target(%dma_start3A_160 : memref<80x128xf32, #tpu.memory_space<vmem>>) offsets(%dma_start3A_163 : memref<80xi32, #tpu.memory_space<vmem>>) semaphore(%dma_start3A_168 : memref<!tpu.dma_semaphore, #tpu.memory_space<semaphore_mem>>)
    %dma_wait3A_169 = arith.constant 0 : i32
    %dma_wait3A_170 = arith.constant 1 : i32
    %dma_wait3A_171 = arith.constant 1 : i32
    %dma_wait3A_172 = arith.constant 0 : i32
    %dma_wait3A_173 = arith.constant 0 : i32
    %dma_wait3A_174 = tpu.memref_slice %arg9[%dma_wait3A_170, %dma_wait3A_172, %dma_wait3A_173] : memref<6x3x80xi32, #tpu.memory_space<vmem>> -> memref<1x3x80xi32, #tpu.memory_space<vmem>>
    %dma_wait3A_175 = tpu.memref_squeeze %dma_wait3A_174 : memref<1x3x80xi32, #tpu.memory_space<vmem>> -> memref<3x80xi32, #tpu.memory_space<vmem>>
    %dma_wait3A_176 = arith.constant 0 : i32
    %dma_wait3A_177 = arith.constant 0 : i32
    %dma_wait3A_178 = tpu.memref_slice %arg2[%add3A, %dma_wait3A_169, %dma_wait3A_176, %dma_wait3A_177] : memref<32x80x3x80xi32, #tpu.memory_space<hbm>> -> memref<1x1x3x80xi32, #tpu.memory_space<hbm>>
    %dma_wait3A_179 = tpu.memref_squeeze %dma_wait3A_178 : memref<1x1x3x80xi32, #tpu.memory_space<hbm>> -> memref<3x80xi32, #tpu.memory_space<hbm>>
    %dma_wait3A_180 = tpu.memref_slice %arg13[%dma_wait3A_171] : memref<6x!tpu.dma_semaphore, #tpu.memory_space<semaphore_mem>> -> memref<1x!tpu.dma_semaphore, #tpu.memory_space<semaphore_mem>>
    %dma_wait3A_181 = tpu.memref_squeeze %dma_wait3A_180 : memref<1x!tpu.dma_semaphore, #tpu.memory_space<semaphore_mem>> -> memref<!tpu.dma_semaphore, #tpu.memory_space<semaphore_mem>>
    %dma_wait3A_182 = arith.constant 0 : i32
    %dma_wait3A_183 = arith.constant 0 : i32
    %dma_wait3A_184 = tpu.memref_slice %arg9[%dma_wait3A_170, %dma_wait3A_182, %dma_wait3A_183] : memref<6x3x80xi32, #tpu.memory_space<vmem>> -> memref<1x3x80xi32, #tpu.memory_space<vmem>>
    %dma_wait3A_185 = tpu.memref_squeeze %dma_wait3A_184 : memref<1x3x80xi32, #tpu.memory_space<vmem>> -> memref<3x80xi32, #tpu.memory_space<vmem>>
    %dma_wait3A_186 = arith.constant 0 : i32
    %dma_wait3A_187 = arith.constant 0 : i32
    %dma_wait3A_188 = tpu.memref_slice %arg2[%add3A, %dma_wait3A_169, %dma_wait3A_186, %dma_wait3A_187] : memref<32x80x3x80xi32, #tpu.memory_space<hbm>> -> memref<1x1x3x80xi32, #tpu.memory_space<hbm>>
    %dma_wait3A_189 = tpu.memref_squeeze %dma_wait3A_188 : memref<1x1x3x80xi32, #tpu.memory_space<hbm>> -> memref<3x80xi32, #tpu.memory_space<hbm>>
    tpu.wait_dma2 semaphore(%dma_wait3A_181 : memref<!tpu.dma_semaphore, #tpu.memory_space<semaphore_mem>>) src(%dma_wait3A_189 : memref<3x80xi32, #tpu.memory_space<hbm>>) dst(%dma_wait3A_185 : memref<3x80xi32, #tpu.memory_space<vmem>>)
    %dma_start3A_190 = arith.constant 1 : i32
    %dma_start3A_191 = arith.constant 0 : i32
    %dma_start3A_192 = arith.constant 1 : i32
    %dma_start3A_193 = arith.constant 1 : i32
    %dma_start3A_194 = arith.constant 0 : i32
    %dma_start3A_195 = arith.constant 0 : i32
    %dma_start3A_196 = tpu.memref_slice %arg10[%dma_start3A_192, %dma_start3A_194, %dma_start3A_195] : memref<6x80x128xf32, #tpu.memory_space<vmem>> -> memref<1x80x128xf32, #tpu.memory_space<vmem>>
    %dma_start3A_197 = tpu.memref_squeeze %dma_start3A_196 : memref<1x80x128xf32, #tpu.memory_space<vmem>> -> memref<80x128xf32, #tpu.memory_space<vmem>>
    %dma_start3A_198 = arith.constant 0 : i32
    %dma_start3A_199 = tpu.memref_slice %arg9[%dma_start3A_190, %dma_start3A_191, %dma_start3A_198] : memref<6x3x80xi32, #tpu.memory_space<vmem>> -> memref<1x1x80xi32, #tpu.memory_space<vmem>>
    %dma_start3A_200 = tpu.memref_squeeze %dma_start3A_199 : memref<1x1x80xi32, #tpu.memory_space<vmem>> -> memref<80xi32, #tpu.memory_space<vmem>>
    %dma_start3A_201 = arith.constant 0 : i32
    %dma_start3A_202 = arith.constant 0 : i32
    %dma_start3A_203 = tpu.memref_slice %arg3[%dma_start3A_201, %dma_start3A_202] : memref<100000x128xf32, #tpu.memory_space<hbm>> -> memref<100000x128xf32, #tpu.memory_space<hbm>>
    %dma_start3A_204 = tpu.memref_slice %arg14[%dma_start3A_193] : memref<6x!tpu.dma_semaphore, #tpu.memory_space<semaphore_mem>> -> memref<1x!tpu.dma_semaphore, #tpu.memory_space<semaphore_mem>>
    %dma_start3A_205 = tpu.memref_squeeze %dma_start3A_204 : memref<1x!tpu.dma_semaphore, #tpu.memory_space<semaphore_mem>> -> memref<!tpu.dma_semaphore, #tpu.memory_space<semaphore_mem>>
    tpu.enqueue_indirect_dma source(%dma_start3A_203 : memref<100000x128xf32, #tpu.memory_space<hbm>>) target(%dma_start3A_197 : memref<80x128xf32, #tpu.memory_space<vmem>>) offsets(%dma_start3A_200 : memref<80xi32, #tpu.memory_space<vmem>>) semaphore(%dma_start3A_205 : memref<!tpu.dma_semaphore, #tpu.memory_space<semaphore_mem>>)
    %dma_wait3A_206 = arith.constant 0 : i32
    %dma_wait3A_207 = arith.constant 2 : i32
    %dma_wait3A_208 = arith.constant 2 : i32
    %dma_wait3A_209 = arith.constant 0 : i32
    %dma_wait3A_210 = arith.constant 0 : i32
    %dma_wait3A_211 = tpu.memref_slice %arg9[%dma_wait3A_207, %dma_wait3A_209, %dma_wait3A_210] : memref<6x3x80xi32, #tpu.memory_space<vmem>> -> memref<1x3x80xi32, #tpu.memory_space<vmem>>
    %dma_wait3A_212 = tpu.memref_squeeze %dma_wait3A_211 : memref<1x3x80xi32, #tpu.memory_space<vmem>> -> memref<3x80xi32, #tpu.memory_space<vmem>>
    %dma_wait3A_213 = arith.constant 0 : i32
    %dma_wait3A_214 = arith.constant 0 : i32
    %dma_wait3A_215 = tpu.memref_slice %arg2[%add3A, %dma_wait3A_206, %dma_wait3A_213, %dma_wait3A_214] : memref<32x80x3x80xi32, #tpu.memory_space<hbm>> -> memref<1x1x3x80xi32, #tpu.memory_space<hbm>>
    %dma_wait3A_216 = tpu.memref_squeeze %dma_wait3A_215 : memref<1x1x3x80xi32, #tpu.memory_space<hbm>> -> memref<3x80xi32, #tpu.memory_space<hbm>>
    %dma_wait3A_217 = tpu.memref_slice %arg13[%dma_wait3A_208] : memref<6x!tpu.dma_semaphore, #tpu.memory_space<semaphore_mem>> -> memref<1x!tpu.dma_semaphore, #tpu.memory_space<semaphore_mem>>
    %dma_wait3A_218 = tpu.memref_squeeze %dma_wait3A_217 : memref<1x!tpu.dma_semaphore, #tpu.memory_space<semaphore_mem>> -> memref<!tpu.dma_semaphore, #tpu.memory_space<semaphore_mem>>
    %dma_wait3A_219 = arith.constant 0 : i32
    %dma_wait3A_220 = arith.constant 0 : i32
    %dma_wait3A_221 = tpu.memref_slice %arg9[%dma_wait3A_207, %dma_wait3A_219, %dma_wait3A_220] : memref<6x3x80xi32, #tpu.memory_space<vmem>> -> memref<1x3x80xi32, #tpu.memory_space<vmem>>
    %dma_wait3A_222 = tpu.memref_squeeze %dma_wait3A_221 : memref<1x3x80xi32, #tpu.memory_space<vmem>> -> memref<3x80xi32, #tpu.memory_space<vmem>>
    %dma_wait3A_223 = arith.constant 0 : i32
    %dma_wait3A_224 = arith.constant 0 : i32
    %dma_wait3A_225 = tpu.memref_slice %arg2[%add3A, %dma_wait3A_206, %dma_wait3A_223, %dma_wait3A_224] : memref<32x80x3x80xi32, #tpu.memory_space<hbm>> -> memref<1x1x3x80xi32, #tpu.memory_space<hbm>>
    %dma_wait3A_226 = tpu.memref_squeeze %dma_wait3A_225 : memref<1x1x3x80xi32, #tpu.memory_space<hbm>> -> memref<3x80xi32, #tpu.memory_space<hbm>>
    tpu.wait_dma2 semaphore(%dma_wait3A_218 : memref<!tpu.dma_semaphore, #tpu.memory_space<semaphore_mem>>) src(%dma_wait3A_226 : memref<3x80xi32, #tpu.memory_space<hbm>>) dst(%dma_wait3A_222 : memref<3x80xi32, #tpu.memory_space<vmem>>)
    %dma_start3A_227 = arith.constant 2 : i32
    %dma_start3A_228 = arith.constant 0 : i32
    %dma_start3A_229 = arith.constant 2 : i32
    %dma_start3A_230 = arith.constant 2 : i32
    %dma_start3A_231 = arith.constant 0 : i32
    %dma_start3A_232 = arith.constant 0 : i32
    %dma_start3A_233 = tpu.memref_slice %arg10[%dma_start3A_229, %dma_start3A_231, %dma_start3A_232] : memref<6x80x128xf32, #tpu.memory_space<vmem>> -> memref<1x80x128xf32, #tpu.memory_space<vmem>>
    %dma_start3A_234 = tpu.memref_squeeze %dma_start3A_233 : memref<1x80x128xf32, #tpu.memory_space<vmem>> -> memref<80x128xf32, #tpu.memory_space<vmem>>
    %dma_start3A_235 = arith.constant 0 : i32
    %dma_start3A_236 = tpu.memref_slice %arg9[%dma_start3A_227, %dma_start3A_228, %dma_start3A_235] : memref<6x3x80xi32, #tpu.memory_space<vmem>> -> memref<1x1x80xi32, #tpu.memory_space<vmem>>
    %dma_start3A_237 = tpu.memref_squeeze %dma_start3A_236 : memref<1x1x80xi32, #tpu.memory_space<vmem>> -> memref<80xi32, #tpu.memory_space<vmem>>
    %dma_start3A_238 = arith.constant 0 : i32
    %dma_start3A_239 = arith.constant 0 : i32
    %dma_start3A_240 = tpu.memref_slice %arg3[%dma_start3A_238, %dma_start3A_239] : memref<100000x128xf32, #tpu.memory_space<hbm>> -> memref<100000x128xf32, #tpu.memory_space<hbm>>
    %dma_start3A_241 = tpu.memref_slice %arg14[%dma_start3A_230] : memref<6x!tpu.dma_semaphore, #tpu.memory_space<semaphore_mem>> -> memref<1x!tpu.dma_semaphore, #tpu.memory_space<semaphore_mem>>
    %dma_start3A_242 = tpu.memref_squeeze %dma_start3A_241 : memref<1x!tpu.dma_semaphore, #tpu.memory_space<semaphore_mem>> -> memref<!tpu.dma_semaphore, #tpu.memory_space<semaphore_mem>>
    tpu.enqueue_indirect_dma source(%dma_start3A_240 : memref<100000x128xf32, #tpu.memory_space<hbm>>) target(%dma_start3A_234 : memref<80x128xf32, #tpu.memory_space<vmem>>) offsets(%dma_start3A_237 : memref<80xi32, #tpu.memory_space<vmem>>) semaphore(%dma_start3A_242 : memref<!tpu.dma_semaphore, #tpu.memory_space<semaphore_mem>>)
    %dma_wait3A_243 = arith.constant 0 : i32
    %dma_wait3A_244 = arith.constant 0 : i32
    %dma_wait3A_245 = arith.constant 0 : i32
    %dma_wait3A_246 = arith.constant 0 : i32
    %dma_wait3A_247 = arith.constant 0 : i32
    %dma_wait3A_248 = arith.constant 0 : i32
    %dma_wait3A_249 = tpu.memref_slice %arg10[%dma_wait3A_245, %dma_wait3A_247, %dma_wait3A_248] : memref<6x80x128xf32, #tpu.memory_space<vmem>> -> memref<1x80x128xf32, #tpu.memory_space<vmem>>
    %dma_wait3A_250 = tpu.memref_squeeze %dma_wait3A_249 : memref<1x80x128xf32, #tpu.memory_space<vmem>> -> memref<80x128xf32, #tpu.memory_space<vmem>>
    %dma_wait3A_251 = arith.constant 0 : i32
    %dma_wait3A_252 = tpu.memref_slice %arg9[%dma_wait3A_243, %dma_wait3A_244, %dma_wait3A_251] : memref<6x3x80xi32, #tpu.memory_space<vmem>> -> memref<1x1x80xi32, #tpu.memory_space<vmem>>
    %dma_wait3A_253 = tpu.memref_squeeze %dma_wait3A_252 : memref<1x1x80xi32, #tpu.memory_space<vmem>> -> memref<80xi32, #tpu.memory_space<vmem>>
    %dma_wait3A_254 = arith.constant 0 : i32
    %dma_wait3A_255 = arith.constant 0 : i32
    %dma_wait3A_256 = tpu.memref_slice %arg3[%dma_wait3A_254, %dma_wait3A_255] : memref<100000x128xf32, #tpu.memory_space<hbm>> -> memref<100000x128xf32, #tpu.memory_space<hbm>>
    %dma_wait3A_257 = tpu.memref_slice %arg14[%dma_wait3A_246] : memref<6x!tpu.dma_semaphore, #tpu.memory_space<semaphore_mem>> -> memref<1x!tpu.dma_semaphore, #tpu.memory_space<semaphore_mem>>
    %dma_wait3A_258 = tpu.memref_squeeze %dma_wait3A_257 : memref<1x!tpu.dma_semaphore, #tpu.memory_space<semaphore_mem>> -> memref<!tpu.dma_semaphore, #tpu.memory_space<semaphore_mem>>
    tpu.wait_indirect_dma semaphore(%dma_wait3A_258 : memref<!tpu.dma_semaphore, #tpu.memory_space<semaphore_mem>>) src(%dma_wait3A_256 : memref<100000x128xf32, #tpu.memory_space<hbm>>) dst(%dma_wait3A_250 : memref<80x128xf32, #tpu.memory_space<vmem>>)
    %dma_start3A_259 = arith.constant 0 : i32
    %dma_start3A_260 = arith.constant 1 : i32
    %dma_start3A_261 = arith.constant 0 : i32
    %dma_start3A_262 = arith.constant 0 : i32
    %dma_start3A_263 = arith.constant 0 : i32
    %dma_start3A_264 = arith.constant 0 : i32
    %dma_start3A_265 = tpu.memref_slice %arg10[%dma_start3A_261, %dma_start3A_263, %dma_start3A_264] : memref<6x80x128xf32, #tpu.memory_space<vmem>> -> memref<1x80x128xf32, #tpu.memory_space<vmem>>
    %dma_start3A_266 = tpu.memref_squeeze %dma_start3A_265 : memref<1x80x128xf32, #tpu.memory_space<vmem>> -> memref<80x128xf32, #tpu.memory_space<vmem>>
    %dma_start3A_267 = arith.constant 0 : i32
    %dma_start3A_268 = tpu.memref_slice %arg9[%dma_start3A_259, %dma_start3A_260, %dma_start3A_267] : memref<6x3x80xi32, #tpu.memory_space<vmem>> -> memref<1x1x80xi32, #tpu.memory_space<vmem>>
    %dma_start3A_269 = tpu.memref_squeeze %dma_start3A_268 : memref<1x1x80xi32, #tpu.memory_space<vmem>> -> memref<80xi32, #tpu.memory_space<vmem>>
    %dma_start3A_270 = arith.constant 0 : i32
    %dma_start3A_271 = arith.constant 0 : i32
    %dma_start3A_272 = tpu.memref_slice %arg4[%dma_start3A_270, %dma_start3A_271] : memref<100000x128xf32, #tpu.memory_space<hbm>> -> memref<100000x128xf32, #tpu.memory_space<hbm>>
    %dma_start3A_273 = tpu.memref_slice %arg15[%dma_start3A_262] : memref<6x!tpu.dma_semaphore, #tpu.memory_space<semaphore_mem>> -> memref<1x!tpu.dma_semaphore, #tpu.memory_space<semaphore_mem>>
    %dma_start3A_274 = tpu.memref_squeeze %dma_start3A_273 : memref<1x!tpu.dma_semaphore, #tpu.memory_space<semaphore_mem>> -> memref<!tpu.dma_semaphore, #tpu.memory_space<semaphore_mem>>
    tpu.enqueue_indirect_dma source(%dma_start3A_272 : memref<100000x128xf32, #tpu.memory_space<hbm>>) target(%dma_start3A_266 : memref<80x128xf32, #tpu.memory_space<vmem>>) offsets(%dma_start3A_269 : memref<80xi32, #tpu.memory_space<vmem>>) semaphore(%dma_start3A_274 : memref<!tpu.dma_semaphore, #tpu.memory_space<semaphore_mem>>) {add = true}
    %dma_start3A_275 = arith.constant 0 : i32
    %dma_start3A_276 = arith.constant 2 : i32
    %dma_start3A_277 = arith.constant 0 : i32
    %dma_start3A_278 = arith.constant 0 : i32
    %dma_start3A_279 = arith.constant 0 : i32
    %dma_start3A_280 = arith.constant 0 : i32
    %dma_start3A_281 = tpu.memref_slice %arg10[%dma_start3A_277, %dma_start3A_279, %dma_start3A_280] : memref<6x80x128xf32, #tpu.memory_space<vmem>> -> memref<1x80x128xf32, #tpu.memory_space<vmem>>
    %dma_start3A_282 = tpu.memref_squeeze %dma_start3A_281 : memref<1x80x128xf32, #tpu.memory_space<vmem>> -> memref<80x128xf32, #tpu.memory_space<vmem>>
    %dma_start3A_283 = arith.constant 0 : i32
    %dma_start3A_284 = tpu.memref_slice %arg9[%dma_start3A_275, %dma_start3A_276, %dma_start3A_283] : memref<6x3x80xi32, #tpu.memory_space<vmem>> -> memref<1x1x80xi32, #tpu.memory_space<vmem>>
    %dma_start3A_285 = tpu.memref_squeeze %dma_start3A_284 : memref<1x1x80xi32, #tpu.memory_space<vmem>> -> memref<80xi32, #tpu.memory_space<vmem>>
    %dma_start3A_286 = arith.constant 0 : i32
    %dma_start3A_287 = arith.constant 0 : i32
    %dma_start3A_288 = tpu.memref_slice %arg5[%dma_start3A_286, %dma_start3A_287] : memref<512x128xf32, #tpu.memory_space<hbm>> -> memref<512x128xf32, #tpu.memory_space<hbm>>
    %dma_start3A_289 = tpu.memref_slice %arg15[%dma_start3A_278] : memref<6x!tpu.dma_semaphore, #tpu.memory_space<semaphore_mem>> -> memref<1x!tpu.dma_semaphore, #tpu.memory_space<semaphore_mem>>
    %dma_start3A_290 = tpu.memref_squeeze %dma_start3A_289 : memref<1x!tpu.dma_semaphore, #tpu.memory_space<semaphore_mem>> -> memref<!tpu.dma_semaphore, #tpu.memory_space<semaphore_mem>>
    tpu.enqueue_indirect_dma source(%dma_start3A_288 : memref<512x128xf32, #tpu.memory_space<hbm>>) target(%dma_start3A_282 : memref<80x128xf32, #tpu.memory_space<vmem>>) offsets(%dma_start3A_285 : memref<80xi32, #tpu.memory_space<vmem>>) semaphore(%dma_start3A_290 : memref<!tpu.dma_semaphore, #tpu.memory_space<semaphore_mem>>) {add = true}
    %dma_wait3A_291 = arith.constant 1 : i32
    %dma_wait3A_292 = arith.constant 0 : i32
    %dma_wait3A_293 = arith.constant 1 : i32
    %dma_wait3A_294 = arith.constant 1 : i32
    %dma_wait3A_295 = arith.constant 0 : i32
    %dma_wait3A_296 = arith.constant 0 : i32
    %dma_wait3A_297 = tpu.memref_slice %arg10[%dma_wait3A_293, %dma_wait3A_295, %dma_wait3A_296] : memref<6x80x128xf32, #tpu.memory_space<vmem>> -> memref<1x80x128xf32, #tpu.memory_space<vmem>>
    %dma_wait3A_298 = tpu.memref_squeeze %dma_wait3A_297 : memref<1x80x128xf32, #tpu.memory_space<vmem>> -> memref<80x128xf32, #tpu.memory_space<vmem>>
    %dma_wait3A_299 = arith.constant 0 : i32
    %dma_wait3A_300 = tpu.memref_slice %arg9[%dma_wait3A_291, %dma_wait3A_292, %dma_wait3A_299] : memref<6x3x80xi32, #tpu.memory_space<vmem>> -> memref<1x1x80xi32, #tpu.memory_space<vmem>>
    %dma_wait3A_301 = tpu.memref_squeeze %dma_wait3A_300 : memref<1x1x80xi32, #tpu.memory_space<vmem>> -> memref<80xi32, #tpu.memory_space<vmem>>
    %dma_wait3A_302 = arith.constant 0 : i32
    %dma_wait3A_303 = arith.constant 0 : i32
    %dma_wait3A_304 = tpu.memref_slice %arg3[%dma_wait3A_302, %dma_wait3A_303] : memref<100000x128xf32, #tpu.memory_space<hbm>> -> memref<100000x128xf32, #tpu.memory_space<hbm>>
    %dma_wait3A_305 = tpu.memref_slice %arg14[%dma_wait3A_294] : memref<6x!tpu.dma_semaphore, #tpu.memory_space<semaphore_mem>> -> memref<1x!tpu.dma_semaphore, #tpu.memory_space<semaphore_mem>>
    %dma_wait3A_306 = tpu.memref_squeeze %dma_wait3A_305 : memref<1x!tpu.dma_semaphore, #tpu.memory_space<semaphore_mem>> -> memref<!tpu.dma_semaphore, #tpu.memory_space<semaphore_mem>>
    tpu.wait_indirect_dma semaphore(%dma_wait3A_306 : memref<!tpu.dma_semaphore, #tpu.memory_space<semaphore_mem>>) src(%dma_wait3A_304 : memref<100000x128xf32, #tpu.memory_space<hbm>>) dst(%dma_wait3A_298 : memref<80x128xf32, #tpu.memory_space<vmem>>)
    %dma_start3A_307 = arith.constant 1 : i32
    %dma_start3A_308 = arith.constant 1 : i32
    %dma_start3A_309 = arith.constant 1 : i32
    %dma_start3A_310 = arith.constant 1 : i32
    %dma_start3A_311 = arith.constant 0 : i32
    %dma_start3A_312 = arith.constant 0 : i32
    %dma_start3A_313 = tpu.memref_slice %arg10[%dma_start3A_309, %dma_start3A_311, %dma_start3A_312] : memref<6x80x128xf32, #tpu.memory_space<vmem>> -> memref<1x80x128xf32, #tpu.memory_space<vmem>>
    %dma_start3A_314 = tpu.memref_squeeze %dma_start3A_313 : memref<1x80x128xf32, #tpu.memory_space<vmem>> -> memref<80x128xf32, #tpu.memory_space<vmem>>
    %dma_start3A_315 = arith.constant 0 : i32
    %dma_start3A_316 = tpu.memref_slice %arg9[%dma_start3A_307, %dma_start3A_308, %dma_start3A_315] : memref<6x3x80xi32, #tpu.memory_space<vmem>> -> memref<1x1x80xi32, #tpu.memory_space<vmem>>
    %dma_start3A_317 = tpu.memref_squeeze %dma_start3A_316 : memref<1x1x80xi32, #tpu.memory_space<vmem>> -> memref<80xi32, #tpu.memory_space<vmem>>
    %dma_start3A_318 = arith.constant 0 : i32
    %dma_start3A_319 = arith.constant 0 : i32
    %dma_start3A_320 = tpu.memref_slice %arg4[%dma_start3A_318, %dma_start3A_319] : memref<100000x128xf32, #tpu.memory_space<hbm>> -> memref<100000x128xf32, #tpu.memory_space<hbm>>
    %dma_start3A_321 = tpu.memref_slice %arg15[%dma_start3A_310] : memref<6x!tpu.dma_semaphore, #tpu.memory_space<semaphore_mem>> -> memref<1x!tpu.dma_semaphore, #tpu.memory_space<semaphore_mem>>
    %dma_start3A_322 = tpu.memref_squeeze %dma_start3A_321 : memref<1x!tpu.dma_semaphore, #tpu.memory_space<semaphore_mem>> -> memref<!tpu.dma_semaphore, #tpu.memory_space<semaphore_mem>>
    tpu.enqueue_indirect_dma source(%dma_start3A_320 : memref<100000x128xf32, #tpu.memory_space<hbm>>) target(%dma_start3A_314 : memref<80x128xf32, #tpu.memory_space<vmem>>) offsets(%dma_start3A_317 : memref<80xi32, #tpu.memory_space<vmem>>) semaphore(%dma_start3A_322 : memref<!tpu.dma_semaphore, #tpu.memory_space<semaphore_mem>>) {add = true}
    %dma_start3A_323 = arith.constant 1 : i32
    %dma_start3A_324 = arith.constant 2 : i32
    %dma_start3A_325 = arith.constant 1 : i32
    %dma_start3A_326 = arith.constant 1 : i32
    %dma_start3A_327 = arith.constant 0 : i32
    %dma_start3A_328 = arith.constant 0 : i32
    %dma_start3A_329 = tpu.memref_slice %arg10[%dma_start3A_325, %dma_start3A_327, %dma_start3A_328] : memref<6x80x128xf32, #tpu.memory_space<vmem>> -> memref<1x80x128xf32, #tpu.memory_space<vmem>>
    %dma_start3A_330 = tpu.memref_squeeze %dma_start3A_329 : memref<1x80x128xf32, #tpu.memory_space<vmem>> -> memref<80x128xf32, #tpu.memory_space<vmem>>
    %dma_start3A_331 = arith.constant 0 : i32
    %dma_start3A_332 = tpu.memref_slice %arg9[%dma_start3A_323, %dma_start3A_324, %dma_start3A_331] : memref<6x3x80xi32, #tpu.memory_space<vmem>> -> memref<1x1x80xi32, #tpu.memory_space<vmem>>
    %dma_start3A_333 = tpu.memref_squeeze %dma_start3A_332 : memref<1x1x80xi32, #tpu.memory_space<vmem>> -> memref<80xi32, #tpu.memory_space<vmem>>
    %dma_start3A_334 = arith.constant 0 : i32
    %dma_start3A_335 = arith.constant 0 : i32
    %dma_start3A_336 = tpu.memref_slice %arg5[%dma_start3A_334, %dma_start3A_335] : memref<512x128xf32, #tpu.memory_space<hbm>> -> memref<512x128xf32, #tpu.memory_space<hbm>>
    %dma_start3A_337 = tpu.memref_slice %arg15[%dma_start3A_326] : memref<6x!tpu.dma_semaphore, #tpu.memory_space<semaphore_mem>> -> memref<1x!tpu.dma_semaphore, #tpu.memory_space<semaphore_mem>>
    %dma_start3A_338 = tpu.memref_squeeze %dma_start3A_337 : memref<1x!tpu.dma_semaphore, #tpu.memory_space<semaphore_mem>> -> memref<!tpu.dma_semaphore, #tpu.memory_space<semaphore_mem>>
    tpu.enqueue_indirect_dma source(%dma_start3A_336 : memref<512x128xf32, #tpu.memory_space<hbm>>) target(%dma_start3A_330 : memref<80x128xf32, #tpu.memory_space<vmem>>) offsets(%dma_start3A_333 : memref<80xi32, #tpu.memory_space<vmem>>) semaphore(%dma_start3A_338 : memref<!tpu.dma_semaphore, #tpu.memory_space<semaphore_mem>>) {add = true}
    %scan3A = arith.constant 0 : i32
    %scan3A_339 = arith.constant 80 : i32
    %scan3A_340 = arith.addi %scan3A, %scan3A_339 : i32
    %scan3A_341 = arith.constant 1 : i32
    scf.for %scan3A_439 = %scan3A to %scan3A_340 step %scan3A_341  : i32 {
      %rem3A = arith.constant 6 : i32
      %rem3A_440 = arith.remsi %scan3A_439, %rem3A : i32
      %add3A_441 = arith.constant 4 : i32
      %add3A_442 = arith.addi %scan3A_439, %add3A_441 : i32
      %lt3A = arith.constant 80 : i32
      %lt3A_443 = arith.cmpi slt, %add3A_442, %lt3A : i32
      %convert_element_type3A = arith.extui %lt3A_443 : i1 to i32
      %cond3A = arith.constant 0 : i32
      %cond3A_444 = arith.cmpi ne, %convert_element_type3A, %cond3A : i32
      scf.if %cond3A_444 {
        %add3A_507 = arith.constant 4 : i32
        %add3A_508 = arith.addi %scan3A_439, %add3A_507 : i32
        %rem3A_509 = arith.constant 6 : i32
        %rem3A_510 = arith.remsi %add3A_508, %rem3A_509 : i32
        %add3A_511 = arith.constant 4 : i32
        %add3A_512 = arith.addi %scan3A_439, %add3A_511 : i32
        %dma_start3A_513 = arith.constant 0 : i32
        %dma_start3A_514 = arith.constant 0 : i32
        %dma_start3A_515 = tpu.memref_slice %arg9[%rem3A_510, %dma_start3A_513, %dma_start3A_514] : memref<6x3x80xi32, #tpu.memory_space<vmem>> -> memref<1x3x80xi32, #tpu.memory_space<vmem>>
        %dma_start3A_516 = tpu.memref_squeeze %dma_start3A_515 : memref<1x3x80xi32, #tpu.memory_space<vmem>> -> memref<3x80xi32, #tpu.memory_space<vmem>>
        %dma_start3A_517 = arith.constant 0 : i32
        %dma_start3A_518 = arith.constant 0 : i32
        %dma_start3A_519 = tpu.memref_slice %arg2[%add3A, %add3A_512, %dma_start3A_517, %dma_start3A_518] : memref<32x80x3x80xi32, #tpu.memory_space<hbm>> -> memref<1x1x3x80xi32, #tpu.memory_space<hbm>>
        %dma_start3A_520 = tpu.memref_squeeze %dma_start3A_519 : memref<1x1x3x80xi32, #tpu.memory_space<hbm>> -> memref<3x80xi32, #tpu.memory_space<hbm>>
        %dma_start3A_521 = tpu.memref_slice %arg13[%rem3A_510] : memref<6x!tpu.dma_semaphore, #tpu.memory_space<semaphore_mem>> -> memref<1x!tpu.dma_semaphore, #tpu.memory_space<semaphore_mem>>
        %dma_start3A_522 = tpu.memref_squeeze %dma_start3A_521 : memref<1x!tpu.dma_semaphore, #tpu.memory_space<semaphore_mem>> -> memref<!tpu.dma_semaphore, #tpu.memory_space<semaphore_mem>>
        %dma_start3A_523 = arith.constant 0 : i32
        %dma_start3A_524 = arith.constant 0 : i32
        %dma_start3A_525 = tpu.memref_slice %arg9[%rem3A_510, %dma_start3A_523, %dma_start3A_524] : memref<6x3x80xi32, #tpu.memory_space<vmem>> -> memref<1x3x80xi32, #tpu.memory_space<vmem>>
        %dma_start3A_526 = tpu.memref_squeeze %dma_start3A_525 : memref<1x3x80xi32, #tpu.memory_space<vmem>> -> memref<3x80xi32, #tpu.memory_space<vmem>>
        %dma_start3A_527 = arith.constant 0 : i32
        %dma_start3A_528 = arith.constant 0 : i32
        %dma_start3A_529 = tpu.memref_slice %arg2[%add3A, %add3A_512, %dma_start3A_527, %dma_start3A_528] : memref<32x80x3x80xi32, #tpu.memory_space<hbm>> -> memref<1x1x3x80xi32, #tpu.memory_space<hbm>>
        %dma_start3A_530 = tpu.memref_squeeze %dma_start3A_529 : memref<1x1x3x80xi32, #tpu.memory_space<hbm>> -> memref<3x80xi32, #tpu.memory_space<hbm>>
        tpu.enqueue_dma source(%dma_start3A_530 : memref<3x80xi32, #tpu.memory_space<hbm>>) target(%dma_start3A_526 : memref<3x80xi32, #tpu.memory_space<vmem>>) target_semaphore(%dma_start3A_522 : memref<!tpu.dma_semaphore, #tpu.memory_space<semaphore_mem>>)
      } else {
      }
      %add3A_445 = arith.constant 3 : i32
      %add3A_446 = arith.addi %scan3A_439, %add3A_445 : i32
      %lt3A_447 = arith.constant 80 : i32
      %lt3A_448 = arith.cmpi slt, %add3A_446, %lt3A_447 : i32
      %convert_element_type3A_449 = arith.extui %lt3A_448 : i1 to i32
      %cond3A_450 = arith.constant 0 : i32
      %cond3A_451 = arith.cmpi ne, %convert_element_type3A_449, %cond3A_450 : i32
      scf.if %cond3A_451 {
        %add3A_507 = arith.constant 3 : i32
        %add3A_508 = arith.addi %scan3A_439, %add3A_507 : i32
        %rem3A_509 = arith.constant 6 : i32
        %rem3A_510 = arith.remsi %add3A_508, %rem3A_509 : i32
        %dma_wait3A_511 = arith.constant 0 : i32
        %dma_wait3A_512 = arith.constant 0 : i32
        %dma_wait3A_513 = arith.constant 0 : i32
        %dma_wait3A_514 = tpu.memref_slice %arg9[%rem3A_510, %dma_wait3A_512, %dma_wait3A_513] : memref<6x3x80xi32, #tpu.memory_space<vmem>> -> memref<1x3x80xi32, #tpu.memory_space<vmem>>
        %dma_wait3A_515 = tpu.memref_squeeze %dma_wait3A_514 : memref<1x3x80xi32, #tpu.memory_space<vmem>> -> memref<3x80xi32, #tpu.memory_space<vmem>>
        %dma_wait3A_516 = arith.constant 0 : i32
        %dma_wait3A_517 = arith.constant 0 : i32
        %dma_wait3A_518 = tpu.memref_slice %arg2[%add3A, %dma_wait3A_511, %dma_wait3A_516, %dma_wait3A_517] : memref<32x80x3x80xi32, #tpu.memory_space<hbm>> -> memref<1x1x3x80xi32, #tpu.memory_space<hbm>>
        %dma_wait3A_519 = tpu.memref_squeeze %dma_wait3A_518 : memref<1x1x3x80xi32, #tpu.memory_space<hbm>> -> memref<3x80xi32, #tpu.memory_space<hbm>>
        %dma_wait3A_520 = tpu.memref_slice %arg13[%rem3A_510] : memref<6x!tpu.dma_semaphore, #tpu.memory_space<semaphore_mem>> -> memref<1x!tpu.dma_semaphore, #tpu.memory_space<semaphore_mem>>
        %dma_wait3A_521 = tpu.memref_squeeze %dma_wait3A_520 : memref<1x!tpu.dma_semaphore, #tpu.memory_space<semaphore_mem>> -> memref<!tpu.dma_semaphore, #tpu.memory_space<semaphore_mem>>
        %dma_wait3A_522 = arith.constant 0 : i32
        %dma_wait3A_523 = arith.constant 0 : i32
        %dma_wait3A_524 = tpu.memref_slice %arg9[%rem3A_510, %dma_wait3A_522, %dma_wait3A_523] : memref<6x3x80xi32, #tpu.memory_space<vmem>> -> memref<1x3x80xi32, #tpu.memory_space<vmem>>
        %dma_wait3A_525 = tpu.memref_squeeze %dma_wait3A_524 : memref<1x3x80xi32, #tpu.memory_space<vmem>> -> memref<3x80xi32, #tpu.memory_space<vmem>>
        %dma_wait3A_526 = arith.constant 0 : i32
        %dma_wait3A_527 = arith.constant 0 : i32
        %dma_wait3A_528 = tpu.memref_slice %arg2[%add3A, %dma_wait3A_511, %dma_wait3A_526, %dma_wait3A_527] : memref<32x80x3x80xi32, #tpu.memory_space<hbm>> -> memref<1x1x3x80xi32, #tpu.memory_space<hbm>>
        %dma_wait3A_529 = tpu.memref_squeeze %dma_wait3A_528 : memref<1x1x3x80xi32, #tpu.memory_space<hbm>> -> memref<3x80xi32, #tpu.memory_space<hbm>>
        tpu.wait_dma2 semaphore(%dma_wait3A_521 : memref<!tpu.dma_semaphore, #tpu.memory_space<semaphore_mem>>) src(%dma_wait3A_529 : memref<3x80xi32, #tpu.memory_space<hbm>>) dst(%dma_wait3A_525 : memref<3x80xi32, #tpu.memory_space<vmem>>)
        %ge3A = arith.constant 3 : i32
        %ge3A_530 = arith.cmpi sge, %scan3A_439, %ge3A : i32
        %convert_element_type3A_531 = arith.extui %ge3A_530 : i1 to i32
        %cond3A_532 = arith.constant 0 : i32
        %cond3A_533 = arith.cmpi ne, %convert_element_type3A_531, %cond3A_532 : i32
        scf.if %cond3A_533 {
          %dma_wait3A_547 = arith.constant 0 : i32
          %dma_wait3A_548 = arith.constant 0 : i32
          %dma_wait3A_549 = tpu.memref_slice %arg10[%rem3A_510, %dma_wait3A_547, %dma_wait3A_548] : memref<6x80x128xf32, #tpu.memory_space<vmem>> -> memref<1x80x128xf32, #tpu.memory_space<vmem>>
          %dma_wait3A_550 = tpu.memref_squeeze %dma_wait3A_549 : memref<1x80x128xf32, #tpu.memory_space<vmem>> -> memref<80x128xf32, #tpu.memory_space<vmem>>
          %dma_wait3A_551 = arith.constant 0 : i32
          %dma_wait3A_552 = tpu.memref_slice %arg8[%mul3A_2, %dma_wait3A_551] : memref<204800x128xf32, #tpu.memory_space<hbm>> -> memref<80x128xf32, #tpu.memory_space<hbm>>
          %dma_wait3A_553 = tpu.memref_slice %arg16[%rem3A_510] : memref<6x!tpu.dma_semaphore, #tpu.memory_space<semaphore_mem>> -> memref<1x!tpu.dma_semaphore, #tpu.memory_space<semaphore_mem>>
          %dma_wait3A_554 = tpu.memref_squeeze %dma_wait3A_553 : memref<1x!tpu.dma_semaphore, #tpu.memory_space<semaphore_mem>> -> memref<!tpu.dma_semaphore, #tpu.memory_space<semaphore_mem>>
          %dma_wait3A_555 = arith.constant 0 : i32
          %dma_wait3A_556 = tpu.memref_slice %arg8[%mul3A_2, %dma_wait3A_555] : memref<204800x128xf32, #tpu.memory_space<hbm>> -> memref<80x128xf32, #tpu.memory_space<hbm>>
          %dma_wait3A_557 = arith.constant 0 : i32
          %dma_wait3A_558 = arith.constant 0 : i32
          %dma_wait3A_559 = tpu.memref_slice %arg10[%rem3A_510, %dma_wait3A_557, %dma_wait3A_558] : memref<6x80x128xf32, #tpu.memory_space<vmem>> -> memref<1x80x128xf32, #tpu.memory_space<vmem>>
          %dma_wait3A_560 = tpu.memref_squeeze %dma_wait3A_559 : memref<1x80x128xf32, #tpu.memory_space<vmem>> -> memref<80x128xf32, #tpu.memory_space<vmem>>
          tpu.wait_dma2 semaphore(%dma_wait3A_554 : memref<!tpu.dma_semaphore, #tpu.memory_space<semaphore_mem>>) src(%dma_wait3A_560 : memref<80x128xf32, #tpu.memory_space<vmem>>) dst(%dma_wait3A_556 : memref<80x128xf32, #tpu.memory_space<hbm>>)
        } else {
        }
        %dma_start3A_534 = arith.constant 0 : i32
        %dma_start3A_535 = arith.constant 0 : i32
        %dma_start3A_536 = arith.constant 0 : i32
        %dma_start3A_537 = tpu.memref_slice %arg10[%rem3A_510, %dma_start3A_535, %dma_start3A_536] : memref<6x80x128xf32, #tpu.memory_space<vmem>> -> memref<1x80x128xf32, #tpu.memory_space<vmem>>
        %dma_start3A_538 = tpu.memref_squeeze %dma_start3A_537 : memref<1x80x128xf32, #tpu.memory_space<vmem>> -> memref<80x128xf32, #tpu.memory_space<vmem>>
        %dma_start3A_539 = arith.constant 0 : i32
        %dma_start3A_540 = tpu.memref_slice %arg9[%rem3A_510, %dma_start3A_534, %dma_start3A_539] : memref<6x3x80xi32, #tpu.memory_space<vmem>> -> memref<1x1x80xi32, #tpu.memory_space<vmem>>
        %dma_start3A_541 = tpu.memref_squeeze %dma_start3A_540 : memref<1x1x80xi32, #tpu.memory_space<vmem>> -> memref<80xi32, #tpu.memory_space<vmem>>
        %dma_start3A_542 = arith.constant 0 : i32
        %dma_start3A_543 = arith.constant 0 : i32
        %dma_start3A_544 = tpu.memref_slice %arg3[%dma_start3A_542, %dma_start3A_543] : memref<100000x128xf32, #tpu.memory_space<hbm>> -> memref<100000x128xf32, #tpu.memory_space<hbm>>
        %dma_start3A_545 = tpu.memref_slice %arg14[%rem3A_510] : memref<6x!tpu.dma_semaphore, #tpu.memory_space<semaphore_mem>> -> memref<1x!tpu.dma_semaphore, #tpu.memory_space<semaphore_mem>>
        %dma_start3A_546 = tpu.memref_squeeze %dma_start3A_545 : memref<1x!tpu.dma_semaphore, #tpu.memory_space<semaphore_mem>> -> memref<!tpu.dma_semaphore, #tpu.memory_space<semaphore_mem>>
        tpu.enqueue_indirect_dma source(%dma_start3A_544 : memref<100000x128xf32, #tpu.memory_space<hbm>>) target(%dma_start3A_538 : memref<80x128xf32, #tpu.memory_space<vmem>>) offsets(%dma_start3A_541 : memref<80xi32, #tpu.memory_space<vmem>>) semaphore(%dma_start3A_546 : memref<!tpu.dma_semaphore, #tpu.memory_space<semaphore_mem>>)
      } else {
      }
      %add3A_452 = arith.constant 2 : i32
      %add3A_453 = arith.addi %scan3A_439, %add3A_452 : i32
      %lt3A_454 = arith.constant 80 : i32
      %lt3A_455 = arith.cmpi slt, %add3A_453, %lt3A_454 : i32
      %convert_element_type3A_456 = arith.extui %lt3A_455 : i1 to i32
      %cond3A_457 = arith.constant 0 : i32
      %cond3A_458 = arith.cmpi ne, %convert_element_type3A_456, %cond3A_457 : i32
      scf.if %cond3A_458 {
        %add3A_507 = arith.constant 2 : i32
        %add3A_508 = arith.addi %scan3A_439, %add3A_507 : i32
        %rem3A_509 = arith.constant 6 : i32
        %rem3A_510 = arith.remsi %add3A_508, %rem3A_509 : i32
        %dma_wait3A_511 = arith.constant 0 : i32
        %dma_wait3A_512 = arith.constant 0 : i32
        %dma_wait3A_513 = arith.constant 0 : i32
        %dma_wait3A_514 = tpu.memref_slice %arg10[%rem3A_510, %dma_wait3A_512, %dma_wait3A_513] : memref<6x80x128xf32, #tpu.memory_space<vmem>> -> memref<1x80x128xf32, #tpu.memory_space<vmem>>
        %dma_wait3A_515 = tpu.memref_squeeze %dma_wait3A_514 : memref<1x80x128xf32, #tpu.memory_space<vmem>> -> memref<80x128xf32, #tpu.memory_space<vmem>>
        %dma_wait3A_516 = arith.constant 0 : i32
        %dma_wait3A_517 = tpu.memref_slice %arg9[%rem3A_510, %dma_wait3A_511, %dma_wait3A_516] : memref<6x3x80xi32, #tpu.memory_space<vmem>> -> memref<1x1x80xi32, #tpu.memory_space<vmem>>
        %dma_wait3A_518 = tpu.memref_squeeze %dma_wait3A_517 : memref<1x1x80xi32, #tpu.memory_space<vmem>> -> memref<80xi32, #tpu.memory_space<vmem>>
        %dma_wait3A_519 = arith.constant 0 : i32
        %dma_wait3A_520 = arith.constant 0 : i32
        %dma_wait3A_521 = tpu.memref_slice %arg3[%dma_wait3A_519, %dma_wait3A_520] : memref<100000x128xf32, #tpu.memory_space<hbm>> -> memref<100000x128xf32, #tpu.memory_space<hbm>>
        %dma_wait3A_522 = tpu.memref_slice %arg14[%rem3A_510] : memref<6x!tpu.dma_semaphore, #tpu.memory_space<semaphore_mem>> -> memref<1x!tpu.dma_semaphore, #tpu.memory_space<semaphore_mem>>
        %dma_wait3A_523 = tpu.memref_squeeze %dma_wait3A_522 : memref<1x!tpu.dma_semaphore, #tpu.memory_space<semaphore_mem>> -> memref<!tpu.dma_semaphore, #tpu.memory_space<semaphore_mem>>
        tpu.wait_indirect_dma semaphore(%dma_wait3A_523 : memref<!tpu.dma_semaphore, #tpu.memory_space<semaphore_mem>>) src(%dma_wait3A_521 : memref<100000x128xf32, #tpu.memory_space<hbm>>) dst(%dma_wait3A_515 : memref<80x128xf32, #tpu.memory_space<vmem>>)
        %dma_start3A_524 = arith.constant 1 : i32
        %dma_start3A_525 = arith.constant 0 : i32
        %dma_start3A_526 = arith.constant 0 : i32
        %dma_start3A_527 = tpu.memref_slice %arg10[%rem3A_510, %dma_start3A_525, %dma_start3A_526] : memref<6x80x128xf32, #tpu.memory_space<vmem>> -> memref<1x80x128xf32, #tpu.memory_space<vmem>>
        %dma_start3A_528 = tpu.memref_squeeze %dma_start3A_527 : memref<1x80x128xf32, #tpu.memory_space<vmem>> -> memref<80x128xf32, #tpu.memory_space<vmem>>
        %dma_start3A_529 = arith.constant 0 : i32
        %dma_start3A_530 = tpu.memref_slice %arg9[%rem3A_510, %dma_start3A_524, %dma_start3A_529] : memref<6x3x80xi32, #tpu.memory_space<vmem>> -> memref<1x1x80xi32, #tpu.memory_space<vmem>>
        %dma_start3A_531 = tpu.memref_squeeze %dma_start3A_530 : memref<1x1x80xi32, #tpu.memory_space<vmem>> -> memref<80xi32, #tpu.memory_space<vmem>>
        %dma_start3A_532 = arith.constant 0 : i32
        %dma_start3A_533 = arith.constant 0 : i32
        %dma_start3A_534 = tpu.memref_slice %arg4[%dma_start3A_532, %dma_start3A_533] : memref<100000x128xf32, #tpu.memory_space<hbm>> -> memref<100000x128xf32, #tpu.memory_space<hbm>>
        %dma_start3A_535 = tpu.memref_slice %arg15[%rem3A_510] : memref<6x!tpu.dma_semaphore, #tpu.memory_space<semaphore_mem>> -> memref<1x!tpu.dma_semaphore, #tpu.memory_space<semaphore_mem>>
        %dma_start3A_536 = tpu.memref_squeeze %dma_start3A_535 : memref<1x!tpu.dma_semaphore, #tpu.memory_space<semaphore_mem>> -> memref<!tpu.dma_semaphore, #tpu.memory_space<semaphore_mem>>
        tpu.enqueue_indirect_dma source(%dma_start3A_534 : memref<100000x128xf32, #tpu.memory_space<hbm>>) target(%dma_start3A_528 : memref<80x128xf32, #tpu.memory_space<vmem>>) offsets(%dma_start3A_531 : memref<80xi32, #tpu.memory_space<vmem>>) semaphore(%dma_start3A_536 : memref<!tpu.dma_semaphore, #tpu.memory_space<semaphore_mem>>) {add = true}
        %dma_start3A_537 = arith.constant 2 : i32
        %dma_start3A_538 = arith.constant 0 : i32
        %dma_start3A_539 = arith.constant 0 : i32
        %dma_start3A_540 = tpu.memref_slice %arg10[%rem3A_510, %dma_start3A_538, %dma_start3A_539] : memref<6x80x128xf32, #tpu.memory_space<vmem>> -> memref<1x80x128xf32, #tpu.memory_space<vmem>>
        %dma_start3A_541 = tpu.memref_squeeze %dma_start3A_540 : memref<1x80x128xf32, #tpu.memory_space<vmem>> -> memref<80x128xf32, #tpu.memory_space<vmem>>
        %dma_start3A_542 = arith.constant 0 : i32
        %dma_start3A_543 = tpu.memref_slice %arg9[%rem3A_510, %dma_start3A_537, %dma_start3A_542] : memref<6x3x80xi32, #tpu.memory_space<vmem>> -> memref<1x1x80xi32, #tpu.memory_space<vmem>>
        %dma_start3A_544 = tpu.memref_squeeze %dma_start3A_543 : memref<1x1x80xi32, #tpu.memory_space<vmem>> -> memref<80xi32, #tpu.memory_space<vmem>>
        %dma_start3A_545 = arith.constant 0 : i32
        %dma_start3A_546 = arith.constant 0 : i32
        %dma_start3A_547 = tpu.memref_slice %arg5[%dma_start3A_545, %dma_start3A_546] : memref<512x128xf32, #tpu.memory_space<hbm>> -> memref<512x128xf32, #tpu.memory_space<hbm>>
        %dma_start3A_548 = tpu.memref_slice %arg15[%rem3A_510] : memref<6x!tpu.dma_semaphore, #tpu.memory_space<semaphore_mem>> -> memref<1x!tpu.dma_semaphore, #tpu.memory_space<semaphore_mem>>
        %dma_start3A_549 = tpu.memref_squeeze %dma_start3A_548 : memref<1x!tpu.dma_semaphore, #tpu.memory_space<semaphore_mem>> -> memref<!tpu.dma_semaphore, #tpu.memory_space<semaphore_mem>>
        tpu.enqueue_indirect_dma source(%dma_start3A_547 : memref<512x128xf32, #tpu.memory_space<hbm>>) target(%dma_start3A_541 : memref<80x128xf32, #tpu.memory_space<vmem>>) offsets(%dma_start3A_544 : memref<80xi32, #tpu.memory_space<vmem>>) semaphore(%dma_start3A_549 : memref<!tpu.dma_semaphore, #tpu.memory_space<semaphore_mem>>) {add = true}
      } else {
      }
      %dma_wait3A_459 = arith.constant 1 : i32
      %dma_wait3A_460 = arith.constant 0 : i32
      %dma_wait3A_461 = arith.constant 0 : i32
      %dma_wait3A_462 = tpu.memref_slice %arg10[%rem3A_440, %dma_wait3A_460, %dma_wait3A_461] : memref<6x80x128xf32, #tpu.memory_space<vmem>> -> memref<1x80x128xf32, #tpu.memory_space<vmem>>
      %dma_wait3A_463 = tpu.memref_squeeze %dma_wait3A_462 : memref<1x80x128xf32, #tpu.memory_space<vmem>> -> memref<80x128xf32, #tpu.memory_space<vmem>>
      %dma_wait3A_464 = arith.constant 0 : i32
      %dma_wait3A_465 = tpu.memref_slice %arg9[%rem3A_440, %dma_wait3A_459, %dma_wait3A_464] : memref<6x3x80xi32, #tpu.memory_space<vmem>> -> memref<1x1x80xi32, #tpu.memory_space<vmem>>
      %dma_wait3A_466 = tpu.memref_squeeze %dma_wait3A_465 : memref<1x1x80xi32, #tpu.memory_space<vmem>> -> memref<80xi32, #tpu.memory_space<vmem>>
      %dma_wait3A_467 = arith.constant 0 : i32
      %dma_wait3A_468 = arith.constant 0 : i32
      %dma_wait3A_469 = tpu.memref_slice %arg4[%dma_wait3A_467, %dma_wait3A_468] : memref<100000x128xf32, #tpu.memory_space<hbm>> -> memref<100000x128xf32, #tpu.memory_space<hbm>>
      %dma_wait3A_470 = tpu.memref_slice %arg15[%rem3A_440] : memref<6x!tpu.dma_semaphore, #tpu.memory_space<semaphore_mem>> -> memref<1x!tpu.dma_semaphore, #tpu.memory_space<semaphore_mem>>
      %dma_wait3A_471 = tpu.memref_squeeze %dma_wait3A_470 : memref<1x!tpu.dma_semaphore, #tpu.memory_space<semaphore_mem>> -> memref<!tpu.dma_semaphore, #tpu.memory_space<semaphore_mem>>
      tpu.wait_indirect_dma semaphore(%dma_wait3A_471 : memref<!tpu.dma_semaphore, #tpu.memory_space<semaphore_mem>>) src(%dma_wait3A_469 : memref<100000x128xf32, #tpu.memory_space<hbm>>) dst(%dma_wait3A_463 : memref<80x128xf32, #tpu.memory_space<vmem>>)
      %dma_wait3A_472 = arith.constant 1 : i32
      %dma_wait3A_473 = arith.constant 0 : i32
      %dma_wait3A_474 = arith.constant 0 : i32
      %dma_wait3A_475 = tpu.memref_slice %arg10[%rem3A_440, %dma_wait3A_473, %dma_wait3A_474] : memref<6x80x128xf32, #tpu.memory_space<vmem>> -> memref<1x80x128xf32, #tpu.memory_space<vmem>>
      %dma_wait3A_476 = tpu.memref_squeeze %dma_wait3A_475 : memref<1x80x128xf32, #tpu.memory_space<vmem>> -> memref<80x128xf32, #tpu.memory_space<vmem>>
      %dma_wait3A_477 = arith.constant 0 : i32
      %dma_wait3A_478 = tpu.memref_slice %arg9[%rem3A_440, %dma_wait3A_472, %dma_wait3A_477] : memref<6x3x80xi32, #tpu.memory_space<vmem>> -> memref<1x1x80xi32, #tpu.memory_space<vmem>>
      %dma_wait3A_479 = tpu.memref_squeeze %dma_wait3A_478 : memref<1x1x80xi32, #tpu.memory_space<vmem>> -> memref<80xi32, #tpu.memory_space<vmem>>
      %dma_wait3A_480 = arith.constant 0 : i32
      %dma_wait3A_481 = arith.constant 0 : i32
      %dma_wait3A_482 = tpu.memref_slice %arg4[%dma_wait3A_480, %dma_wait3A_481] : memref<100000x128xf32, #tpu.memory_space<hbm>> -> memref<100000x128xf32, #tpu.memory_space<hbm>>
      %dma_wait3A_483 = tpu.memref_slice %arg15[%rem3A_440] : memref<6x!tpu.dma_semaphore, #tpu.memory_space<semaphore_mem>> -> memref<1x!tpu.dma_semaphore, #tpu.memory_space<semaphore_mem>>
      %dma_wait3A_484 = tpu.memref_squeeze %dma_wait3A_483 : memref<1x!tpu.dma_semaphore, #tpu.memory_space<semaphore_mem>> -> memref<!tpu.dma_semaphore, #tpu.memory_space<semaphore_mem>>
      tpu.wait_indirect_dma semaphore(%dma_wait3A_484 : memref<!tpu.dma_semaphore, #tpu.memory_space<semaphore_mem>>) src(%dma_wait3A_482 : memref<100000x128xf32, #tpu.memory_space<hbm>>) dst(%dma_wait3A_476 : memref<80x128xf32, #tpu.memory_space<vmem>>)
      %scan3A_485 = arith.constant 0 : i32
      %scan3A_486 = arith.constant 80 : i32
      %scan3A_487 = arith.addi %scan3A_485, %scan3A_486 : i32
      %scan3A_488 = arith.constant 4 : i32
      scf.for %scan3A_507 = %scan3A_485 to %scan3A_487 step %scan3A_488  : i32 {
        %broadcast_in_dim3A = arith.constant 0.000000e+00 : f32
        %broadcast_in_dim3A_508 = vector.broadcast %broadcast_in_dim3A : f32 to vector<16xf32>
        %broadcast_in_dim3A_509 = arith.constant 0.000000e+00 : f32
        %broadcast_in_dim3A_510 = vector.broadcast %broadcast_in_dim3A_509 : f32 to vector<16xf32>
        %get3A_511 = arith.index_cast %rem3A_440 : i32 to index
        %get3A_512 = arith.index_cast %scan3A_507 : i32 to index
        %get3A_513 = arith.constant 0 : index
        %get3A_514 = tpu.vector_load %arg10[%get3A_511, %get3A_512, %get3A_513] {strides = array<i32>} : memref<6x80x128xf32, #tpu.memory_space<vmem>>, vector<1x1x16xf32>,
        %get3A_515 = vector.shape_cast %get3A_514 : vector<1x1x16xf32> to vector<16xf32>
        %add3A_516 = arith.addf %broadcast_in_dim3A_508, %get3A_515 : vector<16xf32>
        %mul3A_517 = arith.mulf %get3A_515, %get3A_515 : vector<16xf32>
        %add3A_518 = arith.addf %broadcast_in_dim3A_510, %mul3A_517 : vector<16xf32>
        %get3A_519 = arith.index_cast %rem3A_440 : i32 to index
        %get3A_520 = arith.index_cast %scan3A_507 : i32 to index
        %get3A_521 = arith.constant 16 : index
        %get3A_522 = tpu.vector_load %arg10[%get3A_519, %get3A_520, %get3A_521] {strides = array<i32>} : memref<6x80x128xf32, #tpu.memory_space<vmem>>, vector<1x1x16xf32>,
        %get3A_523 = vector.shape_cast %get3A_522 : vector<1x1x16xf32> to vector<16xf32>
        %add3A_524 = arith.addf %add3A_516, %get3A_523 : vector<16xf32>
        %mul3A_525 = arith.mulf %get3A_523, %get3A_523 : vector<16xf32>
        %add3A_526 = arith.addf %add3A_518, %mul3A_525 : vector<16xf32>
        %get3A_527 = arith.index_cast %rem3A_440 : i32 to index
        %get3A_528 = arith.index_cast %scan3A_507 : i32 to index
        %get3A_529 = arith.constant 32 : index
        %get3A_530 = tpu.vector_load %arg10[%get3A_527, %get3A_528, %get3A_529] {strides = array<i32>} : memref<6x80x128xf32, #tpu.memory_space<vmem>>, vector<1x1x16xf32>,
        %get3A_531 = vector.shape_cast %get3A_530 : vector<1x1x16xf32> to vector<16xf32>
        %add3A_532 = arith.addf %add3A_524, %get3A_531 : vector<16xf32>
        %mul3A_533 = arith.mulf %get3A_531, %get3A_531 : vector<16xf32>
        %add3A_534 = arith.addf %add3A_526, %mul3A_533 : vector<16xf32>
        %get3A_535 = arith.index_cast %rem3A_440 : i32 to index
        %get3A_536 = arith.index_cast %scan3A_507 : i32 to index
        %get3A_537 = arith.constant 48 : index
        %get3A_538 = tpu.vector_load %arg10[%get3A_535, %get3A_536, %get3A_537] {strides = array<i32>} : memref<6x80x128xf32, #tpu.memory_space<vmem>>, vector<1x1x16xf32>,
        %get3A_539 = vector.shape_cast %get3A_538 : vector<1x1x16xf32> to vector<16xf32>
        %add3A_540 = arith.addf %add3A_532, %get3A_539 : vector<16xf32>
        %mul3A_541 = arith.mulf %get3A_539, %get3A_539 : vector<16xf32>
        %add3A_542 = arith.addf %add3A_534, %mul3A_541 : vector<16xf32>
        %get3A_543 = arith.index_cast %rem3A_440 : i32 to index
        %get3A_544 = arith.index_cast %scan3A_507 : i32 to index
        %get3A_545 = arith.constant 64 : index
        %get3A_546 = tpu.vector_load %arg10[%get3A_543, %get3A_544, %get3A_545] {strides = array<i32>} : memref<6x80x128xf32, #tpu.memory_space<vmem>>, vector<1x1x16xf32>,
        %get3A_547 = vector.shape_cast %get3A_546 : vector<1x1x16xf32> to vector<16xf32>
        %add3A_548 = arith.addf %add3A_540, %get3A_547 : vector<16xf32>
        %mul3A_549 = arith.mulf %get3A_547, %get3A_547 : vector<16xf32>
        %add3A_550 = arith.addf %add3A_542, %mul3A_549 : vector<16xf32>
        %get3A_551 = arith.index_cast %rem3A_440 : i32 to index
        %get3A_552 = arith.index_cast %scan3A_507 : i32 to index
        %get3A_553 = arith.constant 80 : index
        %get3A_554 = tpu.vector_load %arg10[%get3A_551, %get3A_552, %get3A_553] {strides = array<i32>} : memref<6x80x128xf32, #tpu.memory_space<vmem>>, vector<1x1x16xf32>,
        %get3A_555 = vector.shape_cast %get3A_554 : vector<1x1x16xf32> to vector<16xf32>
        %add3A_556 = arith.addf %add3A_548, %get3A_555 : vector<16xf32>
        %mul3A_557 = arith.mulf %get3A_555, %get3A_555 : vector<16xf32>
        %add3A_558 = arith.addf %add3A_550, %mul3A_557 : vector<16xf32>
        %get3A_559 = arith.index_cast %rem3A_440 : i32 to index
        %get3A_560 = arith.index_cast %scan3A_507 : i32 to index
        %get3A_561 = arith.constant 96 : index
        %get3A_562 = tpu.vector_load %arg10[%get3A_559, %get3A_560, %get3A_561] {strides = array<i32>} : memref<6x80x128xf32, #tpu.memory_space<vmem>>, vector<1x1x16xf32>,
        %get3A_563 = vector.shape_cast %get3A_562 : vector<1x1x16xf32> to vector<16xf32>
        %add3A_564 = arith.addf %add3A_556, %get3A_563 : vector<16xf32>
        %mul3A_565 = arith.mulf %get3A_563, %get3A_563 : vector<16xf32>
        %add3A_566 = arith.addf %add3A_558, %mul3A_565 : vector<16xf32>
        %get3A_567 = arith.index_cast %rem3A_440 : i32 to index
        %get3A_568 = arith.index_cast %scan3A_507 : i32 to index
        %get3A_569 = arith.constant 112 : index
        %get3A_570 = tpu.vector_load %arg10[%get3A_567, %get3A_568, %get3A_569] {strides = array<i32>} : memref<6x80x128xf32, #tpu.memory_space<vmem>>, vector<1x1x16xf32>,
        %get3A_571 = vector.shape_cast %get3A_570 : vector<1x1x16xf32> to vector<16xf32>
        %add3A_572 = arith.addf %add3A_564, %get3A_571 : vector<16xf32>
        %mul3A_573 = arith.mulf %get3A_571, %get3A_571 : vector<16xf32>
        %add3A_574 = arith.addf %add3A_566, %mul3A_573 : vector<16xf32>
        %iota3A = tpu.iota {dimensions = array<i32: 0>} : vector<16xi32>
        %xor3A = arith.constant 1 : i32
        %xor3A_575 = vector.broadcast %xor3A : i32 to vector<16xi32>
        %xor3A_576 = arith.xori %iota3A, %xor3A_575 : vector<16xi32>
        %broadcast_in_dim3A_577 = vector.shape_cast %xor3A_576 : vector<16xi32> to vector<16x1xi32>
        %gather3A = vector.shape_cast %broadcast_in_dim3A_577 : vector<16x1xi32> to vector<16xi32>
        %gather3A_578 = tpu.dynamic_gather %add3A_572[%gather3A] in [0] : vector<16xf32>, vector<16xi32> -> vector<16xf32>
        %add3A_579 = arith.addf %add3A_572, %gather3A_578 : vector<16xf32>
        %iota3A_580 = tpu.iota {dimensions = array<i32: 0>} : vector<16xi32>
        %xor3A_581 = arith.constant 2 : i32
        %xor3A_582 = vector.broadcast %xor3A_581 : i32 to vector<16xi32>
        %xor3A_583 = arith.xori %iota3A_580, %xor3A_582 : vector<16xi32>
        %broadcast_in_dim3A_584 = vector.shape_cast %xor3A_583 : vector<16xi32> to vector<16x1xi32>
        %gather3A_585 = vector.shape_cast %broadcast_in_dim3A_584 : vector<16x1xi32> to vector<16xi32>
        %gather3A_586 = tpu.dynamic_gather %add3A_579[%gather3A_585] in [0] : vector<16xf32>, vector<16xi32> -> vector<16xf32>
        %add3A_587 = arith.addf %add3A_579, %gather3A_586 : vector<16xf32>
        %iota3A_588 = tpu.iota {dimensions = array<i32: 0>} : vector<16xi32>
        %xor3A_589 = arith.constant 4 : i32
        %xor3A_590 = vector.broadcast %xor3A_589 : i32 to vector<16xi32>
        %xor3A_591 = arith.xori %iota3A_588, %xor3A_590 : vector<16xi32>
        %broadcast_in_dim3A_592 = vector.shape_cast %xor3A_591 : vector<16xi32> to vector<16x1xi32>
        %gather3A_593 = vector.shape_cast %broadcast_in_dim3A_592 : vector<16x1xi32> to vector<16xi32>
        %gather3A_594 = tpu.dynamic_gather %add3A_587[%gather3A_593] in [0] : vector<16xf32>, vector<16xi32> -> vector<16xf32>
        %add3A_595 = arith.addf %add3A_587, %gather3A_594 : vector<16xf32>
        %iota3A_596 = tpu.iota {dimensions = array<i32: 0>} : vector<16xi32>
        %xor3A_597 = arith.constant 8 : i32
        %xor3A_598 = vector.broadcast %xor3A_597 : i32 to vector<16xi32>
        %xor3A_599 = arith.xori %iota3A_596, %xor3A_598 : vector<16xi32>
        %broadcast_in_dim3A_600 = vector.shape_cast %xor3A_599 : vector<16xi32> to vector<16x1xi32>
        %gather3A_601 = vector.shape_cast %broadcast_in_dim3A_600 : vector<16x1xi32> to vector<16xi32>
        %gather3A_602 = tpu.dynamic_gather %add3A_595[%gather3A_601] in [0] : vector<16xf32>, vector<16xi32> -> vector<16xf32>
        %add3A_603 = arith.addf %add3A_595, %gather3A_602 : vector<16xf32>
        %mul3A_604 = arith.constant 7.812500e-03 : f32
        %mul3A_605 = vector.broadcast %mul3A_604 : f32 to vector<16xf32>
        %mul3A_606 = arith.mulf %add3A_603, %mul3A_605 : vector<16xf32>
        %iota3A_607 = tpu.iota {dimensions = array<i32: 0>} : vector<16xi32>
        %xor3A_608 = arith.constant 1 : i32
        %xor3A_609 = vector.broadcast %xor3A_608 : i32 to vector<16xi32>
        %xor3A_610 = arith.xori %iota3A_607, %xor3A_609 : vector<16xi32>
        %broadcast_in_dim3A_611 = vector.shape_cast %xor3A_610 : vector<16xi32> to vector<16x1xi32>
        %gather3A_612 = vector.shape_cast %broadcast_in_dim3A_611 : vector<16x1xi32> to vector<16xi32>
        %gather3A_613 = tpu.dynamic_gather %add3A_574[%gather3A_612] in [0] : vector<16xf32>, vector<16xi32> -> vector<16xf32>
        %add3A_614 = arith.addf %add3A_574, %gather3A_613 : vector<16xf32>
        %iota3A_615 = tpu.iota {dimensions = array<i32: 0>} : vector<16xi32>
        %xor3A_616 = arith.constant 2 : i32
        %xor3A_617 = vector.broadcast %xor3A_616 : i32 to vector<16xi32>
        %xor3A_618 = arith.xori %iota3A_615, %xor3A_617 : vector<16xi32>
        %broadcast_in_dim3A_619 = vector.shape_cast %xor3A_618 : vector<16xi32> to vector<16x1xi32>
        %gather3A_620 = vector.shape_cast %broadcast_in_dim3A_619 : vector<16x1xi32> to vector<16xi32>
        %gather3A_621 = tpu.dynamic_gather %add3A_614[%gather3A_620] in [0] : vector<16xf32>, vector<16xi32> -> vector<16xf32>
        %add3A_622 = arith.addf %add3A_614, %gather3A_621 : vector<16xf32>
        %iota3A_623 = tpu.iota {dimensions = array<i32: 0>} : vector<16xi32>
        %xor3A_624 = arith.constant 4 : i32
        %xor3A_625 = vector.broadcast %xor3A_624 : i32 to vector<16xi32>
        %xor3A_626 = arith.xori %iota3A_623, %xor3A_625 : vector<16xi32>
        %broadcast_in_dim3A_627 = vector.shape_cast %xor3A_626 : vector<16xi32> to vector<16x1xi32>
        %gather3A_628 = vector.shape_cast %broadcast_in_dim3A_627 : vector<16x1xi32> to vector<16xi32>
        %gather3A_629 = tpu.dynamic_gather %add3A_622[%gather3A_628] in [0] : vector<16xf32>, vector<16xi32> -> vector<16xf32>
        %add3A_630 = arith.addf %add3A_622, %gather3A_629 : vector<16xf32>
        %iota3A_631 = tpu.iota {dimensions = array<i32: 0>} : vector<16xi32>
        %xor3A_632 = arith.constant 8 : i32
        %xor3A_633 = vector.broadcast %xor3A_632 : i32 to vector<16xi32>
        %xor3A_634 = arith.xori %iota3A_631, %xor3A_633 : vector<16xi32>
        %broadcast_in_dim3A_635 = vector.shape_cast %xor3A_634 : vector<16xi32> to vector<16x1xi32>
        %gather3A_636 = vector.shape_cast %broadcast_in_dim3A_635 : vector<16x1xi32> to vector<16xi32>
        %gather3A_637 = tpu.dynamic_gather %add3A_630[%gather3A_636] in [0] : vector<16xf32>, vector<16xi32> -> vector<16xf32>
        %add3A_638 = arith.addf %add3A_630, %gather3A_637 : vector<16xf32>
        %mul3A_639 = arith.constant 7.812500e-03 : f32
        %mul3A_640 = vector.broadcast %mul3A_639 : f32 to vector<16xf32>
        %mul3A_641 = arith.mulf %add3A_638, %mul3A_640 : vector<16xf32>
        %mul3A_642 = arith.mulf %mul3A_606, %mul3A_606 : vector<16xf32>
        %sub3A = arith.subf %mul3A_641, %mul3A_642 : vector<16xf32>
        %add3A_643 = arith.constant 9.99999996E-13 : f32
        %add3A_644 = vector.broadcast %add3A_643 : f32 to vector<16xf32>
        %add3A_645 = arith.addf %sub3A, %add3A_644 : vector<16xf32>
        %bitcast_convert_type3A = tpu.bitcast %add3A_645 : vector<16xf32> -> vector<16xi32>
        %shift_right_arithmetic3A = arith.constant 1 : i32
        %shift_right_arithmetic3A_646 = vector.broadcast %shift_right_arithmetic3A : i32 to vector<16xi32>
        %shift_right_arithmetic3A_647 = arith.shrsi %bitcast_convert_type3A, %shift_right_arithmetic3A_646 : vector<16xi32>
        %sub3A_648 = arith.constant 1597463007 : i32
        %sub3A_649 = vector.broadcast %sub3A_648 : i32 to vector<16xi32>
        %sub3A_650 = arith.subi %sub3A_649, %shift_right_arithmetic3A_647 : vector<16xi32>
        %bitcast_convert_type3A_651 = tpu.bitcast %sub3A_650 : vector<16xi32> -> vector<16xf32>
        %mul3A_652 = arith.constant 5.000000e-01 : f32
        %mul3A_653 = vector.broadcast %mul3A_652 : f32 to vector<16xf32>
        %mul3A_654 = arith.mulf %mul3A_653, %add3A_645 : vector<16xf32>
        %mul3A_655 = arith.mulf %mul3A_654, %bitcast_convert_type3A_651 : vector<16xf32>
        %mul3A_656 = arith.mulf %mul3A_655, %bitcast_convert_type3A_651 : vector<16xf32>
        %sub3A_657 = arith.constant 1.500000e+00 : f32
        %sub3A_658 = vector.broadcast %sub3A_657 : f32 to vector<16xf32>
        %sub3A_659 = arith.subf %sub3A_658, %mul3A_656 : vector<16xf32>
        %mul3A_660 = arith.mulf %bitcast_convert_type3A_651, %sub3A_659 : vector<16xf32>
        %mul3A_661 = arith.constant 5.000000e-01 : f32
        %mul3A_662 = vector.broadcast %mul3A_661 : f32 to vector<16xf32>
        %mul3A_663 = arith.mulf %mul3A_662, %add3A_645 : vector<16xf32>
        %mul3A_664 = arith.mulf %mul3A_663, %mul3A_660 : vector<16xf32>
        %mul3A_665 = arith.mulf %mul3A_664, %mul3A_660 : vector<16xf32>
        %sub3A_666 = arith.constant 1.500000e+00 : f32
        %sub3A_667 = vector.broadcast %sub3A_666 : f32 to vector<16xf32>
        %sub3A_668 = arith.subf %sub3A_667, %mul3A_665 : vector<16xf32>
        %mul3A_669 = arith.mulf %mul3A_660, %sub3A_668 : vector<16xf32>
        %sub3A_670 = arith.subf %get3A_515, %mul3A_606 : vector<16xf32>
        %mul3A_671 = arith.mulf %sub3A_670, %mul3A_669 : vector<16xf32>
        %mul3A_672 = arith.mulf %mul3A_671, %get3A_4 : vector<16xf32>
        %add3A_673 = arith.addf %mul3A_672, %get3A_28 : vector<16xf32>
        %swap3A = arith.index_cast %rem3A_440 : i32 to index
        %swap3A_674 = arith.index_cast %scan3A_507 : i32 to index
        %swap3A_675 = arith.constant 0 : index
        %swap3A_676 = tpu.vector_load %arg10[%swap3A, %swap3A_674, %swap3A_675] {strides = array<i32>} : memref<6x80x128xf32, #tpu.memory_space<vmem>>, vector<1x1x16xf32>,
        %swap3A_677 = vector.shape_cast %swap3A_676 : vector<1x1x16xf32> to vector<16xf32>
        %swap3A_678 = vector.shape_cast %add3A_673 : vector<16xf32> to vector<1x1x16xf32>
        tpu.vector_store %arg10[%swap3A, %swap3A_674, %swap3A_675], %swap3A_678 {strides = array<i32>} : memref<6x80x128xf32, #tpu.memory_space<vmem>>, vector<1x1x16xf32>,
        %sub3A_679 = arith.subf %get3A_523, %mul3A_606 : vector<16xf32>
        %mul3A_680 = arith.mulf %sub3A_679, %mul3A_669 : vector<16xf32>
        %mul3A_681 = arith.mulf %mul3A_680, %get3A_7 : vector<16xf32>
        %add3A_682 = arith.addf %mul3A_681, %get3A_31 : vector<16xf32>
        %swap3A_683 = arith.index_cast %rem3A_440 : i32 to index
        %swap3A_684 = arith.index_cast %scan3A_507 : i32 to index
        %swap3A_685 = arith.constant 16 : index
        %swap3A_686 = tpu.vector_load %arg10[%swap3A_683, %swap3A_684, %swap3A_685] {strides = array<i32>} : memref<6x80x128xf32, #tpu.memory_space<vmem>>, vector<1x1x16xf32>,
        %swap3A_687 = vector.shape_cast %swap3A_686 : vector<1x1x16xf32> to vector<16xf32>
        %swap3A_688 = vector.shape_cast %add3A_682 : vector<16xf32> to vector<1x1x16xf32>
        tpu.vector_store %arg10[%swap3A_683, %swap3A_684, %swap3A_685], %swap3A_688 {strides = array<i32>} : memref<6x80x128xf32, #tpu.memory_space<vmem>>, vector<1x1x16xf32>,
        %sub3A_689 = arith.subf %get3A_531, %mul3A_606 : vector<16xf32>
        %mul3A_690 = arith.mulf %sub3A_689, %mul3A_669 : vector<16xf32>
        %mul3A_691 = arith.mulf %mul3A_690, %get3A_10 : vector<16xf32>
        %add3A_692 = arith.addf %mul3A_691, %get3A_34 : vector<16xf32>
        %swap3A_693 = arith.index_cast %rem3A_440 : i32 to index
        %swap3A_694 = arith.index_cast %scan3A_507 : i32 to index
        %swap3A_695 = arith.constant 32 : index
        %swap3A_696 = tpu.vector_load %arg10[%swap3A_693, %swap3A_694, %swap3A_695] {strides = array<i32>} : memref<6x80x128xf32, #tpu.memory_space<vmem>>, vector<1x1x16xf32>,
        %swap3A_697 = vector.shape_cast %swap3A_696 : vector<1x1x16xf32> to vector<16xf32>
        %swap3A_698 = vector.shape_cast %add3A_692 : vector<16xf32> to vector<1x1x16xf32>
        tpu.vector_store %arg10[%swap3A_693, %swap3A_694, %swap3A_695], %swap3A_698 {strides = array<i32>} : memref<6x80x128xf32, #tpu.memory_space<vmem>>, vector<1x1x16xf32>,
        %sub3A_699 = arith.subf %get3A_539, %mul3A_606 : vector<16xf32>
        %mul3A_700 = arith.mulf %sub3A_699, %mul3A_669 : vector<16xf32>
        %mul3A_701 = arith.mulf %mul3A_700, %get3A_13 : vector<16xf32>
        %add3A_702 = arith.addf %mul3A_701, %get3A_37 : vector<16xf32>
        %swap3A_703 = arith.index_cast %rem3A_440 : i32 to index
        %swap3A_704 = arith.index_cast %scan3A_507 : i32 to index
        %swap3A_705 = arith.constant 48 : index
        %swap3A_706 = tpu.vector_load %arg10[%swap3A_703, %swap3A_704, %swap3A_705] {strides = array<i32>} : memref<6x80x128xf32, #tpu.memory_space<vmem>>, vector<1x1x16xf32>,
        %swap3A_707 = vector.shape_cast %swap3A_706 : vector<1x1x16xf32> to vector<16xf32>
        %swap3A_708 = vector.shape_cast %add3A_702 : vector<16xf32> to vector<1x1x16xf32>
        tpu.vector_store %arg10[%swap3A_703, %swap3A_704, %swap3A_705], %swap3A_708 {strides = array<i32>} : memref<6x80x128xf32, #tpu.memory_space<vmem>>, vector<1x1x16xf32>,
        %sub3A_709 = arith.subf %get3A_547, %mul3A_606 : vector<16xf32>
        %mul3A_710 = arith.mulf %sub3A_709, %mul3A_669 : vector<16xf32>
        %mul3A_711 = arith.mulf %mul3A_710, %get3A_16 : vector<16xf32>
        %add3A_712 = arith.addf %mul3A_711, %get3A_40 : vector<16xf32>
        %swap3A_713 = arith.index_cast %rem3A_440 : i32 to index
        %swap3A_714 = arith.index_cast %scan3A_507 : i32 to index
        %swap3A_715 = arith.constant 64 : index
        %swap3A_716 = tpu.vector_load %arg10[%swap3A_713, %swap3A_714, %swap3A_715] {strides = array<i32>} : memref<6x80x128xf32, #tpu.memory_space<vmem>>, vector<1x1x16xf32>,
        %swap3A_717 = vector.shape_cast %swap3A_716 : vector<1x1x16xf32> to vector<16xf32>
        %swap3A_718 = vector.shape_cast %add3A_712 : vector<16xf32> to vector<1x1x16xf32>
        tpu.vector_store %arg10[%swap3A_713, %swap3A_714, %swap3A_715], %swap3A_718 {strides = array<i32>} : memref<6x80x128xf32, #tpu.memory_space<vmem>>, vector<1x1x16xf32>,
        %sub3A_719 = arith.subf %get3A_555, %mul3A_606 : vector<16xf32>
        %mul3A_720 = arith.mulf %sub3A_719, %mul3A_669 : vector<16xf32>
        %mul3A_721 = arith.mulf %mul3A_720, %get3A_19 : vector<16xf32>
        %add3A_722 = arith.addf %mul3A_721, %get3A_43 : vector<16xf32>
        %swap3A_723 = arith.index_cast %rem3A_440 : i32 to index
        %swap3A_724 = arith.index_cast %scan3A_507 : i32 to index
        %swap3A_725 = arith.constant 80 : index
        %swap3A_726 = tpu.vector_load %arg10[%swap3A_723, %swap3A_724, %swap3A_725] {strides = array<i32>} : memref<6x80x128xf32, #tpu.memory_space<vmem>>, vector<1x1x16xf32>,
        %swap3A_727 = vector.shape_cast %swap3A_726 : vector<1x1x16xf32> to vector<16xf32>
        %swap3A_728 = vector.shape_cast %add3A_722 : vector<16xf32> to vector<1x1x16xf32>
        tpu.vector_store %arg10[%swap3A_723, %swap3A_724, %swap3A_725], %swap3A_728 {strides = array<i32>} : memref<6x80x128xf32, #tpu.memory_space<vmem>>, vector<1x1x16xf32>,
        %sub3A_729 = arith.subf %get3A_563, %mul3A_606 : vector<16xf32>
        %mul3A_730 = arith.mulf %sub3A_729, %mul3A_669 : vector<16xf32>
        %mul3A_731 = arith.mulf %mul3A_730, %get3A_22 : vector<16xf32>
        %add3A_732 = arith.addf %mul3A_731, %get3A_46 : vector<16xf32>
        %swap3A_733 = arith.index_cast %rem3A_440 : i32 to index
        %swap3A_734 = arith.index_cast %scan3A_507 : i32 to index
        %swap3A_735 = arith.constant 96 : index
        %swap3A_736 = tpu.vector_load %arg10[%swap3A_733, %swap3A_734, %swap3A_735] {strides = array<i32>} : memref<6x80x128xf32, #tpu.memory_space<vmem>>, vector<1x1x16xf32>,
        %swap3A_737 = vector.shape_cast %swap3A_736 : vector<1x1x16xf32> to vector<16xf32>
        %swap3A_738 = vector.shape_cast %add3A_732 : vector<16xf32> to vector<1x1x16xf32>
        tpu.vector_store %arg10[%swap3A_733, %swap3A_734, %swap3A_735], %swap3A_738 {strides = array<i32>} : memref<6x80x128xf32, #tpu.memory_space<vmem>>, vector<1x1x16xf32>,
        %sub3A_739 = arith.subf %get3A_571, %mul3A_606 : vector<16xf32>
        %mul3A_740 = arith.mulf %sub3A_739, %mul3A_669 : vector<16xf32>
        %mul3A_741 = arith.mulf %mul3A_740, %get3A_25 : vector<16xf32>
        %add3A_742 = arith.addf %mul3A_741, %get3A_49 : vector<16xf32>
        %swap3A_743 = arith.index_cast %rem3A_440 : i32 to index
        %swap3A_744 = arith.index_cast %scan3A_507 : i32 to index
        %swap3A_745 = arith.constant 112 : index
        %swap3A_746 = tpu.vector_load %arg10[%swap3A_743, %swap3A_744, %swap3A_745] {strides = array<i32>} : memref<6x80x128xf32, #tpu.memory_space<vmem>>, vector<1x1x16xf32>,
        %swap3A_747 = vector.shape_cast %swap3A_746 : vector<1x1x16xf32> to vector<16xf32>
        %swap3A_748 = vector.shape_cast %add3A_742 : vector<16xf32> to vector<1x1x16xf32>
        tpu.vector_store %arg10[%swap3A_743, %swap3A_744, %swap3A_745], %swap3A_748 {strides = array<i32>} : memref<6x80x128xf32, #tpu.memory_space<vmem>>, vector<1x1x16xf32>,
        %scan3A_749 = arith.constant 1 : i32
        %scan3A_750 = arith.addi %scan3A_507, %scan3A_749 : i32
        %broadcast_in_dim3A_751 = arith.constant 0.000000e+00 : f32
        %broadcast_in_dim3A_752 = vector.broadcast %broadcast_in_dim3A_751 : f32 to vector<16xf32>
        %broadcast_in_dim3A_753 = arith.constant 0.000000e+00 : f32
        %broadcast_in_dim3A_754 = vector.broadcast %broadcast_in_dim3A_753 : f32 to vector<16xf32>
        %get3A_755 = arith.index_cast %rem3A_440 : i32 to index
        %get3A_756 = arith.index_cast %scan3A_750 : i32 to index
        %get3A_757 = arith.constant 0 : index
        %get3A_758 = tpu.vector_load %arg10[%get3A_755, %get3A_756, %get3A_757] {strides = array<i32>} : memref<6x80x128xf32, #tpu.memory_space<vmem>>, vector<1x1x16xf32>,
        %get3A_759 = vector.shape_cast %get3A_758 : vector<1x1x16xf32> to vector<16xf32>
        %add3A_760 = arith.addf %broadcast_in_dim3A_752, %get3A_759 : vector<16xf32>
        %mul3A_761 = arith.mulf %get3A_759, %get3A_759 : vector<16xf32>
        %add3A_762 = arith.addf %broadcast_in_dim3A_754, %mul3A_761 : vector<16xf32>
        %get3A_763 = arith.index_cast %rem3A_440 : i32 to index
        %get3A_764 = arith.index_cast %scan3A_750 : i32 to index
        %get3A_765 = arith.constant 16 : index
        %get3A_766 = tpu.vector_load %arg10[%get3A_763, %get3A_764, %get3A_765] {strides = array<i32>} : memref<6x80x128xf32, #tpu.memory_space<vmem>>, vector<1x1x16xf32>,
        %get3A_767 = vector.shape_cast %get3A_766 : vector<1x1x16xf32> to vector<16xf32>
        %add3A_768 = arith.addf %add3A_760, %get3A_767 : vector<16xf32>
        %mul3A_769 = arith.mulf %get3A_767, %get3A_767 : vector<16xf32>
        %add3A_770 = arith.addf %add3A_762, %mul3A_769 : vector<16xf32>
        %get3A_771 = arith.index_cast %rem3A_440 : i32 to index
        %get3A_772 = arith.index_cast %scan3A_750 : i32 to index
        %get3A_773 = arith.constant 32 : index
        %get3A_774 = tpu.vector_load %arg10[%get3A_771, %get3A_772, %get3A_773] {strides = array<i32>} : memref<6x80x128xf32, #tpu.memory_space<vmem>>, vector<1x1x16xf32>,
        %get3A_775 = vector.shape_cast %get3A_774 : vector<1x1x16xf32> to vector<16xf32>
        %add3A_776 = arith.addf %add3A_768, %get3A_775 : vector<16xf32>
        %mul3A_777 = arith.mulf %get3A_775, %get3A_775 : vector<16xf32>
        %add3A_778 = arith.addf %add3A_770, %mul3A_777 : vector<16xf32>
        %get3A_779 = arith.index_cast %rem3A_440 : i32 to index
        %get3A_780 = arith.index_cast %scan3A_750 : i32 to index
        %get3A_781 = arith.constant 48 : index
        %get3A_782 = tpu.vector_load %arg10[%get3A_779, %get3A_780, %get3A_781] {strides = array<i32>} : memref<6x80x128xf32, #tpu.memory_space<vmem>>, vector<1x1x16xf32>,
        %get3A_783 = vector.shape_cast %get3A_782 : vector<1x1x16xf32> to vector<16xf32>
        %add3A_784 = arith.addf %add3A_776, %get3A_783 : vector<16xf32>
        %mul3A_785 = arith.mulf %get3A_783, %get3A_783 : vector<16xf32>
        %add3A_786 = arith.addf %add3A_778, %mul3A_785 : vector<16xf32>
        %get3A_787 = arith.index_cast %rem3A_440 : i32 to index
        %get3A_788 = arith.index_cast %scan3A_750 : i32 to index
        %get3A_789 = arith.constant 64 : index
        %get3A_790 = tpu.vector_load %arg10[%get3A_787, %get3A_788, %get3A_789] {strides = array<i32>} : memref<6x80x128xf32, #tpu.memory_space<vmem>>, vector<1x1x16xf32>,
        %get3A_791 = vector.shape_cast %get3A_790 : vector<1x1x16xf32> to vector<16xf32>
        %add3A_792 = arith.addf %add3A_784, %get3A_791 : vector<16xf32>
        %mul3A_793 = arith.mulf %get3A_791, %get3A_791 : vector<16xf32>
        %add3A_794 = arith.addf %add3A_786, %mul3A_793 : vector<16xf32>
        %get3A_795 = arith.index_cast %rem3A_440 : i32 to index
        %get3A_796 = arith.index_cast %scan3A_750 : i32 to index
        %get3A_797 = arith.constant 80 : index
        %get3A_798 = tpu.vector_load %arg10[%get3A_795, %get3A_796, %get3A_797] {strides = array<i32>} : memref<6x80x128xf32, #tpu.memory_space<vmem>>, vector<1x1x16xf32>,
        %get3A_799 = vector.shape_cast %get3A_798 : vector<1x1x16xf32> to vector<16xf32>
        %add3A_800 = arith.addf %add3A_792, %get3A_799 : vector<16xf32>
        %mul3A_801 = arith.mulf %get3A_799, %get3A_799 : vector<16xf32>
        %add3A_802 = arith.addf %add3A_794, %mul3A_801 : vector<16xf32>
        %get3A_803 = arith.index_cast %rem3A_440 : i32 to index
        %get3A_804 = arith.index_cast %scan3A_750 : i32 to index
        %get3A_805 = arith.constant 96 : index
        %get3A_806 = tpu.vector_load %arg10[%get3A_803, %get3A_804, %get3A_805] {strides = array<i32>} : memref<6x80x128xf32, #tpu.memory_space<vmem>>, vector<1x1x16xf32>,
        %get3A_807 = vector.shape_cast %get3A_806 : vector<1x1x16xf32> to vector<16xf32>
        %add3A_808 = arith.addf %add3A_800, %get3A_807 : vector<16xf32>
        %mul3A_809 = arith.mulf %get3A_807, %get3A_807 : vector<16xf32>
        %add3A_810 = arith.addf %add3A_802, %mul3A_809 : vector<16xf32>
        %get3A_811 = arith.index_cast %rem3A_440 : i32 to index
        %get3A_812 = arith.index_cast %scan3A_750 : i32 to index
        %get3A_813 = arith.constant 112 : index
        %get3A_814 = tpu.vector_load %arg10[%get3A_811, %get3A_812, %get3A_813] {strides = array<i32>} : memref<6x80x128xf32, #tpu.memory_space<vmem>>, vector<1x1x16xf32>,
        %get3A_815 = vector.shape_cast %get3A_814 : vector<1x1x16xf32> to vector<16xf32>
        %add3A_816 = arith.addf %add3A_808, %get3A_815 : vector<16xf32>
        %mul3A_817 = arith.mulf %get3A_815, %get3A_815 : vector<16xf32>
        %add3A_818 = arith.addf %add3A_810, %mul3A_817 : vector<16xf32>
        %iota3A_819 = tpu.iota {dimensions = array<i32: 0>} : vector<16xi32>
        %xor3A_820 = arith.constant 1 : i32
        %xor3A_821 = vector.broadcast %xor3A_820 : i32 to vector<16xi32>
        %xor3A_822 = arith.xori %iota3A_819, %xor3A_821 : vector<16xi32>
        %broadcast_in_dim3A_823 = vector.shape_cast %xor3A_822 : vector<16xi32> to vector<16x1xi32>
        %gather3A_824 = vector.shape_cast %broadcast_in_dim3A_823 : vector<16x1xi32> to vector<16xi32>
        %gather3A_825 = tpu.dynamic_gather %add3A_816[%gather3A_824] in [0] : vector<16xf32>, vector<16xi32> -> vector<16xf32>
        %add3A_826 = arith.addf %add3A_816, %gather3A_825 : vector<16xf32>
        %iota3A_827 = tpu.iota {dimensions = array<i32: 0>} : vector<16xi32>
        %xor3A_828 = arith.constant 2 : i32
        %xor3A_829 = vector.broadcast %xor3A_828 : i32 to vector<16xi32>
        %xor3A_830 = arith.xori %iota3A_827, %xor3A_829 : vector<16xi32>
        %broadcast_in_dim3A_831 = vector.shape_cast %xor3A_830 : vector<16xi32> to vector<16x1xi32>
        %gather3A_832 = vector.shape_cast %broadcast_in_dim3A_831 : vector<16x1xi32> to vector<16xi32>
        %gather3A_833 = tpu.dynamic_gather %add3A_826[%gather3A_832] in [0] : vector<16xf32>, vector<16xi32> -> vector<16xf32>
        %add3A_834 = arith.addf %add3A_826, %gather3A_833 : vector<16xf32>
        %iota3A_835 = tpu.iota {dimensions = array<i32: 0>} : vector<16xi32>
        %xor3A_836 = arith.constant 4 : i32
        %xor3A_837 = vector.broadcast %xor3A_836 : i32 to vector<16xi32>
        %xor3A_838 = arith.xori %iota3A_835, %xor3A_837 : vector<16xi32>
        %broadcast_in_dim3A_839 = vector.shape_cast %xor3A_838 : vector<16xi32> to vector<16x1xi32>
        %gather3A_840 = vector.shape_cast %broadcast_in_dim3A_839 : vector<16x1xi32> to vector<16xi32>
        %gather3A_841 = tpu.dynamic_gather %add3A_834[%gather3A_840] in [0] : vector<16xf32>, vector<16xi32> -> vector<16xf32>
        %add3A_842 = arith.addf %add3A_834, %gather3A_841 : vector<16xf32>
        %iota3A_843 = tpu.iota {dimensions = array<i32: 0>} : vector<16xi32>
        %xor3A_844 = arith.constant 8 : i32
        %xor3A_845 = vector.broadcast %xor3A_844 : i32 to vector<16xi32>
        %xor3A_846 = arith.xori %iota3A_843, %xor3A_845 : vector<16xi32>
        %broadcast_in_dim3A_847 = vector.shape_cast %xor3A_846 : vector<16xi32> to vector<16x1xi32>
        %gather3A_848 = vector.shape_cast %broadcast_in_dim3A_847 : vector<16x1xi32> to vector<16xi32>
        %gather3A_849 = tpu.dynamic_gather %add3A_842[%gather3A_848] in [0] : vector<16xf32>, vector<16xi32> -> vector<16xf32>
        %add3A_850 = arith.addf %add3A_842, %gather3A_849 : vector<16xf32>
        %mul3A_851 = arith.constant 7.812500e-03 : f32
        %mul3A_852 = vector.broadcast %mul3A_851 : f32 to vector<16xf32>
        %mul3A_853 = arith.mulf %add3A_850, %mul3A_852 : vector<16xf32>
        %iota3A_854 = tpu.iota {dimensions = array<i32: 0>} : vector<16xi32>
        %xor3A_855 = arith.constant 1 : i32
        %xor3A_856 = vector.broadcast %xor3A_855 : i32 to vector<16xi32>
        %xor3A_857 = arith.xori %iota3A_854, %xor3A_856 : vector<16xi32>
        %broadcast_in_dim3A_858 = vector.shape_cast %xor3A_857 : vector<16xi32> to vector<16x1xi32>
        %gather3A_859 = vector.shape_cast %broadcast_in_dim3A_858 : vector<16x1xi32> to vector<16xi32>
        %gather3A_860 = tpu.dynamic_gather %add3A_818[%gather3A_859] in [0] : vector<16xf32>, vector<16xi32> -> vector<16xf32>
        %add3A_861 = arith.addf %add3A_818, %gather3A_860 : vector<16xf32>
        %iota3A_862 = tpu.iota {dimensions = array<i32: 0>} : vector<16xi32>
        %xor3A_863 = arith.constant 2 : i32
        %xor3A_864 = vector.broadcast %xor3A_863 : i32 to vector<16xi32>
        %xor3A_865 = arith.xori %iota3A_862, %xor3A_864 : vector<16xi32>
        %broadcast_in_dim3A_866 = vector.shape_cast %xor3A_865 : vector<16xi32> to vector<16x1xi32>
        %gather3A_867 = vector.shape_cast %broadcast_in_dim3A_866 : vector<16x1xi32> to vector<16xi32>
        %gather3A_868 = tpu.dynamic_gather %add3A_861[%gather3A_867] in [0] : vector<16xf32>, vector<16xi32> -> vector<16xf32>
        %add3A_869 = arith.addf %add3A_861, %gather3A_868 : vector<16xf32>
        %iota3A_870 = tpu.iota {dimensions = array<i32: 0>} : vector<16xi32>
        %xor3A_871 = arith.constant 4 : i32
        %xor3A_872 = vector.broadcast %xor3A_871 : i32 to vector<16xi32>
        %xor3A_873 = arith.xori %iota3A_870, %xor3A_872 : vector<16xi32>
        %broadcast_in_dim3A_874 = vector.shape_cast %xor3A_873 : vector<16xi32> to vector<16x1xi32>
        %gather3A_875 = vector.shape_cast %broadcast_in_dim3A_874 : vector<16x1xi32> to vector<16xi32>
        %gather3A_876 = tpu.dynamic_gather %add3A_869[%gather3A_875] in [0] : vector<16xf32>, vector<16xi32> -> vector<16xf32>
        %add3A_877 = arith.addf %add3A_869, %gather3A_876 : vector<16xf32>
        %iota3A_878 = tpu.iota {dimensions = array<i32: 0>} : vector<16xi32>
        %xor3A_879 = arith.constant 8 : i32
        %xor3A_880 = vector.broadcast %xor3A_879 : i32 to vector<16xi32>
        %xor3A_881 = arith.xori %iota3A_878, %xor3A_880 : vector<16xi32>
        %broadcast_in_dim3A_882 = vector.shape_cast %xor3A_881 : vector<16xi32> to vector<16x1xi32>
        %gather3A_883 = vector.shape_cast %broadcast_in_dim3A_882 : vector<16x1xi32> to vector<16xi32>
        %gather3A_884 = tpu.dynamic_gather %add3A_877[%gather3A_883] in [0] : vector<16xf32>, vector<16xi32> -> vector<16xf32>
        %add3A_885 = arith.addf %add3A_877, %gather3A_884 : vector<16xf32>
        %mul3A_886 = arith.constant 7.812500e-03 : f32
        %mul3A_887 = vector.broadcast %mul3A_886 : f32 to vector<16xf32>
        %mul3A_888 = arith.mulf %add3A_885, %mul3A_887 : vector<16xf32>
        %mul3A_889 = arith.mulf %mul3A_853, %mul3A_853 : vector<16xf32>
        %sub3A_890 = arith.subf %mul3A_888, %mul3A_889 : vector<16xf32>
        %add3A_891 = arith.constant 9.99999996E-13 : f32
        %add3A_892 = vector.broadcast %add3A_891 : f32 to vector<16xf32>
        %add3A_893 = arith.addf %sub3A_890, %add3A_892 : vector<16xf32>
        %bitcast_convert_type3A_894 = tpu.bitcast %add3A_893 : vector<16xf32> -> vector<16xi32>
        %shift_right_arithmetic3A_895 = arith.constant 1 : i32
        %shift_right_arithmetic3A_896 = vector.broadcast %shift_right_arithmetic3A_895 : i32 to vector<16xi32>
        %shift_right_arithmetic3A_897 = arith.shrsi %bitcast_convert_type3A_894, %shift_right_arithmetic3A_896 : vector<16xi32>
        %sub3A_898 = arith.constant 1597463007 : i32
        %sub3A_899 = vector.broadcast %sub3A_898 : i32 to vector<16xi32>
        %sub3A_900 = arith.subi %sub3A_899, %shift_right_arithmetic3A_897 : vector<16xi32>
        %bitcast_convert_type3A_901 = tpu.bitcast %sub3A_900 : vector<16xi32> -> vector<16xf32>
        %mul3A_902 = arith.constant 5.000000e-01 : f32
        %mul3A_903 = vector.broadcast %mul3A_902 : f32 to vector<16xf32>
        %mul3A_904 = arith.mulf %mul3A_903, %add3A_893 : vector<16xf32>
        %mul3A_905 = arith.mulf %mul3A_904, %bitcast_convert_type3A_901 : vector<16xf32>
        %mul3A_906 = arith.mulf %mul3A_905, %bitcast_convert_type3A_901 : vector<16xf32>
        %sub3A_907 = arith.constant 1.500000e+00 : f32
        %sub3A_908 = vector.broadcast %sub3A_907 : f32 to vector<16xf32>
        %sub3A_909 = arith.subf %sub3A_908, %mul3A_906 : vector<16xf32>
        %mul3A_910 = arith.mulf %bitcast_convert_type3A_901, %sub3A_909 : vector<16xf32>
        %mul3A_911 = arith.constant 5.000000e-01 : f32
        %mul3A_912 = vector.broadcast %mul3A_911 : f32 to vector<16xf32>
        %mul3A_913 = arith.mulf %mul3A_912, %add3A_893 : vector<16xf32>
        %mul3A_914 = arith.mulf %mul3A_913, %mul3A_910 : vector<16xf32>
        %mul3A_915 = arith.mulf %mul3A_914, %mul3A_910 : vector<16xf32>
        %sub3A_916 = arith.constant 1.500000e+00 : f32
        %sub3A_917 = vector.broadcast %sub3A_916 : f32 to vector<16xf32>
        %sub3A_918 = arith.subf %sub3A_917, %mul3A_915 : vector<16xf32>
        %mul3A_919 = arith.mulf %mul3A_910, %sub3A_918 : vector<16xf32>
        %sub3A_920 = arith.subf %get3A_759, %mul3A_853 : vector<16xf32>
        %mul3A_921 = arith.mulf %sub3A_920, %mul3A_919 : vector<16xf32>
        %mul3A_922 = arith.mulf %mul3A_921, %get3A_4 : vector<16xf32>
        %add3A_923 = arith.addf %mul3A_922, %get3A_28 : vector<16xf32>
        %swap3A_924 = arith.index_cast %rem3A_440 : i32 to index
        %swap3A_925 = arith.index_cast %scan3A_750 : i32 to index
        %swap3A_926 = arith.constant 0 : index
        %swap3A_927 = tpu.vector_load %arg10[%swap3A_924, %swap3A_925, %swap3A_926] {strides = array<i32>} : memref<6x80x128xf32, #tpu.memory_space<vmem>>, vector<1x1x16xf32>,
        %swap3A_928 = vector.shape_cast %swap3A_927 : vector<1x1x16xf32> to vector<16xf32>
        %swap3A_929 = vector.shape_cast %add3A_923 : vector<16xf32> to vector<1x1x16xf32>
        tpu.vector_store %arg10[%swap3A_924, %swap3A_925, %swap3A_926], %swap3A_929 {strides = array<i32>} : memref<6x80x128xf32, #tpu.memory_space<vmem>>, vector<1x1x16xf32>,
        %sub3A_930 = arith.subf %get3A_767, %mul3A_853 : vector<16xf32>
        %mul3A_931 = arith.mulf %sub3A_930, %mul3A_919 : vector<16xf32>
        %mul3A_932 = arith.mulf %mul3A_931, %get3A_7 : vector<16xf32>
        %add3A_933 = arith.addf %mul3A_932, %get3A_31 : vector<16xf32>
        %swap3A_934 = arith.index_cast %rem3A_440 : i32 to index
        %swap3A_935 = arith.index_cast %scan3A_750 : i32 to index
        %swap3A_936 = arith.constant 16 : index
        %swap3A_937 = tpu.vector_load %arg10[%swap3A_934, %swap3A_935, %swap3A_936] {strides = array<i32>} : memref<6x80x128xf32, #tpu.memory_space<vmem>>, vector<1x1x16xf32>,
        %swap3A_938 = vector.shape_cast %swap3A_937 : vector<1x1x16xf32> to vector<16xf32>
        %swap3A_939 = vector.shape_cast %add3A_933 : vector<16xf32> to vector<1x1x16xf32>
        tpu.vector_store %arg10[%swap3A_934, %swap3A_935, %swap3A_936], %swap3A_939 {strides = array<i32>} : memref<6x80x128xf32, #tpu.memory_space<vmem>>, vector<1x1x16xf32>,
        %sub3A_940 = arith.subf %get3A_775, %mul3A_853 : vector<16xf32>
        %mul3A_941 = arith.mulf %sub3A_940, %mul3A_919 : vector<16xf32>
        %mul3A_942 = arith.mulf %mul3A_941, %get3A_10 : vector<16xf32>
        %add3A_943 = arith.addf %mul3A_942, %get3A_34 : vector<16xf32>
        %swap3A_944 = arith.index_cast %rem3A_440 : i32 to index
        %swap3A_945 = arith.index_cast %scan3A_750 : i32 to index
        %swap3A_946 = arith.constant 32 : index
        %swap3A_947 = tpu.vector_load %arg10[%swap3A_944, %swap3A_945, %swap3A_946] {strides = array<i32>} : memref<6x80x128xf32, #tpu.memory_space<vmem>>, vector<1x1x16xf32>,
        %swap3A_948 = vector.shape_cast %swap3A_947 : vector<1x1x16xf32> to vector<16xf32>
        %swap3A_949 = vector.shape_cast %add3A_943 : vector<16xf32> to vector<1x1x16xf32>
        tpu.vector_store %arg10[%swap3A_944, %swap3A_945, %swap3A_946], %swap3A_949 {strides = array<i32>} : memref<6x80x128xf32, #tpu.memory_space<vmem>>, vector<1x1x16xf32>,
        %sub3A_950 = arith.subf %get3A_783, %mul3A_853 : vector<16xf32>
        %mul3A_951 = arith.mulf %sub3A_950, %mul3A_919 : vector<16xf32>
        %mul3A_952 = arith.mulf %mul3A_951, %get3A_13 : vector<16xf32>
        %add3A_953 = arith.addf %mul3A_952, %get3A_37 : vector<16xf32>
        %swap3A_954 = arith.index_cast %rem3A_440 : i32 to index
        %swap3A_955 = arith.index_cast %scan3A_750 : i32 to index
        %swap3A_956 = arith.constant 48 : index
        %swap3A_957 = tpu.vector_load %arg10[%swap3A_954, %swap3A_955, %swap3A_956] {strides = array<i32>} : memref<6x80x128xf32, #tpu.memory_space<vmem>>, vector<1x1x16xf32>,
        %swap3A_958 = vector.shape_cast %swap3A_957 : vector<1x1x16xf32> to vector<16xf32>
        %swap3A_959 = vector.shape_cast %add3A_953 : vector<16xf32> to vector<1x1x16xf32>
        tpu.vector_store %arg10[%swap3A_954, %swap3A_955, %swap3A_956], %swap3A_959 {strides = array<i32>} : memref<6x80x128xf32, #tpu.memory_space<vmem>>, vector<1x1x16xf32>,
        %sub3A_960 = arith.subf %get3A_791, %mul3A_853 : vector<16xf32>
        %mul3A_961 = arith.mulf %sub3A_960, %mul3A_919 : vector<16xf32>
        %mul3A_962 = arith.mulf %mul3A_961, %get3A_16 : vector<16xf32>
        %add3A_963 = arith.addf %mul3A_962, %get3A_40 : vector<16xf32>
        %swap3A_964 = arith.index_cast %rem3A_440 : i32 to index
        %swap3A_965 = arith.index_cast %scan3A_750 : i32 to index
        %swap3A_966 = arith.constant 64 : index
        %swap3A_967 = tpu.vector_load %arg10[%swap3A_964, %swap3A_965, %swap3A_966] {strides = array<i32>} : memref<6x80x128xf32, #tpu.memory_space<vmem>>, vector<1x1x16xf32>,
        %swap3A_968 = vector.shape_cast %swap3A_967 : vector<1x1x16xf32> to vector<16xf32>
        %swap3A_969 = vector.shape_cast %add3A_963 : vector<16xf32> to vector<1x1x16xf32>
        tpu.vector_store %arg10[%swap3A_964, %swap3A_965, %swap3A_966], %swap3A_969 {strides = array<i32>} : memref<6x80x128xf32, #tpu.memory_space<vmem>>, vector<1x1x16xf32>,
        %sub3A_970 = arith.subf %get3A_799, %mul3A_853 : vector<16xf32>
        %mul3A_971 = arith.mulf %sub3A_970, %mul3A_919 : vector<16xf32>
        %mul3A_972 = arith.mulf %mul3A_971, %get3A_19 : vector<16xf32>
        %add3A_973 = arith.addf %mul3A_972, %get3A_43 : vector<16xf32>
        %swap3A_974 = arith.index_cast %rem3A_440 : i32 to index
        %swap3A_975 = arith.index_cast %scan3A_750 : i32 to index
        %swap3A_976 = arith.constant 80 : index
        %swap3A_977 = tpu.vector_load %arg10[%swap3A_974, %swap3A_975, %swap3A_976] {strides = array<i32>} : memref<6x80x128xf32, #tpu.memory_space<vmem>>, vector<1x1x16xf32>,
        %swap3A_978 = vector.shape_cast %swap3A_977 : vector<1x1x16xf32> to vector<16xf32>
        %swap3A_979 = vector.shape_cast %add3A_973 : vector<16xf32> to vector<1x1x16xf32>
        tpu.vector_store %arg10[%swap3A_974, %swap3A_975, %swap3A_976], %swap3A_979 {strides = array<i32>} : memref<6x80x128xf32, #tpu.memory_space<vmem>>, vector<1x1x16xf32>,
        %sub3A_980 = arith.subf %get3A_807, %mul3A_853 : vector<16xf32>
        %mul3A_981 = arith.mulf %sub3A_980, %mul3A_919 : vector<16xf32>
        %mul3A_982 = arith.mulf %mul3A_981, %get3A_22 : vector<16xf32>
        %add3A_983 = arith.addf %mul3A_982, %get3A_46 : vector<16xf32>
        %swap3A_984 = arith.index_cast %rem3A_440 : i32 to index
        %swap3A_985 = arith.index_cast %scan3A_750 : i32 to index
        %swap3A_986 = arith.constant 96 : index
        %swap3A_987 = tpu.vector_load %arg10[%swap3A_984, %swap3A_985, %swap3A_986] {strides = array<i32>} : memref<6x80x128xf32, #tpu.memory_space<vmem>>, vector<1x1x16xf32>,
        %swap3A_988 = vector.shape_cast %swap3A_987 : vector<1x1x16xf32> to vector<16xf32>
        %swap3A_989 = vector.shape_cast %add3A_983 : vector<16xf32> to vector<1x1x16xf32>
        tpu.vector_store %arg10[%swap3A_984, %swap3A_985, %swap3A_986], %swap3A_989 {strides = array<i32>} : memref<6x80x128xf32, #tpu.memory_space<vmem>>, vector<1x1x16xf32>,
        %sub3A_990 = arith.subf %get3A_815, %mul3A_853 : vector<16xf32>
        %mul3A_991 = arith.mulf %sub3A_990, %mul3A_919 : vector<16xf32>
        %mul3A_992 = arith.mulf %mul3A_991, %get3A_25 : vector<16xf32>
        %add3A_993 = arith.addf %mul3A_992, %get3A_49 : vector<16xf32>
        %swap3A_994 = arith.index_cast %rem3A_440 : i32 to index
        %swap3A_995 = arith.index_cast %scan3A_750 : i32 to index
        %swap3A_996 = arith.constant 112 : index
        %swap3A_997 = tpu.vector_load %arg10[%swap3A_994, %swap3A_995, %swap3A_996] {strides = array<i32>} : memref<6x80x128xf32, #tpu.memory_space<vmem>>, vector<1x1x16xf32>,
        %swap3A_998 = vector.shape_cast %swap3A_997 : vector<1x1x16xf32> to vector<16xf32>
        %swap3A_999 = vector.shape_cast %add3A_993 : vector<16xf32> to vector<1x1x16xf32>
        tpu.vector_store %arg10[%swap3A_994, %swap3A_995, %swap3A_996], %swap3A_999 {strides = array<i32>} : memref<6x80x128xf32, #tpu.memory_space<vmem>>, vector<1x1x16xf32>,
        %scan3A_1000 = arith.constant 2 : i32
        %scan3A_1001 = arith.addi %scan3A_507, %scan3A_1000 : i32
        %broadcast_in_dim3A_1002 = arith.constant 0.000000e+00 : f32
        %broadcast_in_dim3A_1003 = vector.broadcast %broadcast_in_dim3A_1002 : f32 to vector<16xf32>
        %broadcast_in_dim3A_1004 = arith.constant 0.000000e+00 : f32
        %broadcast_in_dim3A_1005 = vector.broadcast %broadcast_in_dim3A_1004 : f32 to vector<16xf32>
        %get3A_1006 = arith.index_cast %rem3A_440 : i32 to index
        %get3A_1007 = arith.index_cast %scan3A_1001 : i32 to index
        %get3A_1008 = arith.constant 0 : index
        %get3A_1009 = tpu.vector_load %arg10[%get3A_1006, %get3A_1007, %get3A_1008] {strides = array<i32>} : memref<6x80x128xf32, #tpu.memory_space<vmem>>, vector<1x1x16xf32>,
        %get3A_1010 = vector.shape_cast %get3A_1009 : vector<1x1x16xf32> to vector<16xf32>
        %add3A_1011 = arith.addf %broadcast_in_dim3A_1003, %get3A_1010 : vector<16xf32>
        %mul3A_1012 = arith.mulf %get3A_1010, %get3A_1010 : vector<16xf32>
        %add3A_1013 = arith.addf %broadcast_in_dim3A_1005, %mul3A_1012 : vector<16xf32>
        %get3A_1014 = arith.index_cast %rem3A_440 : i32 to index
        %get3A_1015 = arith.index_cast %scan3A_1001 : i32 to index
        %get3A_1016 = arith.constant 16 : index
        %get3A_1017 = tpu.vector_load %arg10[%get3A_1014, %get3A_1015, %get3A_1016] {strides = array<i32>} : memref<6x80x128xf32, #tpu.memory_space<vmem>>, vector<1x1x16xf32>,
        %get3A_1018 = vector.shape_cast %get3A_1017 : vector<1x1x16xf32> to vector<16xf32>
        %add3A_1019 = arith.addf %add3A_1011, %get3A_1018 : vector<16xf32>
        %mul3A_1020 = arith.mulf %get3A_1018, %get3A_1018 : vector<16xf32>
        %add3A_1021 = arith.addf %add3A_1013, %mul3A_1020 : vector<16xf32>
        %get3A_1022 = arith.index_cast %rem3A_440 : i32 to index
        %get3A_1023 = arith.index_cast %scan3A_1001 : i32 to index
        %get3A_1024 = arith.constant 32 : index
        %get3A_1025 = tpu.vector_load %arg10[%get3A_1022, %get3A_1023, %get3A_1024] {strides = array<i32>} : memref<6x80x128xf32, #tpu.memory_space<vmem>>, vector<1x1x16xf32>,
        %get3A_1026 = vector.shape_cast %get3A_1025 : vector<1x1x16xf32> to vector<16xf32>
        %add3A_1027 = arith.addf %add3A_1019, %get3A_1026 : vector<16xf32>
        %mul3A_1028 = arith.mulf %get3A_1026, %get3A_1026 : vector<16xf32>
        %add3A_1029 = arith.addf %add3A_1021, %mul3A_1028 : vector<16xf32>
        %get3A_1030 = arith.index_cast %rem3A_440 : i32 to index
        %get3A_1031 = arith.index_cast %scan3A_1001 : i32 to index
        %get3A_1032 = arith.constant 48 : index
        %get3A_1033 = tpu.vector_load %arg10[%get3A_1030, %get3A_1031, %get3A_1032] {strides = array<i32>} : memref<6x80x128xf32, #tpu.memory_space<vmem>>, vector<1x1x16xf32>,
        %get3A_1034 = vector.shape_cast %get3A_1033 : vector<1x1x16xf32> to vector<16xf32>
        %add3A_1035 = arith.addf %add3A_1027, %get3A_1034 : vector<16xf32>
        %mul3A_1036 = arith.mulf %get3A_1034, %get3A_1034 : vector<16xf32>
        %add3A_1037 = arith.addf %add3A_1029, %mul3A_1036 : vector<16xf32>
        %get3A_1038 = arith.index_cast %rem3A_440 : i32 to index
        %get3A_1039 = arith.index_cast %scan3A_1001 : i32 to index
        %get3A_1040 = arith.constant 64 : index
        %get3A_1041 = tpu.vector_load %arg10[%get3A_1038, %get3A_1039, %get3A_1040] {strides = array<i32>} : memref<6x80x128xf32, #tpu.memory_space<vmem>>, vector<1x1x16xf32>,
        %get3A_1042 = vector.shape_cast %get3A_1041 : vector<1x1x16xf32> to vector<16xf32>
        %add3A_1043 = arith.addf %add3A_1035, %get3A_1042 : vector<16xf32>
        %mul3A_1044 = arith.mulf %get3A_1042, %get3A_1042 : vector<16xf32>
        %add3A_1045 = arith.addf %add3A_1037, %mul3A_1044 : vector<16xf32>
        %get3A_1046 = arith.index_cast %rem3A_440 : i32 to index
        %get3A_1047 = arith.index_cast %scan3A_1001 : i32 to index
        %get3A_1048 = arith.constant 80 : index
        %get3A_1049 = tpu.vector_load %arg10[%get3A_1046, %get3A_1047, %get3A_1048] {strides = array<i32>} : memref<6x80x128xf32, #tpu.memory_space<vmem>>, vector<1x1x16xf32>,
        %get3A_1050 = vector.shape_cast %get3A_1049 : vector<1x1x16xf32> to vector<16xf32>
        %add3A_1051 = arith.addf %add3A_1043, %get3A_1050 : vector<16xf32>
        %mul3A_1052 = arith.mulf %get3A_1050, %get3A_1050 : vector<16xf32>
        %add3A_1053 = arith.addf %add3A_1045, %mul3A_1052 : vector<16xf32>
        %get3A_1054 = arith.index_cast %rem3A_440 : i32 to index
        %get3A_1055 = arith.index_cast %scan3A_1001 : i32 to index
        %get3A_1056 = arith.constant 96 : index
        %get3A_1057 = tpu.vector_load %arg10[%get3A_1054, %get3A_1055, %get3A_1056] {strides = array<i32>} : memref<6x80x128xf32, #tpu.memory_space<vmem>>, vector<1x1x16xf32>,
        %get3A_1058 = vector.shape_cast %get3A_1057 : vector<1x1x16xf32> to vector<16xf32>
        %add3A_1059 = arith.addf %add3A_1051, %get3A_1058 : vector<16xf32>
        %mul3A_1060 = arith.mulf %get3A_1058, %get3A_1058 : vector<16xf32>
        %add3A_1061 = arith.addf %add3A_1053, %mul3A_1060 : vector<16xf32>
        %get3A_1062 = arith.index_cast %rem3A_440 : i32 to index
        %get3A_1063 = arith.index_cast %scan3A_1001 : i32 to index
        %get3A_1064 = arith.constant 112 : index
        %get3A_1065 = tpu.vector_load %arg10[%get3A_1062, %get3A_1063, %get3A_1064] {strides = array<i32>} : memref<6x80x128xf32, #tpu.memory_space<vmem>>, vector<1x1x16xf32>,
        %get3A_1066 = vector.shape_cast %get3A_1065 : vector<1x1x16xf32> to vector<16xf32>
        %add3A_1067 = arith.addf %add3A_1059, %get3A_1066 : vector<16xf32>
        %mul3A_1068 = arith.mulf %get3A_1066, %get3A_1066 : vector<16xf32>
        %add3A_1069 = arith.addf %add3A_1061, %mul3A_1068 : vector<16xf32>
        %iota3A_1070 = tpu.iota {dimensions = array<i32: 0>} : vector<16xi32>
        %xor3A_1071 = arith.constant 1 : i32
        %xor3A_1072 = vector.broadcast %xor3A_1071 : i32 to vector<16xi32>
        %xor3A_1073 = arith.xori %iota3A_1070, %xor3A_1072 : vector<16xi32>
        %broadcast_in_dim3A_1074 = vector.shape_cast %xor3A_1073 : vector<16xi32> to vector<16x1xi32>
        %gather3A_1075 = vector.shape_cast %broadcast_in_dim3A_1074 : vector<16x1xi32> to vector<16xi32>
        %gather3A_1076 = tpu.dynamic_gather %add3A_1067[%gather3A_1075] in [0] : vector<16xf32>, vector<16xi32> -> vector<16xf32>
        %add3A_1077 = arith.addf %add3A_1067, %gather3A_1076 : vector<16xf32>
        %iota3A_1078 = tpu.iota {dimensions = array<i32: 0>} : vector<16xi32>
        %xor3A_1079 = arith.constant 2 : i32
        %xor3A_1080 = vector.broadcast %xor3A_1079 : i32 to vector<16xi32>
        %xor3A_1081 = arith.xori %iota3A_1078, %xor3A_1080 : vector<16xi32>
        %broadcast_in_dim3A_1082 = vector.shape_cast %xor3A_1081 : vector<16xi32> to vector<16x1xi32>
        %gather3A_1083 = vector.shape_cast %broadcast_in_dim3A_1082 : vector<16x1xi32> to vector<16xi32>
        %gather3A_1084 = tpu.dynamic_gather %add3A_1077[%gather3A_1083] in [0] : vector<16xf32>, vector<16xi32> -> vector<16xf32>
        %add3A_1085 = arith.addf %add3A_1077, %gather3A_1084 : vector<16xf32>
        %iota3A_1086 = tpu.iota {dimensions = array<i32: 0>} : vector<16xi32>
        %xor3A_1087 = arith.constant 4 : i32
        %xor3A_1088 = vector.broadcast %xor3A_1087 : i32 to vector<16xi32>
        %xor3A_1089 = arith.xori %iota3A_1086, %xor3A_1088 : vector<16xi32>
        %broadcast_in_dim3A_1090 = vector.shape_cast %xor3A_1089 : vector<16xi32> to vector<16x1xi32>
        %gather3A_1091 = vector.shape_cast %broadcast_in_dim3A_1090 : vector<16x1xi32> to vector<16xi32>
        %gather3A_1092 = tpu.dynamic_gather %add3A_1085[%gather3A_1091] in [0] : vector<16xf32>, vector<16xi32> -> vector<16xf32>
        %add3A_1093 = arith.addf %add3A_1085, %gather3A_1092 : vector<16xf32>
        %iota3A_1094 = tpu.iota {dimensions = array<i32: 0>} : vector<16xi32>
        %xor3A_1095 = arith.constant 8 : i32
        %xor3A_1096 = vector.broadcast %xor3A_1095 : i32 to vector<16xi32>
        %xor3A_1097 = arith.xori %iota3A_1094, %xor3A_1096 : vector<16xi32>
        %broadcast_in_dim3A_1098 = vector.shape_cast %xor3A_1097 : vector<16xi32> to vector<16x1xi32>
        %gather3A_1099 = vector.shape_cast %broadcast_in_dim3A_1098 : vector<16x1xi32> to vector<16xi32>
        %gather3A_1100 = tpu.dynamic_gather %add3A_1093[%gather3A_1099] in [0] : vector<16xf32>, vector<16xi32> -> vector<16xf32>
        %add3A_1101 = arith.addf %add3A_1093, %gather3A_1100 : vector<16xf32>
        %mul3A_1102 = arith.constant 7.812500e-03 : f32
        %mul3A_1103 = vector.broadcast %mul3A_1102 : f32 to vector<16xf32>
        %mul3A_1104 = arith.mulf %add3A_1101, %mul3A_1103 : vector<16xf32>
        %iota3A_1105 = tpu.iota {dimensions = array<i32: 0>} : vector<16xi32>
        %xor3A_1106 = arith.constant 1 : i32
        %xor3A_1107 = vector.broadcast %xor3A_1106 : i32 to vector<16xi32>
        %xor3A_1108 = arith.xori %iota3A_1105, %xor3A_1107 : vector<16xi32>
        %broadcast_in_dim3A_1109 = vector.shape_cast %xor3A_1108 : vector<16xi32> to vector<16x1xi32>
        %gather3A_1110 = vector.shape_cast %broadcast_in_dim3A_1109 : vector<16x1xi32> to vector<16xi32>
        %gather3A_1111 = tpu.dynamic_gather %add3A_1069[%gather3A_1110] in [0] : vector<16xf32>, vector<16xi32> -> vector<16xf32>
        %add3A_1112 = arith.addf %add3A_1069, %gather3A_1111 : vector<16xf32>
        %iota3A_1113 = tpu.iota {dimensions = array<i32: 0>} : vector<16xi32>
        %xor3A_1114 = arith.constant 2 : i32
        %xor3A_1115 = vector.broadcast %xor3A_1114 : i32 to vector<16xi32>
        %xor3A_1116 = arith.xori %iota3A_1113, %xor3A_1115 : vector<16xi32>
        %broadcast_in_dim3A_1117 = vector.shape_cast %xor3A_1116 : vector<16xi32> to vector<16x1xi32>
        %gather3A_1118 = vector.shape_cast %broadcast_in_dim3A_1117 : vector<16x1xi32> to vector<16xi32>
        %gather3A_1119 = tpu.dynamic_gather %add3A_1112[%gather3A_1118] in [0] : vector<16xf32>, vector<16xi32> -> vector<16xf32>
        %add3A_1120 = arith.addf %add3A_1112, %gather3A_1119 : vector<16xf32>
        %iota3A_1121 = tpu.iota {dimensions = array<i32: 0>} : vector<16xi32>
        %xor3A_1122 = arith.constant 4 : i32
        %xor3A_1123 = vector.broadcast %xor3A_1122 : i32 to vector<16xi32>
        %xor3A_1124 = arith.xori %iota3A_1121, %xor3A_1123 : vector<16xi32>
        %broadcast_in_dim3A_1125 = vector.shape_cast %xor3A_1124 : vector<16xi32> to vector<16x1xi32>
        %gather3A_1126 = vector.shape_cast %broadcast_in_dim3A_1125 : vector<16x1xi32> to vector<16xi32>
        %gather3A_1127 = tpu.dynamic_gather %add3A_1120[%gather3A_1126] in [0] : vector<16xf32>, vector<16xi32> -> vector<16xf32>
        %add3A_1128 = arith.addf %add3A_1120, %gather3A_1127 : vector<16xf32>
        %iota3A_1129 = tpu.iota {dimensions = array<i32: 0>} : vector<16xi32>
        %xor3A_1130 = arith.constant 8 : i32
        %xor3A_1131 = vector.broadcast %xor3A_1130 : i32 to vector<16xi32>
        %xor3A_1132 = arith.xori %iota3A_1129, %xor3A_1131 : vector<16xi32>
        %broadcast_in_dim3A_1133 = vector.shape_cast %xor3A_1132 : vector<16xi32> to vector<16x1xi32>
        %gather3A_1134 = vector.shape_cast %broadcast_in_dim3A_1133 : vector<16x1xi32> to vector<16xi32>
        %gather3A_1135 = tpu.dynamic_gather %add3A_1128[%gather3A_1134] in [0] : vector<16xf32>, vector<16xi32> -> vector<16xf32>
        %add3A_1136 = arith.addf %add3A_1128, %gather3A_1135 : vector<16xf32>
        %mul3A_1137 = arith.constant 7.812500e-03 : f32
        %mul3A_1138 = vector.broadcast %mul3A_1137 : f32 to vector<16xf32>
        %mul3A_1139 = arith.mulf %add3A_1136, %mul3A_1138 : vector<16xf32>
        %mul3A_1140 = arith.mulf %mul3A_1104, %mul3A_1104 : vector<16xf32>
        %sub3A_1141 = arith.subf %mul3A_1139, %mul3A_1140 : vector<16xf32>
        %add3A_1142 = arith.constant 9.99999996E-13 : f32
        %add3A_1143 = vector.broadcast %add3A_1142 : f32 to vector<16xf32>
        %add3A_1144 = arith.addf %sub3A_1141, %add3A_1143 : vector<16xf32>
        %bitcast_convert_type3A_1145 = tpu.bitcast %add3A_1144 : vector<16xf32> -> vector<16xi32>
        %shift_right_arithmetic3A_1146 = arith.constant 1 : i32
        %shift_right_arithmetic3A_1147 = vector.broadcast %shift_right_arithmetic3A_1146 : i32 to vector<16xi32>
        %shift_right_arithmetic3A_1148 = arith.shrsi %bitcast_convert_type3A_1145, %shift_right_arithmetic3A_1147 : vector<16xi32>
        %sub3A_1149 = arith.constant 1597463007 : i32
        %sub3A_1150 = vector.broadcast %sub3A_1149 : i32 to vector<16xi32>
        %sub3A_1151 = arith.subi %sub3A_1150, %shift_right_arithmetic3A_1148 : vector<16xi32>
        %bitcast_convert_type3A_1152 = tpu.bitcast %sub3A_1151 : vector<16xi32> -> vector<16xf32>
        %mul3A_1153 = arith.constant 5.000000e-01 : f32
        %mul3A_1154 = vector.broadcast %mul3A_1153 : f32 to vector<16xf32>
        %mul3A_1155 = arith.mulf %mul3A_1154, %add3A_1144 : vector<16xf32>
        %mul3A_1156 = arith.mulf %mul3A_1155, %bitcast_convert_type3A_1152 : vector<16xf32>
        %mul3A_1157 = arith.mulf %mul3A_1156, %bitcast_convert_type3A_1152 : vector<16xf32>
        %sub3A_1158 = arith.constant 1.500000e+00 : f32
        %sub3A_1159 = vector.broadcast %sub3A_1158 : f32 to vector<16xf32>
        %sub3A_1160 = arith.subf %sub3A_1159, %mul3A_1157 : vector<16xf32>
        %mul3A_1161 = arith.mulf %bitcast_convert_type3A_1152, %sub3A_1160 : vector<16xf32>
        %mul3A_1162 = arith.constant 5.000000e-01 : f32
        %mul3A_1163 = vector.broadcast %mul3A_1162 : f32 to vector<16xf32>
        %mul3A_1164 = arith.mulf %mul3A_1163, %add3A_1144 : vector<16xf32>
        %mul3A_1165 = arith.mulf %mul3A_1164, %mul3A_1161 : vector<16xf32>
        %mul3A_1166 = arith.mulf %mul3A_1165, %mul3A_1161 : vector<16xf32>
        %sub3A_1167 = arith.constant 1.500000e+00 : f32
        %sub3A_1168 = vector.broadcast %sub3A_1167 : f32 to vector<16xf32>
        %sub3A_1169 = arith.subf %sub3A_1168, %mul3A_1166 : vector<16xf32>
        %mul3A_1170 = arith.mulf %mul3A_1161, %sub3A_1169 : vector<16xf32>
        %sub3A_1171 = arith.subf %get3A_1010, %mul3A_1104 : vector<16xf32>
        %mul3A_1172 = arith.mulf %sub3A_1171, %mul3A_1170 : vector<16xf32>
        %mul3A_1173 = arith.mulf %mul3A_1172, %get3A_4 : vector<16xf32>
        %add3A_1174 = arith.addf %mul3A_1173, %get3A_28 : vector<16xf32>
        %swap3A_1175 = arith.index_cast %rem3A_440 : i32 to index
        %swap3A_1176 = arith.index_cast %scan3A_1001 : i32 to index
        %swap3A_1177 = arith.constant 0 : index
        %swap3A_1178 = tpu.vector_load %arg10[%swap3A_1175, %swap3A_1176, %swap3A_1177] {strides = array<i32>} : memref<6x80x128xf32, #tpu.memory_space<vmem>>, vector<1x1x16xf32>,
        %swap3A_1179 = vector.shape_cast %swap3A_1178 : vector<1x1x16xf32> to vector<16xf32>
        %swap3A_1180 = vector.shape_cast %add3A_1174 : vector<16xf32> to vector<1x1x16xf32>
        tpu.vector_store %arg10[%swap3A_1175, %swap3A_1176, %swap3A_1177], %swap3A_1180 {strides = array<i32>} : memref<6x80x128xf32, #tpu.memory_space<vmem>>, vector<1x1x16xf32>,
        %sub3A_1181 = arith.subf %get3A_1018, %mul3A_1104 : vector<16xf32>
        %mul3A_1182 = arith.mulf %sub3A_1181, %mul3A_1170 : vector<16xf32>
        %mul3A_1183 = arith.mulf %mul3A_1182, %get3A_7 : vector<16xf32>
        %add3A_1184 = arith.addf %mul3A_1183, %get3A_31 : vector<16xf32>
        %swap3A_1185 = arith.index_cast %rem3A_440 : i32 to index
        %swap3A_1186 = arith.index_cast %scan3A_1001 : i32 to index
        %swap3A_1187 = arith.constant 16 : index
        %swap3A_1188 = tpu.vector_load %arg10[%swap3A_1185, %swap3A_1186, %swap3A_1187] {strides = array<i32>} : memref<6x80x128xf32, #tpu.memory_space<vmem>>, vector<1x1x16xf32>,
        %swap3A_1189 = vector.shape_cast %swap3A_1188 : vector<1x1x16xf32> to vector<16xf32>
        %swap3A_1190 = vector.shape_cast %add3A_1184 : vector<16xf32> to vector<1x1x16xf32>
        tpu.vector_store %arg10[%swap3A_1185, %swap3A_1186, %swap3A_1187], %swap3A_1190 {strides = array<i32>} : memref<6x80x128xf32, #tpu.memory_space<vmem>>, vector<1x1x16xf32>,
        %sub3A_1191 = arith.subf %get3A_1026, %mul3A_1104 : vector<16xf32>
        %mul3A_1192 = arith.mulf %sub3A_1191, %mul3A_1170 : vector<16xf32>
        %mul3A_1193 = arith.mulf %mul3A_1192, %get3A_10 : vector<16xf32>
        %add3A_1194 = arith.addf %mul3A_1193, %get3A_34 : vector<16xf32>
        %swap3A_1195 = arith.index_cast %rem3A_440 : i32 to index
        %swap3A_1196 = arith.index_cast %scan3A_1001 : i32 to index
        %swap3A_1197 = arith.constant 32 : index
        %swap3A_1198 = tpu.vector_load %arg10[%swap3A_1195, %swap3A_1196, %swap3A_1197] {strides = array<i32>} : memref<6x80x128xf32, #tpu.memory_space<vmem>>, vector<1x1x16xf32>,
        %swap3A_1199 = vector.shape_cast %swap3A_1198 : vector<1x1x16xf32> to vector<16xf32>
        %swap3A_1200 = vector.shape_cast %add3A_1194 : vector<16xf32> to vector<1x1x16xf32>
        tpu.vector_store %arg10[%swap3A_1195, %swap3A_1196, %swap3A_1197], %swap3A_1200 {strides = array<i32>} : memref<6x80x128xf32, #tpu.memory_space<vmem>>, vector<1x1x16xf32>,
        %sub3A_1201 = arith.subf %get3A_1034, %mul3A_1104 : vector<16xf32>
        %mul3A_1202 = arith.mulf %sub3A_1201, %mul3A_1170 : vector<16xf32>
        %mul3A_1203 = arith.mulf %mul3A_1202, %get3A_13 : vector<16xf32>
        %add3A_1204 = arith.addf %mul3A_1203, %get3A_37 : vector<16xf32>
        %swap3A_1205 = arith.index_cast %rem3A_440 : i32 to index
        %swap3A_1206 = arith.index_cast %scan3A_1001 : i32 to index
        %swap3A_1207 = arith.constant 48 : index
        %swap3A_1208 = tpu.vector_load %arg10[%swap3A_1205, %swap3A_1206, %swap3A_1207] {strides = array<i32>} : memref<6x80x128xf32, #tpu.memory_space<vmem>>, vector<1x1x16xf32>,
        %swap3A_1209 = vector.shape_cast %swap3A_1208 : vector<1x1x16xf32> to vector<16xf32>
        %swap3A_1210 = vector.shape_cast %add3A_1204 : vector<16xf32> to vector<1x1x16xf32>
        tpu.vector_store %arg10[%swap3A_1205, %swap3A_1206, %swap3A_1207], %swap3A_1210 {strides = array<i32>} : memref<6x80x128xf32, #tpu.memory_space<vmem>>, vector<1x1x16xf32>,
        %sub3A_1211 = arith.subf %get3A_1042, %mul3A_1104 : vector<16xf32>
        %mul3A_1212 = arith.mulf %sub3A_1211, %mul3A_1170 : vector<16xf32>
        %mul3A_1213 = arith.mulf %mul3A_1212, %get3A_16 : vector<16xf32>
        %add3A_1214 = arith.addf %mul3A_1213, %get3A_40 : vector<16xf32>
        %swap3A_1215 = arith.index_cast %rem3A_440 : i32 to index
        %swap3A_1216 = arith.index_cast %scan3A_1001 : i32 to index
        %swap3A_1217 = arith.constant 64 : index
        %swap3A_1218 = tpu.vector_load %arg10[%swap3A_1215, %swap3A_1216, %swap3A_1217] {strides = array<i32>} : memref<6x80x128xf32, #tpu.memory_space<vmem>>, vector<1x1x16xf32>,
        %swap3A_1219 = vector.shape_cast %swap3A_1218 : vector<1x1x16xf32> to vector<16xf32>
        %swap3A_1220 = vector.shape_cast %add3A_1214 : vector<16xf32> to vector<1x1x16xf32>
        tpu.vector_store %arg10[%swap3A_1215, %swap3A_1216, %swap3A_1217], %swap3A_1220 {strides = array<i32>} : memref<6x80x128xf32, #tpu.memory_space<vmem>>, vector<1x1x16xf32>,
        %sub3A_1221 = arith.subf %get3A_1050, %mul3A_1104 : vector<16xf32>
        %mul3A_1222 = arith.mulf %sub3A_1221, %mul3A_1170 : vector<16xf32>
        %mul3A_1223 = arith.mulf %mul3A_1222, %get3A_19 : vector<16xf32>
        %add3A_1224 = arith.addf %mul3A_1223, %get3A_43 : vector<16xf32>
        %swap3A_1225 = arith.index_cast %rem3A_440 : i32 to index
        %swap3A_1226 = arith.index_cast %scan3A_1001 : i32 to index
        %swap3A_1227 = arith.constant 80 : index
        %swap3A_1228 = tpu.vector_load %arg10[%swap3A_1225, %swap3A_1226, %swap3A_1227] {strides = array<i32>} : memref<6x80x128xf32, #tpu.memory_space<vmem>>, vector<1x1x16xf32>,
        %swap3A_1229 = vector.shape_cast %swap3A_1228 : vector<1x1x16xf32> to vector<16xf32>
        %swap3A_1230 = vector.shape_cast %add3A_1224 : vector<16xf32> to vector<1x1x16xf32>
        tpu.vector_store %arg10[%swap3A_1225, %swap3A_1226, %swap3A_1227], %swap3A_1230 {strides = array<i32>} : memref<6x80x128xf32, #tpu.memory_space<vmem>>, vector<1x1x16xf32>,
        %sub3A_1231 = arith.subf %get3A_1058, %mul3A_1104 : vector<16xf32>
        %mul3A_1232 = arith.mulf %sub3A_1231, %mul3A_1170 : vector<16xf32>
        %mul3A_1233 = arith.mulf %mul3A_1232, %get3A_22 : vector<16xf32>
        %add3A_1234 = arith.addf %mul3A_1233, %get3A_46 : vector<16xf32>
        %swap3A_1235 = arith.index_cast %rem3A_440 : i32 to index
        %swap3A_1236 = arith.index_cast %scan3A_1001 : i32 to index
        %swap3A_1237 = arith.constant 96 : index
        %swap3A_1238 = tpu.vector_load %arg10[%swap3A_1235, %swap3A_1236, %swap3A_1237] {strides = array<i32>} : memref<6x80x128xf32, #tpu.memory_space<vmem>>, vector<1x1x16xf32>,
        %swap3A_1239 = vector.shape_cast %swap3A_1238 : vector<1x1x16xf32> to vector<16xf32>
        %swap3A_1240 = vector.shape_cast %add3A_1234 : vector<16xf32> to vector<1x1x16xf32>
        tpu.vector_store %arg10[%swap3A_1235, %swap3A_1236, %swap3A_1237], %swap3A_1240 {strides = array<i32>} : memref<6x80x128xf32, #tpu.memory_space<vmem>>, vector<1x1x16xf32>,
        %sub3A_1241 = arith.subf %get3A_1066, %mul3A_1104 : vector<16xf32>
        %mul3A_1242 = arith.mulf %sub3A_1241, %mul3A_1170 : vector<16xf32>
        %mul3A_1243 = arith.mulf %mul3A_1242, %get3A_25 : vector<16xf32>
        %add3A_1244 = arith.addf %mul3A_1243, %get3A_49 : vector<16xf32>
        %swap3A_1245 = arith.index_cast %rem3A_440 : i32 to index
        %swap3A_1246 = arith.index_cast %scan3A_1001 : i32 to index
        %swap3A_1247 = arith.constant 112 : index
        %swap3A_1248 = tpu.vector_load %arg10[%swap3A_1245, %swap3A_1246, %swap3A_1247] {strides = array<i32>} : memref<6x80x128xf32, #tpu.memory_space<vmem>>, vector<1x1x16xf32>,
        %swap3A_1249 = vector.shape_cast %swap3A_1248 : vector<1x1x16xf32> to vector<16xf32>
        %swap3A_1250 = vector.shape_cast %add3A_1244 : vector<16xf32> to vector<1x1x16xf32>
        tpu.vector_store %arg10[%swap3A_1245, %swap3A_1246, %swap3A_1247], %swap3A_1250 {strides = array<i32>} : memref<6x80x128xf32, #tpu.memory_space<vmem>>, vector<1x1x16xf32>,
        %scan3A_1251 = arith.constant 3 : i32
        %scan3A_1252 = arith.addi %scan3A_507, %scan3A_1251 : i32
        %broadcast_in_dim3A_1253 = arith.constant 0.000000e+00 : f32
        %broadcast_in_dim3A_1254 = vector.broadcast %broadcast_in_dim3A_1253 : f32 to vector<16xf32>
        %broadcast_in_dim3A_1255 = arith.constant 0.000000e+00 : f32
        %broadcast_in_dim3A_1256 = vector.broadcast %broadcast_in_dim3A_1255 : f32 to vector<16xf32>
        %get3A_1257 = arith.index_cast %rem3A_440 : i32 to index
        %get3A_1258 = arith.index_cast %scan3A_1252 : i32 to index
        %get3A_1259 = arith.constant 0 : index
        %get3A_1260 = tpu.vector_load %arg10[%get3A_1257, %get3A_1258, %get3A_1259] {strides = array<i32>} : memref<6x80x128xf32, #tpu.memory_space<vmem>>, vector<1x1x16xf32>,
        %get3A_1261 = vector.shape_cast %get3A_1260 : vector<1x1x16xf32> to vector<16xf32>
        %add3A_1262 = arith.addf %broadcast_in_dim3A_1254, %get3A_1261 : vector<16xf32>
        %mul3A_1263 = arith.mulf %get3A_1261, %get3A_1261 : vector<16xf32>
        %add3A_1264 = arith.addf %broadcast_in_dim3A_1256, %mul3A_1263 : vector<16xf32>
        %get3A_1265 = arith.index_cast %rem3A_440 : i32 to index
        %get3A_1266 = arith.index_cast %scan3A_1252 : i32 to index
        %get3A_1267 = arith.constant 16 : index
        %get3A_1268 = tpu.vector_load %arg10[%get3A_1265, %get3A_1266, %get3A_1267] {strides = array<i32>} : memref<6x80x128xf32, #tpu.memory_space<vmem>>, vector<1x1x16xf32>,
        %get3A_1269 = vector.shape_cast %get3A_1268 : vector<1x1x16xf32> to vector<16xf32>
        %add3A_1270 = arith.addf %add3A_1262, %get3A_1269 : vector<16xf32>
        %mul3A_1271 = arith.mulf %get3A_1269, %get3A_1269 : vector<16xf32>
        %add3A_1272 = arith.addf %add3A_1264, %mul3A_1271 : vector<16xf32>
        %get3A_1273 = arith.index_cast %rem3A_440 : i32 to index
        %get3A_1274 = arith.index_cast %scan3A_1252 : i32 to index
        %get3A_1275 = arith.constant 32 : index
        %get3A_1276 = tpu.vector_load %arg10[%get3A_1273, %get3A_1274, %get3A_1275] {strides = array<i32>} : memref<6x80x128xf32, #tpu.memory_space<vmem>>, vector<1x1x16xf32>,
        %get3A_1277 = vector.shape_cast %get3A_1276 : vector<1x1x16xf32> to vector<16xf32>
        %add3A_1278 = arith.addf %add3A_1270, %get3A_1277 : vector<16xf32>
        %mul3A_1279 = arith.mulf %get3A_1277, %get3A_1277 : vector<16xf32>
        %add3A_1280 = arith.addf %add3A_1272, %mul3A_1279 : vector<16xf32>
        %get3A_1281 = arith.index_cast %rem3A_440 : i32 to index
        %get3A_1282 = arith.index_cast %scan3A_1252 : i32 to index
        %get3A_1283 = arith.constant 48 : index
        %get3A_1284 = tpu.vector_load %arg10[%get3A_1281, %get3A_1282, %get3A_1283] {strides = array<i32>} : memref<6x80x128xf32, #tpu.memory_space<vmem>>, vector<1x1x16xf32>,
        %get3A_1285 = vector.shape_cast %get3A_1284 : vector<1x1x16xf32> to vector<16xf32>
        %add3A_1286 = arith.addf %add3A_1278, %get3A_1285 : vector<16xf32>
        %mul3A_1287 = arith.mulf %get3A_1285, %get3A_1285 : vector<16xf32>
        %add3A_1288 = arith.addf %add3A_1280, %mul3A_1287 : vector<16xf32>
        %get3A_1289 = arith.index_cast %rem3A_440 : i32 to index
        %get3A_1290 = arith.index_cast %scan3A_1252 : i32 to index
        %get3A_1291 = arith.constant 64 : index
        %get3A_1292 = tpu.vector_load %arg10[%get3A_1289, %get3A_1290, %get3A_1291] {strides = array<i32>} : memref<6x80x128xf32, #tpu.memory_space<vmem>>, vector<1x1x16xf32>,
        %get3A_1293 = vector.shape_cast %get3A_1292 : vector<1x1x16xf32> to vector<16xf32>
        %add3A_1294 = arith.addf %add3A_1286, %get3A_1293 : vector<16xf32>
        %mul3A_1295 = arith.mulf %get3A_1293, %get3A_1293 : vector<16xf32>
        %add3A_1296 = arith.addf %add3A_1288, %mul3A_1295 : vector<16xf32>
        %get3A_1297 = arith.index_cast %rem3A_440 : i32 to index
        %get3A_1298 = arith.index_cast %scan3A_1252 : i32 to index
        %get3A_1299 = arith.constant 80 : index
        %get3A_1300 = tpu.vector_load %arg10[%get3A_1297, %get3A_1298, %get3A_1299] {strides = array<i32>} : memref<6x80x128xf32, #tpu.memory_space<vmem>>, vector<1x1x16xf32>,
        %get3A_1301 = vector.shape_cast %get3A_1300 : vector<1x1x16xf32> to vector<16xf32>
        %add3A_1302 = arith.addf %add3A_1294, %get3A_1301 : vector<16xf32>
        %mul3A_1303 = arith.mulf %get3A_1301, %get3A_1301 : vector<16xf32>
        %add3A_1304 = arith.addf %add3A_1296, %mul3A_1303 : vector<16xf32>
        %get3A_1305 = arith.index_cast %rem3A_440 : i32 to index
        %get3A_1306 = arith.index_cast %scan3A_1252 : i32 to index
        %get3A_1307 = arith.constant 96 : index
        %get3A_1308 = tpu.vector_load %arg10[%get3A_1305, %get3A_1306, %get3A_1307] {strides = array<i32>} : memref<6x80x128xf32, #tpu.memory_space<vmem>>, vector<1x1x16xf32>,
        %get3A_1309 = vector.shape_cast %get3A_1308 : vector<1x1x16xf32> to vector<16xf32>
        %add3A_1310 = arith.addf %add3A_1302, %get3A_1309 : vector<16xf32>
        %mul3A_1311 = arith.mulf %get3A_1309, %get3A_1309 : vector<16xf32>
        %add3A_1312 = arith.addf %add3A_1304, %mul3A_1311 : vector<16xf32>
        %get3A_1313 = arith.index_cast %rem3A_440 : i32 to index
        %get3A_1314 = arith.index_cast %scan3A_1252 : i32 to index
        %get3A_1315 = arith.constant 112 : index
        %get3A_1316 = tpu.vector_load %arg10[%get3A_1313, %get3A_1314, %get3A_1315] {strides = array<i32>} : memref<6x80x128xf32, #tpu.memory_space<vmem>>, vector<1x1x16xf32>,
        %get3A_1317 = vector.shape_cast %get3A_1316 : vector<1x1x16xf32> to vector<16xf32>
        %add3A_1318 = arith.addf %add3A_1310, %get3A_1317 : vector<16xf32>
        %mul3A_1319 = arith.mulf %get3A_1317, %get3A_1317 : vector<16xf32>
        %add3A_1320 = arith.addf %add3A_1312, %mul3A_1319 : vector<16xf32>
        %iota3A_1321 = tpu.iota {dimensions = array<i32: 0>} : vector<16xi32>
        %xor3A_1322 = arith.constant 1 : i32
        %xor3A_1323 = vector.broadcast %xor3A_1322 : i32 to vector<16xi32>
        %xor3A_1324 = arith.xori %iota3A_1321, %xor3A_1323 : vector<16xi32>
        %broadcast_in_dim3A_1325 = vector.shape_cast %xor3A_1324 : vector<16xi32> to vector<16x1xi32>
        %gather3A_1326 = vector.shape_cast %broadcast_in_dim3A_1325 : vector<16x1xi32> to vector<16xi32>
        %gather3A_1327 = tpu.dynamic_gather %add3A_1318[%gather3A_1326] in [0] : vector<16xf32>, vector<16xi32> -> vector<16xf32>
        %add3A_1328 = arith.addf %add3A_1318, %gather3A_1327 : vector<16xf32>
        %iota3A_1329 = tpu.iota {dimensions = array<i32: 0>} : vector<16xi32>
        %xor3A_1330 = arith.constant 2 : i32
        %xor3A_1331 = vector.broadcast %xor3A_1330 : i32 to vector<16xi32>
        %xor3A_1332 = arith.xori %iota3A_1329, %xor3A_1331 : vector<16xi32>
        %broadcast_in_dim3A_1333 = vector.shape_cast %xor3A_1332 : vector<16xi32> to vector<16x1xi32>
        %gather3A_1334 = vector.shape_cast %broadcast_in_dim3A_1333 : vector<16x1xi32> to vector<16xi32>
        %gather3A_1335 = tpu.dynamic_gather %add3A_1328[%gather3A_1334] in [0] : vector<16xf32>, vector<16xi32> -> vector<16xf32>
        %add3A_1336 = arith.addf %add3A_1328, %gather3A_1335 : vector<16xf32>
        %iota3A_1337 = tpu.iota {dimensions = array<i32: 0>} : vector<16xi32>
        %xor3A_1338 = arith.constant 4 : i32
        %xor3A_1339 = vector.broadcast %xor3A_1338 : i32 to vector<16xi32>
        %xor3A_1340 = arith.xori %iota3A_1337, %xor3A_1339 : vector<16xi32>
        %broadcast_in_dim3A_1341 = vector.shape_cast %xor3A_1340 : vector<16xi32> to vector<16x1xi32>
        %gather3A_1342 = vector.shape_cast %broadcast_in_dim3A_1341 : vector<16x1xi32> to vector<16xi32>
        %gather3A_1343 = tpu.dynamic_gather %add3A_1336[%gather3A_1342] in [0] : vector<16xf32>, vector<16xi32> -> vector<16xf32>
        %add3A_1344 = arith.addf %add3A_1336, %gather3A_1343 : vector<16xf32>
        %iota3A_1345 = tpu.iota {dimensions = array<i32: 0>} : vector<16xi32>
        %xor3A_1346 = arith.constant 8 : i32
        %xor3A_1347 = vector.broadcast %xor3A_1346 : i32 to vector<16xi32>
        %xor3A_1348 = arith.xori %iota3A_1345, %xor3A_1347 : vector<16xi32>
        %broadcast_in_dim3A_1349 = vector.shape_cast %xor3A_1348 : vector<16xi32> to vector<16x1xi32>
        %gather3A_1350 = vector.shape_cast %broadcast_in_dim3A_1349 : vector<16x1xi32> to vector<16xi32>
        %gather3A_1351 = tpu.dynamic_gather %add3A_1344[%gather3A_1350] in [0] : vector<16xf32>, vector<16xi32> -> vector<16xf32>
        %add3A_1352 = arith.addf %add3A_1344, %gather3A_1351 : vector<16xf32>
        %mul3A_1353 = arith.constant 7.812500e-03 : f32
        %mul3A_1354 = vector.broadcast %mul3A_1353 : f32 to vector<16xf32>
        %mul3A_1355 = arith.mulf %add3A_1352, %mul3A_1354 : vector<16xf32>
        %iota3A_1356 = tpu.iota {dimensions = array<i32: 0>} : vector<16xi32>
        %xor3A_1357 = arith.constant 1 : i32
        %xor3A_1358 = vector.broadcast %xor3A_1357 : i32 to vector<16xi32>
        %xor3A_1359 = arith.xori %iota3A_1356, %xor3A_1358 : vector<16xi32>
        %broadcast_in_dim3A_1360 = vector.shape_cast %xor3A_1359 : vector<16xi32> to vector<16x1xi32>
        %gather3A_1361 = vector.shape_cast %broadcast_in_dim3A_1360 : vector<16x1xi32> to vector<16xi32>
        %gather3A_1362 = tpu.dynamic_gather %add3A_1320[%gather3A_1361] in [0] : vector<16xf32>, vector<16xi32> -> vector<16xf32>
        %add3A_1363 = arith.addf %add3A_1320, %gather3A_1362 : vector<16xf32>
        %iota3A_1364 = tpu.iota {dimensions = array<i32: 0>} : vector<16xi32>
        %xor3A_1365 = arith.constant 2 : i32
        %xor3A_1366 = vector.broadcast %xor3A_1365 : i32 to vector<16xi32>
        %xor3A_1367 = arith.xori %iota3A_1364, %xor3A_1366 : vector<16xi32>
        %broadcast_in_dim3A_1368 = vector.shape_cast %xor3A_1367 : vector<16xi32> to vector<16x1xi32>
        %gather3A_1369 = vector.shape_cast %broadcast_in_dim3A_1368 : vector<16x1xi32> to vector<16xi32>
        %gather3A_1370 = tpu.dynamic_gather %add3A_1363[%gather3A_1369] in [0] : vector<16xf32>, vector<16xi32> -> vector<16xf32>
        %add3A_1371 = arith.addf %add3A_1363, %gather3A_1370 : vector<16xf32>
        %iota3A_1372 = tpu.iota {dimensions = array<i32: 0>} : vector<16xi32>
        %xor3A_1373 = arith.constant 4 : i32
        %xor3A_1374 = vector.broadcast %xor3A_1373 : i32 to vector<16xi32>
        %xor3A_1375 = arith.xori %iota3A_1372, %xor3A_1374 : vector<16xi32>
        %broadcast_in_dim3A_1376 = vector.shape_cast %xor3A_1375 : vector<16xi32> to vector<16x1xi32>
        %gather3A_1377 = vector.shape_cast %broadcast_in_dim3A_1376 : vector<16x1xi32> to vector<16xi32>
        %gather3A_1378 = tpu.dynamic_gather %add3A_1371[%gather3A_1377] in [0] : vector<16xf32>, vector<16xi32> -> vector<16xf32>
        %add3A_1379 = arith.addf %add3A_1371, %gather3A_1378 : vector<16xf32>
        %iota3A_1380 = tpu.iota {dimensions = array<i32: 0>} : vector<16xi32>
        %xor3A_1381 = arith.constant 8 : i32
        %xor3A_1382 = vector.broadcast %xor3A_1381 : i32 to vector<16xi32>
        %xor3A_1383 = arith.xori %iota3A_1380, %xor3A_1382 : vector<16xi32>
        %broadcast_in_dim3A_1384 = vector.shape_cast %xor3A_1383 : vector<16xi32> to vector<16x1xi32>
        %gather3A_1385 = vector.shape_cast %broadcast_in_dim3A_1384 : vector<16x1xi32> to vector<16xi32>
        %gather3A_1386 = tpu.dynamic_gather %add3A_1379[%gather3A_1385] in [0] : vector<16xf32>, vector<16xi32> -> vector<16xf32>
        %add3A_1387 = arith.addf %add3A_1379, %gather3A_1386 : vector<16xf32>
        %mul3A_1388 = arith.constant 7.812500e-03 : f32
        %mul3A_1389 = vector.broadcast %mul3A_1388 : f32 to vector<16xf32>
        %mul3A_1390 = arith.mulf %add3A_1387, %mul3A_1389 : vector<16xf32>
        %mul3A_1391 = arith.mulf %mul3A_1355, %mul3A_1355 : vector<16xf32>
        %sub3A_1392 = arith.subf %mul3A_1390, %mul3A_1391 : vector<16xf32>
        %add3A_1393 = arith.constant 9.99999996E-13 : f32
        %add3A_1394 = vector.broadcast %add3A_1393 : f32 to vector<16xf32>
        %add3A_1395 = arith.addf %sub3A_1392, %add3A_1394 : vector<16xf32>
        %bitcast_convert_type3A_1396 = tpu.bitcast %add3A_1395 : vector<16xf32> -> vector<16xi32>
        %shift_right_arithmetic3A_1397 = arith.constant 1 : i32
        %shift_right_arithmetic3A_1398 = vector.broadcast %shift_right_arithmetic3A_1397 : i32 to vector<16xi32>
        %shift_right_arithmetic3A_1399 = arith.shrsi %bitcast_convert_type3A_1396, %shift_right_arithmetic3A_1398 : vector<16xi32>
        %sub3A_1400 = arith.constant 1597463007 : i32
        %sub3A_1401 = vector.broadcast %sub3A_1400 : i32 to vector<16xi32>
        %sub3A_1402 = arith.subi %sub3A_1401, %shift_right_arithmetic3A_1399 : vector<16xi32>
        %bitcast_convert_type3A_1403 = tpu.bitcast %sub3A_1402 : vector<16xi32> -> vector<16xf32>
        %mul3A_1404 = arith.constant 5.000000e-01 : f32
        %mul3A_1405 = vector.broadcast %mul3A_1404 : f32 to vector<16xf32>
        %mul3A_1406 = arith.mulf %mul3A_1405, %add3A_1395 : vector<16xf32>
        %mul3A_1407 = arith.mulf %mul3A_1406, %bitcast_convert_type3A_1403 : vector<16xf32>
        %mul3A_1408 = arith.mulf %mul3A_1407, %bitcast_convert_type3A_1403 : vector<16xf32>
        %sub3A_1409 = arith.constant 1.500000e+00 : f32
        %sub3A_1410 = vector.broadcast %sub3A_1409 : f32 to vector<16xf32>
        %sub3A_1411 = arith.subf %sub3A_1410, %mul3A_1408 : vector<16xf32>
        %mul3A_1412 = arith.mulf %bitcast_convert_type3A_1403, %sub3A_1411 : vector<16xf32>
        %mul3A_1413 = arith.constant 5.000000e-01 : f32
        %mul3A_1414 = vector.broadcast %mul3A_1413 : f32 to vector<16xf32>
        %mul3A_1415 = arith.mulf %mul3A_1414, %add3A_1395 : vector<16xf32>
        %mul3A_1416 = arith.mulf %mul3A_1415, %mul3A_1412 : vector<16xf32>
        %mul3A_1417 = arith.mulf %mul3A_1416, %mul3A_1412 : vector<16xf32>
        %sub3A_1418 = arith.constant 1.500000e+00 : f32
        %sub3A_1419 = vector.broadcast %sub3A_1418 : f32 to vector<16xf32>
        %sub3A_1420 = arith.subf %sub3A_1419, %mul3A_1417 : vector<16xf32>
        %mul3A_1421 = arith.mulf %mul3A_1412, %sub3A_1420 : vector<16xf32>
        %sub3A_1422 = arith.subf %get3A_1261, %mul3A_1355 : vector<16xf32>
        %mul3A_1423 = arith.mulf %sub3A_1422, %mul3A_1421 : vector<16xf32>
        %mul3A_1424 = arith.mulf %mul3A_1423, %get3A_4 : vector<16xf32>
        %add3A_1425 = arith.addf %mul3A_1424, %get3A_28 : vector<16xf32>
        %swap3A_1426 = arith.index_cast %rem3A_440 : i32 to index
        %swap3A_1427 = arith.index_cast %scan3A_1252 : i32 to index
        %swap3A_1428 = arith.constant 0 : index
        %swap3A_1429 = tpu.vector_load %arg10[%swap3A_1426, %swap3A_1427, %swap3A_1428] {strides = array<i32>} : memref<6x80x128xf32, #tpu.memory_space<vmem>>, vector<1x1x16xf32>,
        %swap3A_1430 = vector.shape_cast %swap3A_1429 : vector<1x1x16xf32> to vector<16xf32>
        %swap3A_1431 = vector.shape_cast %add3A_1425 : vector<16xf32> to vector<1x1x16xf32>
        tpu.vector_store %arg10[%swap3A_1426, %swap3A_1427, %swap3A_1428], %swap3A_1431 {strides = array<i32>} : memref<6x80x128xf32, #tpu.memory_space<vmem>>, vector<1x1x16xf32>,
        %sub3A_1432 = arith.subf %get3A_1269, %mul3A_1355 : vector<16xf32>
        %mul3A_1433 = arith.mulf %sub3A_1432, %mul3A_1421 : vector<16xf32>
        %mul3A_1434 = arith.mulf %mul3A_1433, %get3A_7 : vector<16xf32>
        %add3A_1435 = arith.addf %mul3A_1434, %get3A_31 : vector<16xf32>
        %swap3A_1436 = arith.index_cast %rem3A_440 : i32 to index
        %swap3A_1437 = arith.index_cast %scan3A_1252 : i32 to index
        %swap3A_1438 = arith.constant 16 : index
        %swap3A_1439 = tpu.vector_load %arg10[%swap3A_1436, %swap3A_1437, %swap3A_1438] {strides = array<i32>} : memref<6x80x128xf32, #tpu.memory_space<vmem>>, vector<1x1x16xf32>,
        %swap3A_1440 = vector.shape_cast %swap3A_1439 : vector<1x1x16xf32> to vector<16xf32>
        %swap3A_1441 = vector.shape_cast %add3A_1435 : vector<16xf32> to vector<1x1x16xf32>
        tpu.vector_store %arg10[%swap3A_1436, %swap3A_1437, %swap3A_1438], %swap3A_1441 {strides = array<i32>} : memref<6x80x128xf32, #tpu.memory_space<vmem>>, vector<1x1x16xf32>,
        %sub3A_1442 = arith.subf %get3A_1277, %mul3A_1355 : vector<16xf32>
        %mul3A_1443 = arith.mulf %sub3A_1442, %mul3A_1421 : vector<16xf32>
        %mul3A_1444 = arith.mulf %mul3A_1443, %get3A_10 : vector<16xf32>
        %add3A_1445 = arith.addf %mul3A_1444, %get3A_34 : vector<16xf32>
        %swap3A_1446 = arith.index_cast %rem3A_440 : i32 to index
        %swap3A_1447 = arith.index_cast %scan3A_1252 : i32 to index
        %swap3A_1448 = arith.constant 32 : index
        %swap3A_1449 = tpu.vector_load %arg10[%swap3A_1446, %swap3A_1447, %swap3A_1448] {strides = array<i32>} : memref<6x80x128xf32, #tpu.memory_space<vmem>>, vector<1x1x16xf32>,
        %swap3A_1450 = vector.shape_cast %swap3A_1449 : vector<1x1x16xf32> to vector<16xf32>
        %swap3A_1451 = vector.shape_cast %add3A_1445 : vector<16xf32> to vector<1x1x16xf32>
        tpu.vector_store %arg10[%swap3A_1446, %swap3A_1447, %swap3A_1448], %swap3A_1451 {strides = array<i32>} : memref<6x80x128xf32, #tpu.memory_space<vmem>>, vector<1x1x16xf32>,
        %sub3A_1452 = arith.subf %get3A_1285, %mul3A_1355 : vector<16xf32>
        %mul3A_1453 = arith.mulf %sub3A_1452, %mul3A_1421 : vector<16xf32>
        %mul3A_1454 = arith.mulf %mul3A_1453, %get3A_13 : vector<16xf32>
        %add3A_1455 = arith.addf %mul3A_1454, %get3A_37 : vector<16xf32>
        %swap3A_1456 = arith.index_cast %rem3A_440 : i32 to index
        %swap3A_1457 = arith.index_cast %scan3A_1252 : i32 to index
        %swap3A_1458 = arith.constant 48 : index
        %swap3A_1459 = tpu.vector_load %arg10[%swap3A_1456, %swap3A_1457, %swap3A_1458] {strides = array<i32>} : memref<6x80x128xf32, #tpu.memory_space<vmem>>, vector<1x1x16xf32>,
        %swap3A_1460 = vector.shape_cast %swap3A_1459 : vector<1x1x16xf32> to vector<16xf32>
        %swap3A_1461 = vector.shape_cast %add3A_1455 : vector<16xf32> to vector<1x1x16xf32>
        tpu.vector_store %arg10[%swap3A_1456, %swap3A_1457, %swap3A_1458], %swap3A_1461 {strides = array<i32>} : memref<6x80x128xf32, #tpu.memory_space<vmem>>, vector<1x1x16xf32>,
        %sub3A_1462 = arith.subf %get3A_1293, %mul3A_1355 : vector<16xf32>
        %mul3A_1463 = arith.mulf %sub3A_1462, %mul3A_1421 : vector<16xf32>
        %mul3A_1464 = arith.mulf %mul3A_1463, %get3A_16 : vector<16xf32>
        %add3A_1465 = arith.addf %mul3A_1464, %get3A_40 : vector<16xf32>
        %swap3A_1466 = arith.index_cast %rem3A_440 : i32 to index
        %swap3A_1467 = arith.index_cast %scan3A_1252 : i32 to index
        %swap3A_1468 = arith.constant 64 : index
        %swap3A_1469 = tpu.vector_load %arg10[%swap3A_1466, %swap3A_1467, %swap3A_1468] {strides = array<i32>} : memref<6x80x128xf32, #tpu.memory_space<vmem>>, vector<1x1x16xf32>,
        %swap3A_1470 = vector.shape_cast %swap3A_1469 : vector<1x1x16xf32> to vector<16xf32>
        %swap3A_1471 = vector.shape_cast %add3A_1465 : vector<16xf32> to vector<1x1x16xf32>
        tpu.vector_store %arg10[%swap3A_1466, %swap3A_1467, %swap3A_1468], %swap3A_1471 {strides = array<i32>} : memref<6x80x128xf32, #tpu.memory_space<vmem>>, vector<1x1x16xf32>,
        %sub3A_1472 = arith.subf %get3A_1301, %mul3A_1355 : vector<16xf32>
        %mul3A_1473 = arith.mulf %sub3A_1472, %mul3A_1421 : vector<16xf32>
        %mul3A_1474 = arith.mulf %mul3A_1473, %get3A_19 : vector<16xf32>
        %add3A_1475 = arith.addf %mul3A_1474, %get3A_43 : vector<16xf32>
        %swap3A_1476 = arith.index_cast %rem3A_440 : i32 to index
        %swap3A_1477 = arith.index_cast %scan3A_1252 : i32 to index
        %swap3A_1478 = arith.constant 80 : index
        %swap3A_1479 = tpu.vector_load %arg10[%swap3A_1476, %swap3A_1477, %swap3A_1478] {strides = array<i32>} : memref<6x80x128xf32, #tpu.memory_space<vmem>>, vector<1x1x16xf32>,
        %swap3A_1480 = vector.shape_cast %swap3A_1479 : vector<1x1x16xf32> to vector<16xf32>
        %swap3A_1481 = vector.shape_cast %add3A_1475 : vector<16xf32> to vector<1x1x16xf32>
        tpu.vector_store %arg10[%swap3A_1476, %swap3A_1477, %swap3A_1478], %swap3A_1481 {strides = array<i32>} : memref<6x80x128xf32, #tpu.memory_space<vmem>>, vector<1x1x16xf32>,
        %sub3A_1482 = arith.subf %get3A_1309, %mul3A_1355 : vector<16xf32>
        %mul3A_1483 = arith.mulf %sub3A_1482, %mul3A_1421 : vector<16xf32>
        %mul3A_1484 = arith.mulf %mul3A_1483, %get3A_22 : vector<16xf32>
        %add3A_1485 = arith.addf %mul3A_1484, %get3A_46 : vector<16xf32>
        %swap3A_1486 = arith.index_cast %rem3A_440 : i32 to index
        %swap3A_1487 = arith.index_cast %scan3A_1252 : i32 to index
        %swap3A_1488 = arith.constant 96 : index
        %swap3A_1489 = tpu.vector_load %arg10[%swap3A_1486, %swap3A_1487, %swap3A_1488] {strides = array<i32>} : memref<6x80x128xf32, #tpu.memory_space<vmem>>, vector<1x1x16xf32>,
        %swap3A_1490 = vector.shape_cast %swap3A_1489 : vector<1x1x16xf32> to vector<16xf32>
        %swap3A_1491 = vector.shape_cast %add3A_1485 : vector<16xf32> to vector<1x1x16xf32>
        tpu.vector_store %arg10[%swap3A_1486, %swap3A_1487, %swap3A_1488], %swap3A_1491 {strides = array<i32>} : memref<6x80x128xf32, #tpu.memory_space<vmem>>, vector<1x1x16xf32>,
        %sub3A_1492 = arith.subf %get3A_1317, %mul3A_1355 : vector<16xf32>
        %mul3A_1493 = arith.mulf %sub3A_1492, %mul3A_1421 : vector<16xf32>
        %mul3A_1494 = arith.mulf %mul3A_1493, %get3A_25 : vector<16xf32>
        %add3A_1495 = arith.addf %mul3A_1494, %get3A_49 : vector<16xf32>
        %swap3A_1496 = arith.index_cast %rem3A_440 : i32 to index
        %swap3A_1497 = arith.index_cast %scan3A_1252 : i32 to index
        %swap3A_1498 = arith.constant 112 : index
        %swap3A_1499 = tpu.vector_load %arg10[%swap3A_1496, %swap3A_1497, %swap3A_1498] {strides = array<i32>} : memref<6x80x128xf32, #tpu.memory_space<vmem>>, vector<1x1x16xf32>,
        %swap3A_1500 = vector.shape_cast %swap3A_1499 : vector<1x1x16xf32> to vector<16xf32>
        %swap3A_1501 = vector.shape_cast %add3A_1495 : vector<16xf32> to vector<1x1x16xf32>
        tpu.vector_store %arg10[%swap3A_1496, %swap3A_1497, %swap3A_1498], %swap3A_1501 {strides = array<i32>} : memref<6x80x128xf32, #tpu.memory_space<vmem>>, vector<1x1x16xf32>,
      }
      %scan3A_489 = arith.constant 80 : i32
      %mul3A_490 = arith.constant 80 : i32
      %mul3A_491 = arith.muli %scan3A_439, %mul3A_490 : i32
      %add3A_492 = arith.addi %mul3A_2, %mul3A_491 : i32
      %dma_start3A_493 = arith.constant 0 : i32
      %dma_start3A_494 = arith.constant 0 : i32
      %dma_start3A_495 = tpu.memref_slice %arg10[%rem3A_440, %dma_start3A_493, %dma_start3A_494] : memref<6x80x128xf32, #tpu.memory_space<vmem>> -> memref<1x80x128xf32, #tpu.memory_space<vmem>>
      %dma_start3A_496 = tpu.memref_squeeze %dma_start3A_495 : memref<1x80x128xf32, #tpu.memory_space<vmem>> -> memref<80x128xf32, #tpu.memory_space<vmem>>
      %dma_start3A_497 = arith.constant 0 : i32
      %dma_start3A_498 = tpu.memref_slice %arg8[%add3A_492, %dma_start3A_497] : memref<204800x128xf32, #tpu.memory_space<hbm>> -> memref<80x128xf32, #tpu.memory_space<hbm>>
      %dma_start3A_499 = tpu.memref_slice %arg16[%rem3A_440] : memref<6x!tpu.dma_semaphore, #tpu.memory_space<semaphore_mem>> -> memref<1x!tpu.dma_semaphore, #tpu.memory_space<semaphore_mem>>
      %dma_start3A_500 = tpu.memref_squeeze %dma_start3A_499 : memref<1x!tpu.dma_semaphore, #tpu.memory_space<semaphore_mem>> -> memref<!tpu.dma_semaphore, #tpu.memory_space<semaphore_mem>>
      %dma_start3A_501 = arith.constant 0 : i32
      %dma_start3A_502 = tpu.memref_slice %arg8[%add3A_492, %dma_start3A_501] : memref<204800x128xf32, #tpu.memory_space<hbm>> -> memref<80x128xf32, #tpu.memory_space<hbm>>
      %dma_start3A_503 = arith.constant 0 : i32
      %dma_start3A_504 = arith.constant 0 : i32
      %dma_start3A_505 = tpu.memref_slice %arg10[%rem3A_440, %dma_start3A_503, %dma_start3A_504] : memref<6x80x128xf32, #tpu.memory_space<vmem>> -> memref<1x80x128xf32, #tpu.memory_space<vmem>>
      %dma_start3A_506 = tpu.memref_squeeze %dma_start3A_505 : memref<1x80x128xf32, #tpu.memory_space<vmem>> -> memref<80x128xf32, #tpu.memory_space<vmem>>
      tpu.enqueue_dma source(%dma_start3A_506 : memref<80x128xf32, #tpu.memory_space<vmem>>) target(%dma_start3A_502 : memref<80x128xf32, #tpu.memory_space<hbm>>) target_semaphore(%dma_start3A_500 : memref<!tpu.dma_semaphore, #tpu.memory_space<semaphore_mem>>)
    }
    %scan3A_342 = arith.constant 80 : i32
    %dma_wait3A_343 = arith.constant 2 : i32
    %dma_wait3A_344 = arith.constant 2 : i32
    %dma_wait3A_345 = arith.constant 0 : i32
    %dma_wait3A_346 = arith.constant 0 : i32
    %dma_wait3A_347 = tpu.memref_slice %arg10[%dma_wait3A_343, %dma_wait3A_345, %dma_wait3A_346] : memref<6x80x128xf32, #tpu.memory_space<vmem>> -> memref<1x80x128xf32, #tpu.memory_space<vmem>>
    %dma_wait3A_348 = tpu.memref_squeeze %dma_wait3A_347 : memref<1x80x128xf32, #tpu.memory_space<vmem>> -> memref<80x128xf32, #tpu.memory_space<vmem>>
    %dma_wait3A_349 = arith.constant 0 : i32
    %dma_wait3A_350 = tpu.memref_slice %arg8[%mul3A_2, %dma_wait3A_349] : memref<204800x128xf32, #tpu.memory_space<hbm>> -> memref<80x128xf32, #tpu.memory_space<hbm>>
    %dma_wait3A_351 = tpu.memref_slice %arg16[%dma_wait3A_344] : memref<6x!tpu.dma_semaphore, #tpu.memory_space<semaphore_mem>> -> memref<1x!tpu.dma_semaphore, #tpu.memory_space<semaphore_mem>>
    %dma_wait3A_352 = tpu.memref_squeeze %dma_wait3A_351 : memref<1x!tpu.dma_semaphore, #tpu.memory_space<semaphore_mem>> -> memref<!tpu.dma_semaphore, #tpu.memory_space<semaphore_mem>>
    %dma_wait3A_353 = arith.constant 0 : i32
    %dma_wait3A_354 = tpu.memref_slice %arg8[%mul3A_2, %dma_wait3A_353] : memref<204800x128xf32, #tpu.memory_space<hbm>> -> memref<80x128xf32, #tpu.memory_space<hbm>>
    %dma_wait3A_355 = arith.constant 0 : i32
    %dma_wait3A_356 = arith.constant 0 : i32
    %dma_wait3A_357 = tpu.memref_slice %arg10[%dma_wait3A_343, %dma_wait3A_355, %dma_wait3A_356] : memref<6x80x128xf32, #tpu.memory_space<vmem>> -> memref<1x80x128xf32, #tpu.memory_space<vmem>>
    %dma_wait3A_358 = tpu.memref_squeeze %dma_wait3A_357 : memref<1x80x128xf32, #tpu.memory_space<vmem>> -> memref<80x128xf32, #tpu.memory_space<vmem>>
    tpu.wait_dma2 semaphore(%dma_wait3A_352 : memref<!tpu.dma_semaphore, #tpu.memory_space<semaphore_mem>>) src(%dma_wait3A_358 : memref<80x128xf32, #tpu.memory_space<vmem>>) dst(%dma_wait3A_354 : memref<80x128xf32, #tpu.memory_space<hbm>>)
    %dma_wait3A_359 = arith.constant 3 : i32
    %dma_wait3A_360 = arith.constant 3 : i32
    %dma_wait3A_361 = arith.constant 0 : i32
    %dma_wait3A_362 = arith.constant 0 : i32
    %dma_wait3A_363 = tpu.memref_slice %arg10[%dma_wait3A_359, %dma_wait3A_361, %dma_wait3A_362] : memref<6x80x128xf32, #tpu.memory_space<vmem>> -> memref<1x80x128xf32, #tpu.memory_space<vmem>>
    %dma_wait3A_364 = tpu.memref_squeeze %dma_wait3A_363 : memref<1x80x128xf32, #tpu.memory_space<vmem>> -> memref<80x128xf32, #tpu.memory_space<vmem>>
    %dma_wait3A_365 = arith.constant 0 : i32
    %dma_wait3A_366 = tpu.memref_slice %arg8[%mul3A_2, %dma_wait3A_365] : memref<204800x128xf32, #tpu.memory_space<hbm>> -> memref<80x128xf32, #tpu.memory_space<hbm>>
    %dma_wait3A_367 = tpu.memref_slice %arg16[%dma_wait3A_360] : memref<6x!tpu.dma_semaphore, #tpu.memory_space<semaphore_mem>> -> memref<1x!tpu.dma_semaphore, #tpu.memory_space<semaphore_mem>>
    %dma_wait3A_368 = tpu.memref_squeeze %dma_wait3A_367 : memref<1x!tpu.dma_semaphore, #tpu.memory_space<semaphore_mem>> -> memref<!tpu.dma_semaphore, #tpu.memory_space<semaphore_mem>>
    %dma_wait3A_369 = arith.constant 0 : i32
    %dma_wait3A_370 = tpu.memref_slice %arg8[%mul3A_2, %dma_wait3A_369] : memref<204800x128xf32, #tpu.memory_space<hbm>> -> memref<80x128xf32, #tpu.memory_space<hbm>>
    %dma_wait3A_371 = arith.constant 0 : i32
    %dma_wait3A_372 = arith.constant 0 : i32
    %dma_wait3A_373 = tpu.memref_slice %arg10[%dma_wait3A_359, %dma_wait3A_371, %dma_wait3A_372] : memref<6x80x128xf32, #tpu.memory_space<vmem>> -> memref<1x80x128xf32, #tpu.memory_space<vmem>>
    %dma_wait3A_374 = tpu.memref_squeeze %dma_wait3A_373 : memref<1x80x128xf32, #tpu.memory_space<vmem>> -> memref<80x128xf32, #tpu.memory_space<vmem>>
    tpu.wait_dma2 semaphore(%dma_wait3A_368 : memref<!tpu.dma_semaphore, #tpu.memory_space<semaphore_mem>>) src(%dma_wait3A_374 : memref<80x128xf32, #tpu.memory_space<vmem>>) dst(%dma_wait3A_370 : memref<80x128xf32, #tpu.memory_space<hbm>>)
    %dma_wait3A_375 = arith.constant 4 : i32
    %dma_wait3A_376 = arith.constant 4 : i32
    %dma_wait3A_377 = arith.constant 0 : i32
    %dma_wait3A_378 = arith.constant 0 : i32
    %dma_wait3A_379 = tpu.memref_slice %arg10[%dma_wait3A_375, %dma_wait3A_377, %dma_wait3A_378] : memref<6x80x128xf32, #tpu.memory_space<vmem>> -> memref<1x80x128xf32, #tpu.memory_space<vmem>>
    %dma_wait3A_380 = tpu.memref_squeeze %dma_wait3A_379 : memref<1x80x128xf32, #tpu.memory_space<vmem>> -> memref<80x128xf32, #tpu.memory_space<vmem>>
    %dma_wait3A_381 = arith.constant 0 : i32
    %dma_wait3A_382 = tpu.memref_slice %arg8[%mul3A_2, %dma_wait3A_381] : memref<204800x128xf32, #tpu.memory_space<hbm>> -> memref<80x128xf32, #tpu.memory_space<hbm>>
    %dma_wait3A_383 = tpu.memref_slice %arg16[%dma_wait3A_376] : memref<6x!tpu.dma_semaphore, #tpu.memory_space<semaphore_mem>> -> memref<1x!tpu.dma_semaphore, #tpu.memory_space<semaphore_mem>>
    %dma_wait3A_384 = tpu.memref_squeeze %dma_wait3A_383 : memref<1x!tpu.dma_semaphore, #tpu.memory_space<semaphore_mem>> -> memref<!tpu.dma_semaphore, #tpu.memory_space<semaphore_mem>>
    %dma_wait3A_385 = arith.constant 0 : i32
    %dma_wait3A_386 = tpu.memref_slice %arg8[%mul3A_2, %dma_wait3A_385] : memref<204800x128xf32, #tpu.memory_space<hbm>> -> memref<80x128xf32, #tpu.memory_space<hbm>>
    %dma_wait3A_387 = arith.constant 0 : i32
    %dma_wait3A_388 = arith.constant 0 : i32
    %dma_wait3A_389 = tpu.memref_slice %arg10[%dma_wait3A_375, %dma_wait3A_387, %dma_wait3A_388] : memref<6x80x128xf32, #tpu.memory_space<vmem>> -> memref<1x80x128xf32, #tpu.memory_space<vmem>>
    %dma_wait3A_390 = tpu.memref_squeeze %dma_wait3A_389 : memref<1x80x128xf32, #tpu.memory_space<vmem>> -> memref<80x128xf32, #tpu.memory_space<vmem>>
    tpu.wait_dma2 semaphore(%dma_wait3A_384 : memref<!tpu.dma_semaphore, #tpu.memory_space<semaphore_mem>>) src(%dma_wait3A_390 : memref<80x128xf32, #tpu.memory_space<vmem>>) dst(%dma_wait3A_386 : memref<80x128xf32, #tpu.memory_space<hbm>>)
    %dma_wait3A_391 = arith.constant 5 : i32
    %dma_wait3A_392 = arith.constant 5 : i32
    %dma_wait3A_393 = arith.constant 0 : i32
    %dma_wait3A_394 = arith.constant 0 : i32
    %dma_wait3A_395 = tpu.memref_slice %arg10[%dma_wait3A_391, %dma_wait3A_393, %dma_wait3A_394] : memref<6x80x128xf32, #tpu.memory_space<vmem>> -> memref<1x80x128xf32, #tpu.memory_space<vmem>>
    %dma_wait3A_396 = tpu.memref_squeeze %dma_wait3A_395 : memref<1x80x128xf32, #tpu.memory_space<vmem>> -> memref<80x128xf32, #tpu.memory_space<vmem>>
    %dma_wait3A_397 = arith.constant 0 : i32
    %dma_wait3A_398 = tpu.memref_slice %arg8[%mul3A_2, %dma_wait3A_397] : memref<204800x128xf32, #tpu.memory_space<hbm>> -> memref<80x128xf32, #tpu.memory_space<hbm>>
    %dma_wait3A_399 = tpu.memref_slice %arg16[%dma_wait3A_392] : memref<6x!tpu.dma_semaphore, #tpu.memory_space<semaphore_mem>> -> memref<1x!tpu.dma_semaphore, #tpu.memory_space<semaphore_mem>>
    %dma_wait3A_400 = tpu.memref_squeeze %dma_wait3A_399 : memref<1x!tpu.dma_semaphore, #tpu.memory_space<semaphore_mem>> -> memref<!tpu.dma_semaphore, #tpu.memory_space<semaphore_mem>>
    %dma_wait3A_401 = arith.constant 0 : i32
    %dma_wait3A_402 = tpu.memref_slice %arg8[%mul3A_2, %dma_wait3A_401] : memref<204800x128xf32, #tpu.memory_space<hbm>> -> memref<80x128xf32, #tpu.memory_space<hbm>>
    %dma_wait3A_403 = arith.constant 0 : i32
    %dma_wait3A_404 = arith.constant 0 : i32
    %dma_wait3A_405 = tpu.memref_slice %arg10[%dma_wait3A_391, %dma_wait3A_403, %dma_wait3A_404] : memref<6x80x128xf32, #tpu.memory_space<vmem>> -> memref<1x80x128xf32, #tpu.memory_space<vmem>>
    %dma_wait3A_406 = tpu.memref_squeeze %dma_wait3A_405 : memref<1x80x128xf32, #tpu.memory_space<vmem>> -> memref<80x128xf32, #tpu.memory_space<vmem>>
    tpu.wait_dma2 semaphore(%dma_wait3A_400 : memref<!tpu.dma_semaphore, #tpu.memory_space<semaphore_mem>>) src(%dma_wait3A_406 : memref<80x128xf32, #tpu.memory_space<vmem>>) dst(%dma_wait3A_402 : memref<80x128xf32, #tpu.memory_space<hbm>>)
    %dma_wait3A_407 = arith.constant 0 : i32
    %dma_wait3A_408 = arith.constant 0 : i32
    %dma_wait3A_409 = arith.constant 0 : i32
    %dma_wait3A_410 = arith.constant 0 : i32
    %dma_wait3A_411 = tpu.memref_slice %arg10[%dma_wait3A_407, %dma_wait3A_409, %dma_wait3A_410] : memref<6x80x128xf32, #tpu.memory_space<vmem>> -> memref<1x80x128xf32, #tpu.memory_space<vmem>>
    %dma_wait3A_412 = tpu.memref_squeeze %dma_wait3A_411 : memref<1x80x128xf32, #tpu.memory_space<vmem>> -> memref<80x128xf32, #tpu.memory_space<vmem>>
    %dma_wait3A_413 = arith.constant 0 : i32
    %dma_wait3A_414 = tpu.memref_slice %arg8[%mul3A_2, %dma_wait3A_413] : memref<204800x128xf32, #tpu.memory_space<hbm>> -> memref<80x128xf32, #tpu.memory_space<hbm>>
    %dma_wait3A_415 = tpu.memref_slice %arg16[%dma_wait3A_408] : memref<6x!tpu.dma_semaphore, #tpu.memory_space<semaphore_mem>> -> memref<1x!tpu.dma_semaphore, #tpu.memory_space<semaphore_mem>>
    %dma_wait3A_416 = tpu.memref_squeeze %dma_wait3A_415 : memref<1x!tpu.dma_semaphore, #tpu.memory_space<semaphore_mem>> -> memref<!tpu.dma_semaphore, #tpu.memory_space<semaphore_mem>>
    %dma_wait3A_417 = arith.constant 0 : i32
    %dma_wait3A_418 = tpu.memref_slice %arg8[%mul3A_2, %dma_wait3A_417] : memref<204800x128xf32, #tpu.memory_space<hbm>> -> memref<80x128xf32, #tpu.memory_space<hbm>>
    %dma_wait3A_419 = arith.constant 0 : i32
    %dma_wait3A_420 = arith.constant 0 : i32
    %dma_wait3A_421 = tpu.memref_slice %arg10[%dma_wait3A_407, %dma_wait3A_419, %dma_wait3A_420] : memref<6x80x128xf32, #tpu.memory_space<vmem>> -> memref<1x80x128xf32, #tpu.memory_space<vmem>>
    %dma_wait3A_422 = tpu.memref_squeeze %dma_wait3A_421 : memref<1x80x128xf32, #tpu.memory_space<vmem>> -> memref<80x128xf32, #tpu.memory_space<vmem>>
    tpu.wait_dma2 semaphore(%dma_wait3A_416 : memref<!tpu.dma_semaphore, #tpu.memory_space<semaphore_mem>>) src(%dma_wait3A_422 : memref<80x128xf32, #tpu.memory_space<vmem>>) dst(%dma_wait3A_418 : memref<80x128xf32, #tpu.memory_space<hbm>>)
    %dma_wait3A_423 = arith.constant 1 : i32
    %dma_wait3A_424 = arith.constant 1 : i32
    %dma_wait3A_425 = arith.constant 0 : i32
    %dma_wait3A_426 = arith.constant 0 : i32
    %dma_wait3A_427 = tpu.memref_slice %arg10[%dma_wait3A_423, %dma_wait3A_425, %dma_wait3A_426] : memref<6x80x128xf32, #tpu.memory_space<vmem>> -> memref<1x80x128xf32, #tpu.memory_space<vmem>>
    %dma_wait3A_428 = tpu.memref_squeeze %dma_wait3A_427 : memref<1x80x128xf32, #tpu.memory_space<vmem>> -> memref<80x128xf32, #tpu.memory_space<vmem>>
    %dma_wait3A_429 = arith.constant 0 : i32
    %dma_wait3A_430 = tpu.memref_slice %arg8[%mul3A_2, %dma_wait3A_429] : memref<204800x128xf32, #tpu.memory_space<hbm>> -> memref<80x128xf32, #tpu.memory_space<hbm>>
    %dma_wait3A_431 = tpu.memref_slice %arg16[%dma_wait3A_424] : memref<6x!tpu.dma_semaphore, #tpu.memory_space<semaphore_mem>> -> memref<1x!tpu.dma_semaphore, #tpu.memory_space<semaphore_mem>>
    %dma_wait3A_432 = tpu.memref_squeeze %dma_wait3A_431 : memref<1x!tpu.dma_semaphore, #tpu.memory_space<semaphore_mem>> -> memref<!tpu.dma_semaphore, #tpu.memory_space<semaphore_mem>>
    %dma_wait3A_433 = arith.constant 0 : i32
    %dma_wait3A_434 = tpu.memref_slice %arg8[%mul3A_2, %dma_wait3A_433] : memref<204800x128xf32, #tpu.memory_space<hbm>> -> memref<80x128xf32, #tpu.memory_space<hbm>>
    %dma_wait3A_435 = arith.constant 0 : i32
    %dma_wait3A_436 = arith.constant 0 : i32
    %dma_wait3A_437 = tpu.memref_slice %arg10[%dma_wait3A_423, %dma_wait3A_435, %dma_wait3A_436] : memref<6x80x128xf32, #tpu.memory_space<vmem>> -> memref<1x80x128xf32, #tpu.memory_space<vmem>>
    %dma_wait3A_438 = tpu.memref_squeeze %dma_wait3A_437 : memref<1x80x128xf32, #tpu.memory_space<vmem>> -> memref<80x128xf32, #tpu.memory_space<vmem>>
    tpu.wait_dma2 semaphore(%dma_wait3A_432 : memref<!tpu.dma_semaphore, #tpu.memory_space<semaphore_mem>>) src(%dma_wait3A_438 : memref<80x128xf32, #tpu.memory_space<vmem>>) dst(%dma_wait3A_434 : memref<80x128xf32, #tpu.memory_space<hbm>>)
    return
  }
}

#map = affine_map<(d0, d1) -> (0, 0)>
module attributes {stable_mosaic.version = 14 : i64} {
  func.func @builder(%arg0: i32, %arg1: i32, %arg2: memref<50000x128xf32, #tpu.memory_space<hbm>>, %arg3: memref<512x128xf32, #tpu.memory_space<hbm>>, %arg4: memref<512x128xf32, #tpu.memory_space<hbm>>, %arg5: memref<16x128xf32, #tpu.memory_space<vmem>>, %arg6: memref<16x128xf32, #tpu.memory_space<vmem>>) attributes {dimension_semantics = [#tpu.dimension_semantics<core_parallel>, #tpu.dimension_semantics<subcore_parallel>], iteration_bounds = array<i64: 2, 16>, scalar_prefetch = 0 : i64, scratch_operands = 2 : i64, tpu.core_type = #tpu.core_type<sc_vector_subcore>, window_params = [{transform_indices = #map}, {transform_indices = #map}, {transform_indices = #map}]} {
    %mul3A = arith.constant 2 : i32
    %mul3A_0 = arith.muli %arg1, %mul3A : i32
    %add3A = arith.addi %mul3A_0, %arg0 : i32
    %mul3A_1 = arith.constant 16 : i32
    %mul3A_2 = arith.muli %add3A, %mul3A_1 : i32
    "tpu.region"() ({
      %run_scoped3A = tpu.sem_alloc : memref<!tpu.dma_semaphore, #tpu.memory_space<semaphore_mem>>
      %dma_start3A = arith.constant 0 : i32
      %dma_start3A_7 = tpu.memref_slice %arg2[%mul3A_2, %dma_start3A] : memref<50000x128xf32, #tpu.memory_space<hbm>> -> memref<16x128xf32, #tpu.memory_space<hbm>>
      %dma_start3A_8 = arith.constant 0 : i32
      %dma_start3A_9 = tpu.memref_slice %arg2[%mul3A_2, %dma_start3A_8] : memref<50000x128xf32, #tpu.memory_space<hbm>> -> memref<16x128xf32, #tpu.memory_space<hbm>>
      tpu.enqueue_dma source(%dma_start3A_9 : memref<16x128xf32, #tpu.memory_space<hbm>>) target(%arg5 : memref<16x128xf32, #tpu.memory_space<vmem>>) target_semaphore(%run_scoped3A : memref<!tpu.dma_semaphore, #tpu.memory_space<semaphore_mem>>)
      %dma_wait3A = arith.constant 0 : i32
      %dma_wait3A_10 = tpu.memref_slice %arg2[%mul3A_2, %dma_wait3A] : memref<50000x128xf32, #tpu.memory_space<hbm>> -> memref<16x128xf32, #tpu.memory_space<hbm>>
      %dma_wait3A_11 = arith.constant 0 : i32
      %dma_wait3A_12 = tpu.memref_slice %arg2[%mul3A_2, %dma_wait3A_11] : memref<50000x128xf32, #tpu.memory_space<hbm>> -> memref<16x128xf32, #tpu.memory_space<hbm>>
      tpu.wait_dma2 semaphore(%run_scoped3A : memref<!tpu.dma_semaphore, #tpu.memory_space<semaphore_mem>>) src(%dma_wait3A_12 : memref<16x128xf32, #tpu.memory_space<hbm>>) dst(%arg5 : memref<16x128xf32, #tpu.memory_space<vmem>>)
      tpu.yield
    }) : () -> ()
    "tpu.region"() ({
      %run_scoped3A = tpu.sem_alloc : memref<!tpu.dma_semaphore, #tpu.memory_space<semaphore_mem>>
      %dma_start3A = arith.constant 0 : i32
      %dma_start3A_7 = tpu.memref_slice %arg3[%mul3A_2, %dma_start3A] : memref<512x128xf32, #tpu.memory_space<hbm>> -> memref<16x128xf32, #tpu.memory_space<hbm>>
      %dma_start3A_8 = arith.constant 0 : i32
      %dma_start3A_9 = tpu.memref_slice %arg3[%mul3A_2, %dma_start3A_8] : memref<512x128xf32, #tpu.memory_space<hbm>> -> memref<16x128xf32, #tpu.memory_space<hbm>>
      tpu.enqueue_dma source(%dma_start3A_9 : memref<16x128xf32, #tpu.memory_space<hbm>>) target(%arg6 : memref<16x128xf32, #tpu.memory_space<vmem>>) target_semaphore(%run_scoped3A : memref<!tpu.dma_semaphore, #tpu.memory_space<semaphore_mem>>)
      %dma_wait3A = arith.constant 0 : i32
      %dma_wait3A_10 = tpu.memref_slice %arg3[%mul3A_2, %dma_wait3A] : memref<512x128xf32, #tpu.memory_space<hbm>> -> memref<16x128xf32, #tpu.memory_space<hbm>>
      %dma_wait3A_11 = arith.constant 0 : i32
      %dma_wait3A_12 = tpu.memref_slice %arg3[%mul3A_2, %dma_wait3A_11] : memref<512x128xf32, #tpu.memory_space<hbm>> -> memref<16x128xf32, #tpu.memory_space<hbm>>
      tpu.wait_dma2 semaphore(%run_scoped3A : memref<!tpu.dma_semaphore, #tpu.memory_space<semaphore_mem>>) src(%dma_wait3A_12 : memref<16x128xf32, #tpu.memory_space<hbm>>) dst(%arg6 : memref<16x128xf32, #tpu.memory_space<vmem>>)
      tpu.yield
    }) : () -> ()
    %scan3A = arith.constant 0 : i32
    %scan3A_3 = arith.constant 16 : i32
    %scan3A_4 = arith.addi %scan3A, %scan3A_3 : i32
    %scan3A_5 = arith.constant 4 : i32
    scf.for %scan3A_7 = %scan3A to %scan3A_4 step %scan3A_5  : i32 {
      %get3A = arith.index_cast %scan3A_7 : i32 to index
      %get3A_8 = arith.constant 0 : index
      %get3A_9 = tpu.vector_load %arg5[%get3A, %get3A_8] {strides = array<i32>} : memref<16x128xf32, #tpu.memory_space<vmem>>, vector<1x16xf32>,
      %get3A_10 = vector.shape_cast %get3A_9 : vector<1x16xf32> to vector<16xf32>
      %get3A_11 = arith.index_cast %scan3A_7 : i32 to index
      %get3A_12 = arith.constant 0 : index
      %get3A_13 = tpu.vector_load %arg6[%get3A_11, %get3A_12] {strides = array<i32>} : memref<16x128xf32, #tpu.memory_space<vmem>>, vector<1x16xf32>,
      %get3A_14 = vector.shape_cast %get3A_13 : vector<1x16xf32> to vector<16xf32>
      %add3A_15 = arith.addf %get3A_10, %get3A_14 : vector<16xf32>
      %swap3A = arith.index_cast %scan3A_7 : i32 to index
      %swap3A_16 = arith.constant 0 : index
      %swap3A_17 = tpu.vector_load %arg5[%swap3A, %swap3A_16] {strides = array<i32>} : memref<16x128xf32, #tpu.memory_space<vmem>>, vector<1x16xf32>,
      %swap3A_18 = vector.shape_cast %swap3A_17 : vector<1x16xf32> to vector<16xf32>
      %swap3A_19 = vector.shape_cast %add3A_15 : vector<16xf32> to vector<1x16xf32>
      tpu.vector_store %arg5[%swap3A, %swap3A_16], %swap3A_19 {strides = array<i32>} : memref<16x128xf32, #tpu.memory_space<vmem>>, vector<1x16xf32>,
      %get3A_20 = arith.index_cast %scan3A_7 : i32 to index
      %get3A_21 = arith.constant 16 : index
      %get3A_22 = tpu.vector_load %arg5[%get3A_20, %get3A_21] {strides = array<i32>} : memref<16x128xf32, #tpu.memory_space<vmem>>, vector<1x16xf32>,
      %get3A_23 = vector.shape_cast %get3A_22 : vector<1x16xf32> to vector<16xf32>
      %get3A_24 = arith.index_cast %scan3A_7 : i32 to index
      %get3A_25 = arith.constant 16 : index
      %get3A_26 = tpu.vector_load %arg6[%get3A_24, %get3A_25] {strides = array<i32>} : memref<16x128xf32, #tpu.memory_space<vmem>>, vector<1x16xf32>,
      %get3A_27 = vector.shape_cast %get3A_26 : vector<1x16xf32> to vector<16xf32>
      %add3A_28 = arith.addf %get3A_23, %get3A_27 : vector<16xf32>
      %swap3A_29 = arith.index_cast %scan3A_7 : i32 to index
      %swap3A_30 = arith.constant 16 : index
      %swap3A_31 = tpu.vector_load %arg5[%swap3A_29, %swap3A_30] {strides = array<i32>} : memref<16x128xf32, #tpu.memory_space<vmem>>, vector<1x16xf32>,
      %swap3A_32 = vector.shape_cast %swap3A_31 : vector<1x16xf32> to vector<16xf32>
      %swap3A_33 = vector.shape_cast %add3A_28 : vector<16xf32> to vector<1x16xf32>
      tpu.vector_store %arg5[%swap3A_29, %swap3A_30], %swap3A_33 {strides = array<i32>} : memref<16x128xf32, #tpu.memory_space<vmem>>, vector<1x16xf32>,
      %get3A_34 = arith.index_cast %scan3A_7 : i32 to index
      %get3A_35 = arith.constant 32 : index
      %get3A_36 = tpu.vector_load %arg5[%get3A_34, %get3A_35] {strides = array<i32>} : memref<16x128xf32, #tpu.memory_space<vmem>>, vector<1x16xf32>,
      %get3A_37 = vector.shape_cast %get3A_36 : vector<1x16xf32> to vector<16xf32>
      %get3A_38 = arith.index_cast %scan3A_7 : i32 to index
      %get3A_39 = arith.constant 32 : index
      %get3A_40 = tpu.vector_load %arg6[%get3A_38, %get3A_39] {strides = array<i32>} : memref<16x128xf32, #tpu.memory_space<vmem>>, vector<1x16xf32>,
      %get3A_41 = vector.shape_cast %get3A_40 : vector<1x16xf32> to vector<16xf32>
      %add3A_42 = arith.addf %get3A_37, %get3A_41 : vector<16xf32>
      %swap3A_43 = arith.index_cast %scan3A_7 : i32 to index
      %swap3A_44 = arith.constant 32 : index
      %swap3A_45 = tpu.vector_load %arg5[%swap3A_43, %swap3A_44] {strides = array<i32>} : memref<16x128xf32, #tpu.memory_space<vmem>>, vector<1x16xf32>,
      %swap3A_46 = vector.shape_cast %swap3A_45 : vector<1x16xf32> to vector<16xf32>
      %swap3A_47 = vector.shape_cast %add3A_42 : vector<16xf32> to vector<1x16xf32>
      tpu.vector_store %arg5[%swap3A_43, %swap3A_44], %swap3A_47 {strides = array<i32>} : memref<16x128xf32, #tpu.memory_space<vmem>>, vector<1x16xf32>,
      %get3A_48 = arith.index_cast %scan3A_7 : i32 to index
      %get3A_49 = arith.constant 48 : index
      %get3A_50 = tpu.vector_load %arg5[%get3A_48, %get3A_49] {strides = array<i32>} : memref<16x128xf32, #tpu.memory_space<vmem>>, vector<1x16xf32>,
      %get3A_51 = vector.shape_cast %get3A_50 : vector<1x16xf32> to vector<16xf32>
      %get3A_52 = arith.index_cast %scan3A_7 : i32 to index
      %get3A_53 = arith.constant 48 : index
      %get3A_54 = tpu.vector_load %arg6[%get3A_52, %get3A_53] {strides = array<i32>} : memref<16x128xf32, #tpu.memory_space<vmem>>, vector<1x16xf32>,
      %get3A_55 = vector.shape_cast %get3A_54 : vector<1x16xf32> to vector<16xf32>
      %add3A_56 = arith.addf %get3A_51, %get3A_55 : vector<16xf32>
      %swap3A_57 = arith.index_cast %scan3A_7 : i32 to index
      %swap3A_58 = arith.constant 48 : index
      %swap3A_59 = tpu.vector_load %arg5[%swap3A_57, %swap3A_58] {strides = array<i32>} : memref<16x128xf32, #tpu.memory_space<vmem>>, vector<1x16xf32>,
      %swap3A_60 = vector.shape_cast %swap3A_59 : vector<1x16xf32> to vector<16xf32>
      %swap3A_61 = vector.shape_cast %add3A_56 : vector<16xf32> to vector<1x16xf32>
      tpu.vector_store %arg5[%swap3A_57, %swap3A_58], %swap3A_61 {strides = array<i32>} : memref<16x128xf32, #tpu.memory_space<vmem>>, vector<1x16xf32>,
      %get3A_62 = arith.index_cast %scan3A_7 : i32 to index
      %get3A_63 = arith.constant 64 : index
      %get3A_64 = tpu.vector_load %arg5[%get3A_62, %get3A_63] {strides = array<i32>} : memref<16x128xf32, #tpu.memory_space<vmem>>, vector<1x16xf32>,
      %get3A_65 = vector.shape_cast %get3A_64 : vector<1x16xf32> to vector<16xf32>
      %get3A_66 = arith.index_cast %scan3A_7 : i32 to index
      %get3A_67 = arith.constant 64 : index
      %get3A_68 = tpu.vector_load %arg6[%get3A_66, %get3A_67] {strides = array<i32>} : memref<16x128xf32, #tpu.memory_space<vmem>>, vector<1x16xf32>,
      %get3A_69 = vector.shape_cast %get3A_68 : vector<1x16xf32> to vector<16xf32>
      %add3A_70 = arith.addf %get3A_65, %get3A_69 : vector<16xf32>
      %swap3A_71 = arith.index_cast %scan3A_7 : i32 to index
      %swap3A_72 = arith.constant 64 : index
      %swap3A_73 = tpu.vector_load %arg5[%swap3A_71, %swap3A_72] {strides = array<i32>} : memref<16x128xf32, #tpu.memory_space<vmem>>, vector<1x16xf32>,
      %swap3A_74 = vector.shape_cast %swap3A_73 : vector<1x16xf32> to vector<16xf32>
      %swap3A_75 = vector.shape_cast %add3A_70 : vector<16xf32> to vector<1x16xf32>
      tpu.vector_store %arg5[%swap3A_71, %swap3A_72], %swap3A_75 {strides = array<i32>} : memref<16x128xf32, #tpu.memory_space<vmem>>, vector<1x16xf32>,
      %get3A_76 = arith.index_cast %scan3A_7 : i32 to index
      %get3A_77 = arith.constant 80 : index
      %get3A_78 = tpu.vector_load %arg5[%get3A_76, %get3A_77] {strides = array<i32>} : memref<16x128xf32, #tpu.memory_space<vmem>>, vector<1x16xf32>,
      %get3A_79 = vector.shape_cast %get3A_78 : vector<1x16xf32> to vector<16xf32>
      %get3A_80 = arith.index_cast %scan3A_7 : i32 to index
      %get3A_81 = arith.constant 80 : index
      %get3A_82 = tpu.vector_load %arg6[%get3A_80, %get3A_81] {strides = array<i32>} : memref<16x128xf32, #tpu.memory_space<vmem>>, vector<1x16xf32>,
      %get3A_83 = vector.shape_cast %get3A_82 : vector<1x16xf32> to vector<16xf32>
      %add3A_84 = arith.addf %get3A_79, %get3A_83 : vector<16xf32>
      %swap3A_85 = arith.index_cast %scan3A_7 : i32 to index
      %swap3A_86 = arith.constant 80 : index
      %swap3A_87 = tpu.vector_load %arg5[%swap3A_85, %swap3A_86] {strides = array<i32>} : memref<16x128xf32, #tpu.memory_space<vmem>>, vector<1x16xf32>,
      %swap3A_88 = vector.shape_cast %swap3A_87 : vector<1x16xf32> to vector<16xf32>
      %swap3A_89 = vector.shape_cast %add3A_84 : vector<16xf32> to vector<1x16xf32>
      tpu.vector_store %arg5[%swap3A_85, %swap3A_86], %swap3A_89 {strides = array<i32>} : memref<16x128xf32, #tpu.memory_space<vmem>>, vector<1x16xf32>,
      %get3A_90 = arith.index_cast %scan3A_7 : i32 to index
      %get3A_91 = arith.constant 96 : index
      %get3A_92 = tpu.vector_load %arg5[%get3A_90, %get3A_91] {strides = array<i32>} : memref<16x128xf32, #tpu.memory_space<vmem>>, vector<1x16xf32>,
      %get3A_93 = vector.shape_cast %get3A_92 : vector<1x16xf32> to vector<16xf32>
      %get3A_94 = arith.index_cast %scan3A_7 : i32 to index
      %get3A_95 = arith.constant 96 : index
      %get3A_96 = tpu.vector_load %arg6[%get3A_94, %get3A_95] {strides = array<i32>} : memref<16x128xf32, #tpu.memory_space<vmem>>, vector<1x16xf32>,
      %get3A_97 = vector.shape_cast %get3A_96 : vector<1x16xf32> to vector<16xf32>
      %add3A_98 = arith.addf %get3A_93, %get3A_97 : vector<16xf32>
      %swap3A_99 = arith.index_cast %scan3A_7 : i32 to index
      %swap3A_100 = arith.constant 96 : index
      %swap3A_101 = tpu.vector_load %arg5[%swap3A_99, %swap3A_100] {strides = array<i32>} : memref<16x128xf32, #tpu.memory_space<vmem>>, vector<1x16xf32>,
      %swap3A_102 = vector.shape_cast %swap3A_101 : vector<1x16xf32> to vector<16xf32>
      %swap3A_103 = vector.shape_cast %add3A_98 : vector<16xf32> to vector<1x16xf32>
      tpu.vector_store %arg5[%swap3A_99, %swap3A_100], %swap3A_103 {strides = array<i32>} : memref<16x128xf32, #tpu.memory_space<vmem>>, vector<1x16xf32>,
      %get3A_104 = arith.index_cast %scan3A_7 : i32 to index
      %get3A_105 = arith.constant 112 : index
      %get3A_106 = tpu.vector_load %arg5[%get3A_104, %get3A_105] {strides = array<i32>} : memref<16x128xf32, #tpu.memory_space<vmem>>, vector<1x16xf32>,
      %get3A_107 = vector.shape_cast %get3A_106 : vector<1x16xf32> to vector<16xf32>
      %get3A_108 = arith.index_cast %scan3A_7 : i32 to index
      %get3A_109 = arith.constant 112 : index
      %get3A_110 = tpu.vector_load %arg6[%get3A_108, %get3A_109] {strides = array<i32>} : memref<16x128xf32, #tpu.memory_space<vmem>>, vector<1x16xf32>,
      %get3A_111 = vector.shape_cast %get3A_110 : vector<1x16xf32> to vector<16xf32>
      %add3A_112 = arith.addf %get3A_107, %get3A_111 : vector<16xf32>
      %swap3A_113 = arith.index_cast %scan3A_7 : i32 to index
      %swap3A_114 = arith.constant 112 : index
      %swap3A_115 = tpu.vector_load %arg5[%swap3A_113, %swap3A_114] {strides = array<i32>} : memref<16x128xf32, #tpu.memory_space<vmem>>, vector<1x16xf32>,
      %swap3A_116 = vector.shape_cast %swap3A_115 : vector<1x16xf32> to vector<16xf32>
      %swap3A_117 = vector.shape_cast %add3A_112 : vector<16xf32> to vector<1x16xf32>
      tpu.vector_store %arg5[%swap3A_113, %swap3A_114], %swap3A_117 {strides = array<i32>} : memref<16x128xf32, #tpu.memory_space<vmem>>, vector<1x16xf32>,
      %scan3A_118 = arith.constant 1 : i32
      %scan3A_119 = arith.addi %scan3A_7, %scan3A_118 : i32
      %get3A_120 = arith.index_cast %scan3A_119 : i32 to index
      %get3A_121 = arith.constant 0 : index
      %get3A_122 = tpu.vector_load %arg5[%get3A_120, %get3A_121] {strides = array<i32>} : memref<16x128xf32, #tpu.memory_space<vmem>>, vector<1x16xf32>,
      %get3A_123 = vector.shape_cast %get3A_122 : vector<1x16xf32> to vector<16xf32>
      %get3A_124 = arith.index_cast %scan3A_119 : i32 to index
      %get3A_125 = arith.constant 0 : index
      %get3A_126 = tpu.vector_load %arg6[%get3A_124, %get3A_125] {strides = array<i32>} : memref<16x128xf32, #tpu.memory_space<vmem>>, vector<1x16xf32>,
      %get3A_127 = vector.shape_cast %get3A_126 : vector<1x16xf32> to vector<16xf32>
      %add3A_128 = arith.addf %get3A_123, %get3A_127 : vector<16xf32>
      %swap3A_129 = arith.index_cast %scan3A_119 : i32 to index
      %swap3A_130 = arith.constant 0 : index
      %swap3A_131 = tpu.vector_load %arg5[%swap3A_129, %swap3A_130] {strides = array<i32>} : memref<16x128xf32, #tpu.memory_space<vmem>>, vector<1x16xf32>,
      %swap3A_132 = vector.shape_cast %swap3A_131 : vector<1x16xf32> to vector<16xf32>
      %swap3A_133 = vector.shape_cast %add3A_128 : vector<16xf32> to vector<1x16xf32>
      tpu.vector_store %arg5[%swap3A_129, %swap3A_130], %swap3A_133 {strides = array<i32>} : memref<16x128xf32, #tpu.memory_space<vmem>>, vector<1x16xf32>,
      %get3A_134 = arith.index_cast %scan3A_119 : i32 to index
      %get3A_135 = arith.constant 16 : index
      %get3A_136 = tpu.vector_load %arg5[%get3A_134, %get3A_135] {strides = array<i32>} : memref<16x128xf32, #tpu.memory_space<vmem>>, vector<1x16xf32>,
      %get3A_137 = vector.shape_cast %get3A_136 : vector<1x16xf32> to vector<16xf32>
      %get3A_138 = arith.index_cast %scan3A_119 : i32 to index
      %get3A_139 = arith.constant 16 : index
      %get3A_140 = tpu.vector_load %arg6[%get3A_138, %get3A_139] {strides = array<i32>} : memref<16x128xf32, #tpu.memory_space<vmem>>, vector<1x16xf32>,
      %get3A_141 = vector.shape_cast %get3A_140 : vector<1x16xf32> to vector<16xf32>
      %add3A_142 = arith.addf %get3A_137, %get3A_141 : vector<16xf32>
      %swap3A_143 = arith.index_cast %scan3A_119 : i32 to index
      %swap3A_144 = arith.constant 16 : index
      %swap3A_145 = tpu.vector_load %arg5[%swap3A_143, %swap3A_144] {strides = array<i32>} : memref<16x128xf32, #tpu.memory_space<vmem>>, vector<1x16xf32>,
      %swap3A_146 = vector.shape_cast %swap3A_145 : vector<1x16xf32> to vector<16xf32>
      %swap3A_147 = vector.shape_cast %add3A_142 : vector<16xf32> to vector<1x16xf32>
      tpu.vector_store %arg5[%swap3A_143, %swap3A_144], %swap3A_147 {strides = array<i32>} : memref<16x128xf32, #tpu.memory_space<vmem>>, vector<1x16xf32>,
      %get3A_148 = arith.index_cast %scan3A_119 : i32 to index
      %get3A_149 = arith.constant 32 : index
      %get3A_150 = tpu.vector_load %arg5[%get3A_148, %get3A_149] {strides = array<i32>} : memref<16x128xf32, #tpu.memory_space<vmem>>, vector<1x16xf32>,
      %get3A_151 = vector.shape_cast %get3A_150 : vector<1x16xf32> to vector<16xf32>
      %get3A_152 = arith.index_cast %scan3A_119 : i32 to index
      %get3A_153 = arith.constant 32 : index
      %get3A_154 = tpu.vector_load %arg6[%get3A_152, %get3A_153] {strides = array<i32>} : memref<16x128xf32, #tpu.memory_space<vmem>>, vector<1x16xf32>,
      %get3A_155 = vector.shape_cast %get3A_154 : vector<1x16xf32> to vector<16xf32>
      %add3A_156 = arith.addf %get3A_151, %get3A_155 : vector<16xf32>
      %swap3A_157 = arith.index_cast %scan3A_119 : i32 to index
      %swap3A_158 = arith.constant 32 : index
      %swap3A_159 = tpu.vector_load %arg5[%swap3A_157, %swap3A_158] {strides = array<i32>} : memref<16x128xf32, #tpu.memory_space<vmem>>, vector<1x16xf32>,
      %swap3A_160 = vector.shape_cast %swap3A_159 : vector<1x16xf32> to vector<16xf32>
      %swap3A_161 = vector.shape_cast %add3A_156 : vector<16xf32> to vector<1x16xf32>
      tpu.vector_store %arg5[%swap3A_157, %swap3A_158], %swap3A_161 {strides = array<i32>} : memref<16x128xf32, #tpu.memory_space<vmem>>, vector<1x16xf32>,
      %get3A_162 = arith.index_cast %scan3A_119 : i32 to index
      %get3A_163 = arith.constant 48 : index
      %get3A_164 = tpu.vector_load %arg5[%get3A_162, %get3A_163] {strides = array<i32>} : memref<16x128xf32, #tpu.memory_space<vmem>>, vector<1x16xf32>,
      %get3A_165 = vector.shape_cast %get3A_164 : vector<1x16xf32> to vector<16xf32>
      %get3A_166 = arith.index_cast %scan3A_119 : i32 to index
      %get3A_167 = arith.constant 48 : index
      %get3A_168 = tpu.vector_load %arg6[%get3A_166, %get3A_167] {strides = array<i32>} : memref<16x128xf32, #tpu.memory_space<vmem>>, vector<1x16xf32>,
      %get3A_169 = vector.shape_cast %get3A_168 : vector<1x16xf32> to vector<16xf32>
      %add3A_170 = arith.addf %get3A_165, %get3A_169 : vector<16xf32>
      %swap3A_171 = arith.index_cast %scan3A_119 : i32 to index
      %swap3A_172 = arith.constant 48 : index
      %swap3A_173 = tpu.vector_load %arg5[%swap3A_171, %swap3A_172] {strides = array<i32>} : memref<16x128xf32, #tpu.memory_space<vmem>>, vector<1x16xf32>,
      %swap3A_174 = vector.shape_cast %swap3A_173 : vector<1x16xf32> to vector<16xf32>
      %swap3A_175 = vector.shape_cast %add3A_170 : vector<16xf32> to vector<1x16xf32>
      tpu.vector_store %arg5[%swap3A_171, %swap3A_172], %swap3A_175 {strides = array<i32>} : memref<16x128xf32, #tpu.memory_space<vmem>>, vector<1x16xf32>,
      %get3A_176 = arith.index_cast %scan3A_119 : i32 to index
      %get3A_177 = arith.constant 64 : index
      %get3A_178 = tpu.vector_load %arg5[%get3A_176, %get3A_177] {strides = array<i32>} : memref<16x128xf32, #tpu.memory_space<vmem>>, vector<1x16xf32>,
      %get3A_179 = vector.shape_cast %get3A_178 : vector<1x16xf32> to vector<16xf32>
      %get3A_180 = arith.index_cast %scan3A_119 : i32 to index
      %get3A_181 = arith.constant 64 : index
      %get3A_182 = tpu.vector_load %arg6[%get3A_180, %get3A_181] {strides = array<i32>} : memref<16x128xf32, #tpu.memory_space<vmem>>, vector<1x16xf32>,
      %get3A_183 = vector.shape_cast %get3A_182 : vector<1x16xf32> to vector<16xf32>
      %add3A_184 = arith.addf %get3A_179, %get3A_183 : vector<16xf32>
      %swap3A_185 = arith.index_cast %scan3A_119 : i32 to index
      %swap3A_186 = arith.constant 64 : index
      %swap3A_187 = tpu.vector_load %arg5[%swap3A_185, %swap3A_186] {strides = array<i32>} : memref<16x128xf32, #tpu.memory_space<vmem>>, vector<1x16xf32>,
      %swap3A_188 = vector.shape_cast %swap3A_187 : vector<1x16xf32> to vector<16xf32>
      %swap3A_189 = vector.shape_cast %add3A_184 : vector<16xf32> to vector<1x16xf32>
      tpu.vector_store %arg5[%swap3A_185, %swap3A_186], %swap3A_189 {strides = array<i32>} : memref<16x128xf32, #tpu.memory_space<vmem>>, vector<1x16xf32>,
      %get3A_190 = arith.index_cast %scan3A_119 : i32 to index
      %get3A_191 = arith.constant 80 : index
      %get3A_192 = tpu.vector_load %arg5[%get3A_190, %get3A_191] {strides = array<i32>} : memref<16x128xf32, #tpu.memory_space<vmem>>, vector<1x16xf32>,
      %get3A_193 = vector.shape_cast %get3A_192 : vector<1x16xf32> to vector<16xf32>
      %get3A_194 = arith.index_cast %scan3A_119 : i32 to index
      %get3A_195 = arith.constant 80 : index
      %get3A_196 = tpu.vector_load %arg6[%get3A_194, %get3A_195] {strides = array<i32>} : memref<16x128xf32, #tpu.memory_space<vmem>>, vector<1x16xf32>,
      %get3A_197 = vector.shape_cast %get3A_196 : vector<1x16xf32> to vector<16xf32>
      %add3A_198 = arith.addf %get3A_193, %get3A_197 : vector<16xf32>
      %swap3A_199 = arith.index_cast %scan3A_119 : i32 to index
      %swap3A_200 = arith.constant 80 : index
      %swap3A_201 = tpu.vector_load %arg5[%swap3A_199, %swap3A_200] {strides = array<i32>} : memref<16x128xf32, #tpu.memory_space<vmem>>, vector<1x16xf32>,
      %swap3A_202 = vector.shape_cast %swap3A_201 : vector<1x16xf32> to vector<16xf32>
      %swap3A_203 = vector.shape_cast %add3A_198 : vector<16xf32> to vector<1x16xf32>
      tpu.vector_store %arg5[%swap3A_199, %swap3A_200], %swap3A_203 {strides = array<i32>} : memref<16x128xf32, #tpu.memory_space<vmem>>, vector<1x16xf32>,
      %get3A_204 = arith.index_cast %scan3A_119 : i32 to index
      %get3A_205 = arith.constant 96 : index
      %get3A_206 = tpu.vector_load %arg5[%get3A_204, %get3A_205] {strides = array<i32>} : memref<16x128xf32, #tpu.memory_space<vmem>>, vector<1x16xf32>,
      %get3A_207 = vector.shape_cast %get3A_206 : vector<1x16xf32> to vector<16xf32>
      %get3A_208 = arith.index_cast %scan3A_119 : i32 to index
      %get3A_209 = arith.constant 96 : index
      %get3A_210 = tpu.vector_load %arg6[%get3A_208, %get3A_209] {strides = array<i32>} : memref<16x128xf32, #tpu.memory_space<vmem>>, vector<1x16xf32>,
      %get3A_211 = vector.shape_cast %get3A_210 : vector<1x16xf32> to vector<16xf32>
      %add3A_212 = arith.addf %get3A_207, %get3A_211 : vector<16xf32>
      %swap3A_213 = arith.index_cast %scan3A_119 : i32 to index
      %swap3A_214 = arith.constant 96 : index
      %swap3A_215 = tpu.vector_load %arg5[%swap3A_213, %swap3A_214] {strides = array<i32>} : memref<16x128xf32, #tpu.memory_space<vmem>>, vector<1x16xf32>,
      %swap3A_216 = vector.shape_cast %swap3A_215 : vector<1x16xf32> to vector<16xf32>
      %swap3A_217 = vector.shape_cast %add3A_212 : vector<16xf32> to vector<1x16xf32>
      tpu.vector_store %arg5[%swap3A_213, %swap3A_214], %swap3A_217 {strides = array<i32>} : memref<16x128xf32, #tpu.memory_space<vmem>>, vector<1x16xf32>,
      %get3A_218 = arith.index_cast %scan3A_119 : i32 to index
      %get3A_219 = arith.constant 112 : index
      %get3A_220 = tpu.vector_load %arg5[%get3A_218, %get3A_219] {strides = array<i32>} : memref<16x128xf32, #tpu.memory_space<vmem>>, vector<1x16xf32>,
      %get3A_221 = vector.shape_cast %get3A_220 : vector<1x16xf32> to vector<16xf32>
      %get3A_222 = arith.index_cast %scan3A_119 : i32 to index
      %get3A_223 = arith.constant 112 : index
      %get3A_224 = tpu.vector_load %arg6[%get3A_222, %get3A_223] {strides = array<i32>} : memref<16x128xf32, #tpu.memory_space<vmem>>, vector<1x16xf32>,
      %get3A_225 = vector.shape_cast %get3A_224 : vector<1x16xf32> to vector<16xf32>
      %add3A_226 = arith.addf %get3A_221, %get3A_225 : vector<16xf32>
      %swap3A_227 = arith.index_cast %scan3A_119 : i32 to index
      %swap3A_228 = arith.constant 112 : index
      %swap3A_229 = tpu.vector_load %arg5[%swap3A_227, %swap3A_228] {strides = array<i32>} : memref<16x128xf32, #tpu.memory_space<vmem>>, vector<1x16xf32>,
      %swap3A_230 = vector.shape_cast %swap3A_229 : vector<1x16xf32> to vector<16xf32>
      %swap3A_231 = vector.shape_cast %add3A_226 : vector<16xf32> to vector<1x16xf32>
      tpu.vector_store %arg5[%swap3A_227, %swap3A_228], %swap3A_231 {strides = array<i32>} : memref<16x128xf32, #tpu.memory_space<vmem>>, vector<1x16xf32>,
      %scan3A_232 = arith.constant 2 : i32
      %scan3A_233 = arith.addi %scan3A_7, %scan3A_232 : i32
      %get3A_234 = arith.index_cast %scan3A_233 : i32 to index
      %get3A_235 = arith.constant 0 : index
      %get3A_236 = tpu.vector_load %arg5[%get3A_234, %get3A_235] {strides = array<i32>} : memref<16x128xf32, #tpu.memory_space<vmem>>, vector<1x16xf32>,
      %get3A_237 = vector.shape_cast %get3A_236 : vector<1x16xf32> to vector<16xf32>
      %get3A_238 = arith.index_cast %scan3A_233 : i32 to index
      %get3A_239 = arith.constant 0 : index
      %get3A_240 = tpu.vector_load %arg6[%get3A_238, %get3A_239] {strides = array<i32>} : memref<16x128xf32, #tpu.memory_space<vmem>>, vector<1x16xf32>,
      %get3A_241 = vector.shape_cast %get3A_240 : vector<1x16xf32> to vector<16xf32>
      %add3A_242 = arith.addf %get3A_237, %get3A_241 : vector<16xf32>
      %swap3A_243 = arith.index_cast %scan3A_233 : i32 to index
      %swap3A_244 = arith.constant 0 : index
      %swap3A_245 = tpu.vector_load %arg5[%swap3A_243, %swap3A_244] {strides = array<i32>} : memref<16x128xf32, #tpu.memory_space<vmem>>, vector<1x16xf32>,
      %swap3A_246 = vector.shape_cast %swap3A_245 : vector<1x16xf32> to vector<16xf32>
      %swap3A_247 = vector.shape_cast %add3A_242 : vector<16xf32> to vector<1x16xf32>
      tpu.vector_store %arg5[%swap3A_243, %swap3A_244], %swap3A_247 {strides = array<i32>} : memref<16x128xf32, #tpu.memory_space<vmem>>, vector<1x16xf32>,
      %get3A_248 = arith.index_cast %scan3A_233 : i32 to index
      %get3A_249 = arith.constant 16 : index
      %get3A_250 = tpu.vector_load %arg5[%get3A_248, %get3A_249] {strides = array<i32>} : memref<16x128xf32, #tpu.memory_space<vmem>>, vector<1x16xf32>,
      %get3A_251 = vector.shape_cast %get3A_250 : vector<1x16xf32> to vector<16xf32>
      %get3A_252 = arith.index_cast %scan3A_233 : i32 to index
      %get3A_253 = arith.constant 16 : index
      %get3A_254 = tpu.vector_load %arg6[%get3A_252, %get3A_253] {strides = array<i32>} : memref<16x128xf32, #tpu.memory_space<vmem>>, vector<1x16xf32>,
      %get3A_255 = vector.shape_cast %get3A_254 : vector<1x16xf32> to vector<16xf32>
      %add3A_256 = arith.addf %get3A_251, %get3A_255 : vector<16xf32>
      %swap3A_257 = arith.index_cast %scan3A_233 : i32 to index
      %swap3A_258 = arith.constant 16 : index
      %swap3A_259 = tpu.vector_load %arg5[%swap3A_257, %swap3A_258] {strides = array<i32>} : memref<16x128xf32, #tpu.memory_space<vmem>>, vector<1x16xf32>,
      %swap3A_260 = vector.shape_cast %swap3A_259 : vector<1x16xf32> to vector<16xf32>
      %swap3A_261 = vector.shape_cast %add3A_256 : vector<16xf32> to vector<1x16xf32>
      tpu.vector_store %arg5[%swap3A_257, %swap3A_258], %swap3A_261 {strides = array<i32>} : memref<16x128xf32, #tpu.memory_space<vmem>>, vector<1x16xf32>,
      %get3A_262 = arith.index_cast %scan3A_233 : i32 to index
      %get3A_263 = arith.constant 32 : index
      %get3A_264 = tpu.vector_load %arg5[%get3A_262, %get3A_263] {strides = array<i32>} : memref<16x128xf32, #tpu.memory_space<vmem>>, vector<1x16xf32>,
      %get3A_265 = vector.shape_cast %get3A_264 : vector<1x16xf32> to vector<16xf32>
      %get3A_266 = arith.index_cast %scan3A_233 : i32 to index
      %get3A_267 = arith.constant 32 : index
      %get3A_268 = tpu.vector_load %arg6[%get3A_266, %get3A_267] {strides = array<i32>} : memref<16x128xf32, #tpu.memory_space<vmem>>, vector<1x16xf32>,
      %get3A_269 = vector.shape_cast %get3A_268 : vector<1x16xf32> to vector<16xf32>
      %add3A_270 = arith.addf %get3A_265, %get3A_269 : vector<16xf32>
      %swap3A_271 = arith.index_cast %scan3A_233 : i32 to index
      %swap3A_272 = arith.constant 32 : index
      %swap3A_273 = tpu.vector_load %arg5[%swap3A_271, %swap3A_272] {strides = array<i32>} : memref<16x128xf32, #tpu.memory_space<vmem>>, vector<1x16xf32>,
      %swap3A_274 = vector.shape_cast %swap3A_273 : vector<1x16xf32> to vector<16xf32>
      %swap3A_275 = vector.shape_cast %add3A_270 : vector<16xf32> to vector<1x16xf32>
      tpu.vector_store %arg5[%swap3A_271, %swap3A_272], %swap3A_275 {strides = array<i32>} : memref<16x128xf32, #tpu.memory_space<vmem>>, vector<1x16xf32>,
      %get3A_276 = arith.index_cast %scan3A_233 : i32 to index
      %get3A_277 = arith.constant 48 : index
      %get3A_278 = tpu.vector_load %arg5[%get3A_276, %get3A_277] {strides = array<i32>} : memref<16x128xf32, #tpu.memory_space<vmem>>, vector<1x16xf32>,
      %get3A_279 = vector.shape_cast %get3A_278 : vector<1x16xf32> to vector<16xf32>
      %get3A_280 = arith.index_cast %scan3A_233 : i32 to index
      %get3A_281 = arith.constant 48 : index
      %get3A_282 = tpu.vector_load %arg6[%get3A_280, %get3A_281] {strides = array<i32>} : memref<16x128xf32, #tpu.memory_space<vmem>>, vector<1x16xf32>,
      %get3A_283 = vector.shape_cast %get3A_282 : vector<1x16xf32> to vector<16xf32>
      %add3A_284 = arith.addf %get3A_279, %get3A_283 : vector<16xf32>
      %swap3A_285 = arith.index_cast %scan3A_233 : i32 to index
      %swap3A_286 = arith.constant 48 : index
      %swap3A_287 = tpu.vector_load %arg5[%swap3A_285, %swap3A_286] {strides = array<i32>} : memref<16x128xf32, #tpu.memory_space<vmem>>, vector<1x16xf32>,
      %swap3A_288 = vector.shape_cast %swap3A_287 : vector<1x16xf32> to vector<16xf32>
      %swap3A_289 = vector.shape_cast %add3A_284 : vector<16xf32> to vector<1x16xf32>
      tpu.vector_store %arg5[%swap3A_285, %swap3A_286], %swap3A_289 {strides = array<i32>} : memref<16x128xf32, #tpu.memory_space<vmem>>, vector<1x16xf32>,
      %get3A_290 = arith.index_cast %scan3A_233 : i32 to index
      %get3A_291 = arith.constant 64 : index
      %get3A_292 = tpu.vector_load %arg5[%get3A_290, %get3A_291] {strides = array<i32>} : memref<16x128xf32, #tpu.memory_space<vmem>>, vector<1x16xf32>,
      %get3A_293 = vector.shape_cast %get3A_292 : vector<1x16xf32> to vector<16xf32>
      %get3A_294 = arith.index_cast %scan3A_233 : i32 to index
      %get3A_295 = arith.constant 64 : index
      %get3A_296 = tpu.vector_load %arg6[%get3A_294, %get3A_295] {strides = array<i32>} : memref<16x128xf32, #tpu.memory_space<vmem>>, vector<1x16xf32>,
      %get3A_297 = vector.shape_cast %get3A_296 : vector<1x16xf32> to vector<16xf32>
      %add3A_298 = arith.addf %get3A_293, %get3A_297 : vector<16xf32>
      %swap3A_299 = arith.index_cast %scan3A_233 : i32 to index
      %swap3A_300 = arith.constant 64 : index
      %swap3A_301 = tpu.vector_load %arg5[%swap3A_299, %swap3A_300] {strides = array<i32>} : memref<16x128xf32, #tpu.memory_space<vmem>>, vector<1x16xf32>,
      %swap3A_302 = vector.shape_cast %swap3A_301 : vector<1x16xf32> to vector<16xf32>
      %swap3A_303 = vector.shape_cast %add3A_298 : vector<16xf32> to vector<1x16xf32>
      tpu.vector_store %arg5[%swap3A_299, %swap3A_300], %swap3A_303 {strides = array<i32>} : memref<16x128xf32, #tpu.memory_space<vmem>>, vector<1x16xf32>,
      %get3A_304 = arith.index_cast %scan3A_233 : i32 to index
      %get3A_305 = arith.constant 80 : index
      %get3A_306 = tpu.vector_load %arg5[%get3A_304, %get3A_305] {strides = array<i32>} : memref<16x128xf32, #tpu.memory_space<vmem>>, vector<1x16xf32>,
      %get3A_307 = vector.shape_cast %get3A_306 : vector<1x16xf32> to vector<16xf32>
      %get3A_308 = arith.index_cast %scan3A_233 : i32 to index
      %get3A_309 = arith.constant 80 : index
      %get3A_310 = tpu.vector_load %arg6[%get3A_308, %get3A_309] {strides = array<i32>} : memref<16x128xf32, #tpu.memory_space<vmem>>, vector<1x16xf32>,
      %get3A_311 = vector.shape_cast %get3A_310 : vector<1x16xf32> to vector<16xf32>
      %add3A_312 = arith.addf %get3A_307, %get3A_311 : vector<16xf32>
      %swap3A_313 = arith.index_cast %scan3A_233 : i32 to index
      %swap3A_314 = arith.constant 80 : index
      %swap3A_315 = tpu.vector_load %arg5[%swap3A_313, %swap3A_314] {strides = array<i32>} : memref<16x128xf32, #tpu.memory_space<vmem>>, vector<1x16xf32>,
      %swap3A_316 = vector.shape_cast %swap3A_315 : vector<1x16xf32> to vector<16xf32>
      %swap3A_317 = vector.shape_cast %add3A_312 : vector<16xf32> to vector<1x16xf32>
      tpu.vector_store %arg5[%swap3A_313, %swap3A_314], %swap3A_317 {strides = array<i32>} : memref<16x128xf32, #tpu.memory_space<vmem>>, vector<1x16xf32>,
      %get3A_318 = arith.index_cast %scan3A_233 : i32 to index
      %get3A_319 = arith.constant 96 : index
      %get3A_320 = tpu.vector_load %arg5[%get3A_318, %get3A_319] {strides = array<i32>} : memref<16x128xf32, #tpu.memory_space<vmem>>, vector<1x16xf32>,
      %get3A_321 = vector.shape_cast %get3A_320 : vector<1x16xf32> to vector<16xf32>
      %get3A_322 = arith.index_cast %scan3A_233 : i32 to index
      %get3A_323 = arith.constant 96 : index
      %get3A_324 = tpu.vector_load %arg6[%get3A_322, %get3A_323] {strides = array<i32>} : memref<16x128xf32, #tpu.memory_space<vmem>>, vector<1x16xf32>,
      %get3A_325 = vector.shape_cast %get3A_324 : vector<1x16xf32> to vector<16xf32>
      %add3A_326 = arith.addf %get3A_321, %get3A_325 : vector<16xf32>
      %swap3A_327 = arith.index_cast %scan3A_233 : i32 to index
      %swap3A_328 = arith.constant 96 : index
      %swap3A_329 = tpu.vector_load %arg5[%swap3A_327, %swap3A_328] {strides = array<i32>} : memref<16x128xf32, #tpu.memory_space<vmem>>, vector<1x16xf32>,
      %swap3A_330 = vector.shape_cast %swap3A_329 : vector<1x16xf32> to vector<16xf32>
      %swap3A_331 = vector.shape_cast %add3A_326 : vector<16xf32> to vector<1x16xf32>
      tpu.vector_store %arg5[%swap3A_327, %swap3A_328], %swap3A_331 {strides = array<i32>} : memref<16x128xf32, #tpu.memory_space<vmem>>, vector<1x16xf32>,
      %get3A_332 = arith.index_cast %scan3A_233 : i32 to index
      %get3A_333 = arith.constant 112 : index
      %get3A_334 = tpu.vector_load %arg5[%get3A_332, %get3A_333] {strides = array<i32>} : memref<16x128xf32, #tpu.memory_space<vmem>>, vector<1x16xf32>,
      %get3A_335 = vector.shape_cast %get3A_334 : vector<1x16xf32> to vector<16xf32>
      %get3A_336 = arith.index_cast %scan3A_233 : i32 to index
      %get3A_337 = arith.constant 112 : index
      %get3A_338 = tpu.vector_load %arg6[%get3A_336, %get3A_337] {strides = array<i32>} : memref<16x128xf32, #tpu.memory_space<vmem>>, vector<1x16xf32>,
      %get3A_339 = vector.shape_cast %get3A_338 : vector<1x16xf32> to vector<16xf32>
      %add3A_340 = arith.addf %get3A_335, %get3A_339 : vector<16xf32>
      %swap3A_341 = arith.index_cast %scan3A_233 : i32 to index
      %swap3A_342 = arith.constant 112 : index
      %swap3A_343 = tpu.vector_load %arg5[%swap3A_341, %swap3A_342] {strides = array<i32>} : memref<16x128xf32, #tpu.memory_space<vmem>>, vector<1x16xf32>,
      %swap3A_344 = vector.shape_cast %swap3A_343 : vector<1x16xf32> to vector<16xf32>
      %swap3A_345 = vector.shape_cast %add3A_340 : vector<16xf32> to vector<1x16xf32>
      tpu.vector_store %arg5[%swap3A_341, %swap3A_342], %swap3A_345 {strides = array<i32>} : memref<16x128xf32, #tpu.memory_space<vmem>>, vector<1x16xf32>,
      %scan3A_346 = arith.constant 3 : i32
      %scan3A_347 = arith.addi %scan3A_7, %scan3A_346 : i32
      %get3A_348 = arith.index_cast %scan3A_347 : i32 to index
      %get3A_349 = arith.constant 0 : index
      %get3A_350 = tpu.vector_load %arg5[%get3A_348, %get3A_349] {strides = array<i32>} : memref<16x128xf32, #tpu.memory_space<vmem>>, vector<1x16xf32>,
      %get3A_351 = vector.shape_cast %get3A_350 : vector<1x16xf32> to vector<16xf32>
      %get3A_352 = arith.index_cast %scan3A_347 : i32 to index
      %get3A_353 = arith.constant 0 : index
      %get3A_354 = tpu.vector_load %arg6[%get3A_352, %get3A_353] {strides = array<i32>} : memref<16x128xf32, #tpu.memory_space<vmem>>, vector<1x16xf32>,
      %get3A_355 = vector.shape_cast %get3A_354 : vector<1x16xf32> to vector<16xf32>
      %add3A_356 = arith.addf %get3A_351, %get3A_355 : vector<16xf32>
      %swap3A_357 = arith.index_cast %scan3A_347 : i32 to index
      %swap3A_358 = arith.constant 0 : index
      %swap3A_359 = tpu.vector_load %arg5[%swap3A_357, %swap3A_358] {strides = array<i32>} : memref<16x128xf32, #tpu.memory_space<vmem>>, vector<1x16xf32>,
      %swap3A_360 = vector.shape_cast %swap3A_359 : vector<1x16xf32> to vector<16xf32>
      %swap3A_361 = vector.shape_cast %add3A_356 : vector<16xf32> to vector<1x16xf32>
      tpu.vector_store %arg5[%swap3A_357, %swap3A_358], %swap3A_361 {strides = array<i32>} : memref<16x128xf32, #tpu.memory_space<vmem>>, vector<1x16xf32>,
      %get3A_362 = arith.index_cast %scan3A_347 : i32 to index
      %get3A_363 = arith.constant 16 : index
      %get3A_364 = tpu.vector_load %arg5[%get3A_362, %get3A_363] {strides = array<i32>} : memref<16x128xf32, #tpu.memory_space<vmem>>, vector<1x16xf32>,
      %get3A_365 = vector.shape_cast %get3A_364 : vector<1x16xf32> to vector<16xf32>
      %get3A_366 = arith.index_cast %scan3A_347 : i32 to index
      %get3A_367 = arith.constant 16 : index
      %get3A_368 = tpu.vector_load %arg6[%get3A_366, %get3A_367] {strides = array<i32>} : memref<16x128xf32, #tpu.memory_space<vmem>>, vector<1x16xf32>,
      %get3A_369 = vector.shape_cast %get3A_368 : vector<1x16xf32> to vector<16xf32>
      %add3A_370 = arith.addf %get3A_365, %get3A_369 : vector<16xf32>
      %swap3A_371 = arith.index_cast %scan3A_347 : i32 to index
      %swap3A_372 = arith.constant 16 : index
      %swap3A_373 = tpu.vector_load %arg5[%swap3A_371, %swap3A_372] {strides = array<i32>} : memref<16x128xf32, #tpu.memory_space<vmem>>, vector<1x16xf32>,
      %swap3A_374 = vector.shape_cast %swap3A_373 : vector<1x16xf32> to vector<16xf32>
      %swap3A_375 = vector.shape_cast %add3A_370 : vector<16xf32> to vector<1x16xf32>
      tpu.vector_store %arg5[%swap3A_371, %swap3A_372], %swap3A_375 {strides = array<i32>} : memref<16x128xf32, #tpu.memory_space<vmem>>, vector<1x16xf32>,
      %get3A_376 = arith.index_cast %scan3A_347 : i32 to index
      %get3A_377 = arith.constant 32 : index
      %get3A_378 = tpu.vector_load %arg5[%get3A_376, %get3A_377] {strides = array<i32>} : memref<16x128xf32, #tpu.memory_space<vmem>>, vector<1x16xf32>,
      %get3A_379 = vector.shape_cast %get3A_378 : vector<1x16xf32> to vector<16xf32>
      %get3A_380 = arith.index_cast %scan3A_347 : i32 to index
      %get3A_381 = arith.constant 32 : index
      %get3A_382 = tpu.vector_load %arg6[%get3A_380, %get3A_381] {strides = array<i32>} : memref<16x128xf32, #tpu.memory_space<vmem>>, vector<1x16xf32>,
      %get3A_383 = vector.shape_cast %get3A_382 : vector<1x16xf32> to vector<16xf32>
      %add3A_384 = arith.addf %get3A_379, %get3A_383 : vector<16xf32>
      %swap3A_385 = arith.index_cast %scan3A_347 : i32 to index
      %swap3A_386 = arith.constant 32 : index
      %swap3A_387 = tpu.vector_load %arg5[%swap3A_385, %swap3A_386] {strides = array<i32>} : memref<16x128xf32, #tpu.memory_space<vmem>>, vector<1x16xf32>,
      %swap3A_388 = vector.shape_cast %swap3A_387 : vector<1x16xf32> to vector<16xf32>
      %swap3A_389 = vector.shape_cast %add3A_384 : vector<16xf32> to vector<1x16xf32>
      tpu.vector_store %arg5[%swap3A_385, %swap3A_386], %swap3A_389 {strides = array<i32>} : memref<16x128xf32, #tpu.memory_space<vmem>>, vector<1x16xf32>,
      %get3A_390 = arith.index_cast %scan3A_347 : i32 to index
      %get3A_391 = arith.constant 48 : index
      %get3A_392 = tpu.vector_load %arg5[%get3A_390, %get3A_391] {strides = array<i32>} : memref<16x128xf32, #tpu.memory_space<vmem>>, vector<1x16xf32>,
      %get3A_393 = vector.shape_cast %get3A_392 : vector<1x16xf32> to vector<16xf32>
      %get3A_394 = arith.index_cast %scan3A_347 : i32 to index
      %get3A_395 = arith.constant 48 : index
      %get3A_396 = tpu.vector_load %arg6[%get3A_394, %get3A_395] {strides = array<i32>} : memref<16x128xf32, #tpu.memory_space<vmem>>, vector<1x16xf32>,
      %get3A_397 = vector.shape_cast %get3A_396 : vector<1x16xf32> to vector<16xf32>
      %add3A_398 = arith.addf %get3A_393, %get3A_397 : vector<16xf32>
      %swap3A_399 = arith.index_cast %scan3A_347 : i32 to index
      %swap3A_400 = arith.constant 48 : index
      %swap3A_401 = tpu.vector_load %arg5[%swap3A_399, %swap3A_400] {strides = array<i32>} : memref<16x128xf32, #tpu.memory_space<vmem>>, vector<1x16xf32>,
      %swap3A_402 = vector.shape_cast %swap3A_401 : vector<1x16xf32> to vector<16xf32>
      %swap3A_403 = vector.shape_cast %add3A_398 : vector<16xf32> to vector<1x16xf32>
      tpu.vector_store %arg5[%swap3A_399, %swap3A_400], %swap3A_403 {strides = array<i32>} : memref<16x128xf32, #tpu.memory_space<vmem>>, vector<1x16xf32>,
      %get3A_404 = arith.index_cast %scan3A_347 : i32 to index
      %get3A_405 = arith.constant 64 : index
      %get3A_406 = tpu.vector_load %arg5[%get3A_404, %get3A_405] {strides = array<i32>} : memref<16x128xf32, #tpu.memory_space<vmem>>, vector<1x16xf32>,
      %get3A_407 = vector.shape_cast %get3A_406 : vector<1x16xf32> to vector<16xf32>
      %get3A_408 = arith.index_cast %scan3A_347 : i32 to index
      %get3A_409 = arith.constant 64 : index
      %get3A_410 = tpu.vector_load %arg6[%get3A_408, %get3A_409] {strides = array<i32>} : memref<16x128xf32, #tpu.memory_space<vmem>>, vector<1x16xf32>,
      %get3A_411 = vector.shape_cast %get3A_410 : vector<1x16xf32> to vector<16xf32>
      %add3A_412 = arith.addf %get3A_407, %get3A_411 : vector<16xf32>
      %swap3A_413 = arith.index_cast %scan3A_347 : i32 to index
      %swap3A_414 = arith.constant 64 : index
      %swap3A_415 = tpu.vector_load %arg5[%swap3A_413, %swap3A_414] {strides = array<i32>} : memref<16x128xf32, #tpu.memory_space<vmem>>, vector<1x16xf32>,
      %swap3A_416 = vector.shape_cast %swap3A_415 : vector<1x16xf32> to vector<16xf32>
      %swap3A_417 = vector.shape_cast %add3A_412 : vector<16xf32> to vector<1x16xf32>
      tpu.vector_store %arg5[%swap3A_413, %swap3A_414], %swap3A_417 {strides = array<i32>} : memref<16x128xf32, #tpu.memory_space<vmem>>, vector<1x16xf32>,
      %get3A_418 = arith.index_cast %scan3A_347 : i32 to index
      %get3A_419 = arith.constant 80 : index
      %get3A_420 = tpu.vector_load %arg5[%get3A_418, %get3A_419] {strides = array<i32>} : memref<16x128xf32, #tpu.memory_space<vmem>>, vector<1x16xf32>,
      %get3A_421 = vector.shape_cast %get3A_420 : vector<1x16xf32> to vector<16xf32>
      %get3A_422 = arith.index_cast %scan3A_347 : i32 to index
      %get3A_423 = arith.constant 80 : index
      %get3A_424 = tpu.vector_load %arg6[%get3A_422, %get3A_423] {strides = array<i32>} : memref<16x128xf32, #tpu.memory_space<vmem>>, vector<1x16xf32>,
      %get3A_425 = vector.shape_cast %get3A_424 : vector<1x16xf32> to vector<16xf32>
      %add3A_426 = arith.addf %get3A_421, %get3A_425 : vector<16xf32>
      %swap3A_427 = arith.index_cast %scan3A_347 : i32 to index
      %swap3A_428 = arith.constant 80 : index
      %swap3A_429 = tpu.vector_load %arg5[%swap3A_427, %swap3A_428] {strides = array<i32>} : memref<16x128xf32, #tpu.memory_space<vmem>>, vector<1x16xf32>,
      %swap3A_430 = vector.shape_cast %swap3A_429 : vector<1x16xf32> to vector<16xf32>
      %swap3A_431 = vector.shape_cast %add3A_426 : vector<16xf32> to vector<1x16xf32>
      tpu.vector_store %arg5[%swap3A_427, %swap3A_428], %swap3A_431 {strides = array<i32>} : memref<16x128xf32, #tpu.memory_space<vmem>>, vector<1x16xf32>,
      %get3A_432 = arith.index_cast %scan3A_347 : i32 to index
      %get3A_433 = arith.constant 96 : index
      %get3A_434 = tpu.vector_load %arg5[%get3A_432, %get3A_433] {strides = array<i32>} : memref<16x128xf32, #tpu.memory_space<vmem>>, vector<1x16xf32>,
      %get3A_435 = vector.shape_cast %get3A_434 : vector<1x16xf32> to vector<16xf32>
      %get3A_436 = arith.index_cast %scan3A_347 : i32 to index
      %get3A_437 = arith.constant 96 : index
      %get3A_438 = tpu.vector_load %arg6[%get3A_436, %get3A_437] {strides = array<i32>} : memref<16x128xf32, #tpu.memory_space<vmem>>, vector<1x16xf32>,
      %get3A_439 = vector.shape_cast %get3A_438 : vector<1x16xf32> to vector<16xf32>
      %add3A_440 = arith.addf %get3A_435, %get3A_439 : vector<16xf32>
      %swap3A_441 = arith.index_cast %scan3A_347 : i32 to index
      %swap3A_442 = arith.constant 96 : index
      %swap3A_443 = tpu.vector_load %arg5[%swap3A_441, %swap3A_442] {strides = array<i32>} : memref<16x128xf32, #tpu.memory_space<vmem>>, vector<1x16xf32>,
      %swap3A_444 = vector.shape_cast %swap3A_443 : vector<1x16xf32> to vector<16xf32>
      %swap3A_445 = vector.shape_cast %add3A_440 : vector<16xf32> to vector<1x16xf32>
      tpu.vector_store %arg5[%swap3A_441, %swap3A_442], %swap3A_445 {strides = array<i32>} : memref<16x128xf32, #tpu.memory_space<vmem>>, vector<1x16xf32>,
      %get3A_446 = arith.index_cast %scan3A_347 : i32 to index
      %get3A_447 = arith.constant 112 : index
      %get3A_448 = tpu.vector_load %arg5[%get3A_446, %get3A_447] {strides = array<i32>} : memref<16x128xf32, #tpu.memory_space<vmem>>, vector<1x16xf32>,
      %get3A_449 = vector.shape_cast %get3A_448 : vector<1x16xf32> to vector<16xf32>
      %get3A_450 = arith.index_cast %scan3A_347 : i32 to index
      %get3A_451 = arith.constant 112 : index
      %get3A_452 = tpu.vector_load %arg6[%get3A_450, %get3A_451] {strides = array<i32>} : memref<16x128xf32, #tpu.memory_space<vmem>>, vector<1x16xf32>,
      %get3A_453 = vector.shape_cast %get3A_452 : vector<1x16xf32> to vector<16xf32>
      %add3A_454 = arith.addf %get3A_449, %get3A_453 : vector<16xf32>
      %swap3A_455 = arith.index_cast %scan3A_347 : i32 to index
      %swap3A_456 = arith.constant 112 : index
      %swap3A_457 = tpu.vector_load %arg5[%swap3A_455, %swap3A_456] {strides = array<i32>} : memref<16x128xf32, #tpu.memory_space<vmem>>, vector<1x16xf32>,
      %swap3A_458 = vector.shape_cast %swap3A_457 : vector<1x16xf32> to vector<16xf32>
      %swap3A_459 = vector.shape_cast %add3A_454 : vector<16xf32> to vector<1x16xf32>
      tpu.vector_store %arg5[%swap3A_455, %swap3A_456], %swap3A_459 {strides = array<i32>} : memref<16x128xf32, #tpu.memory_space<vmem>>, vector<1x16xf32>,
    }
    %scan3A_6 = arith.constant 16 : i32
    "tpu.region"() ({
      %run_scoped3A = tpu.sem_alloc : memref<!tpu.dma_semaphore, #tpu.memory_space<semaphore_mem>>
      %dma_start3A = arith.constant 0 : i32
      %dma_start3A_7 = tpu.memref_slice %arg4[%mul3A_2, %dma_start3A] : memref<512x128xf32, #tpu.memory_space<hbm>> -> memref<16x128xf32, #tpu.memory_space<hbm>>
      %dma_start3A_8 = arith.constant 0 : i32
      %dma_start3A_9 = tpu.memref_slice %arg4[%mul3A_2, %dma_start3A_8] : memref<512x128xf32, #tpu.memory_space<hbm>> -> memref<16x128xf32, #tpu.memory_space<hbm>>
      tpu.enqueue_dma source(%arg5 : memref<16x128xf32, #tpu.memory_space<vmem>>) target(%dma_start3A_9 : memref<16x128xf32, #tpu.memory_space<hbm>>) target_semaphore(%run_scoped3A : memref<!tpu.dma_semaphore, #tpu.memory_space<semaphore_mem>>)
      %dma_wait3A = arith.constant 0 : i32
      %dma_wait3A_10 = tpu.memref_slice %arg4[%mul3A_2, %dma_wait3A] : memref<512x128xf32, #tpu.memory_space<hbm>> -> memref<16x128xf32, #tpu.memory_space<hbm>>
      %dma_wait3A_11 = arith.constant 0 : i32
      %dma_wait3A_12 = tpu.memref_slice %arg4[%mul3A_2, %dma_wait3A_11] : memref<512x128xf32, #tpu.memory_space<hbm>> -> memref<16x128xf32, #tpu.memory_space<hbm>>
      tpu.wait_dma2 semaphore(%run_scoped3A : memref<!tpu.dma_semaphore, #tpu.memory_space<semaphore_mem>>) src(%arg5 : memref<16x128xf32, #tpu.memory_space<vmem>>) dst(%dma_wait3A_12 : memref<16x128xf32, #tpu.memory_space<hbm>>)
      tpu.yield
    }) : () -> ()
    return
  }
}

</mosaic_0001>

<sc_bundles>
// kernel: kernel.4.cloned.1.call-start
scs
__scs_entry_jumppad:
0x0: {  	(pc) =	sbr.rel $0x88, $3  }
0x1: {  	(tag) =	ssettag $0x0;
	lr =	simm.s32 $0x1  }
0x2: {  	[smem:$0x3F98] =	sst lr;
	_ =	strace $0xD0000000  }
0x3: {  	_ = 	snop  }
0x4: {  	_ = 	snop  }
0x5: {  	_ = 	snop  }
0x6: {  	_ = 	snop  }
0x7: {  	_ = 	snop  }
__scs_overlays_trampoline_lowered:
0x8: {  	[smem:$0x3FA7] =	sst s0  }
0x9: {  	[smem:$0x3FA8] =	sst s1  }
0xa: {  	[smem:$0x3FA9] =	sst s2  }
0xb: {  	[smem:$0x3FAA] =	sst s3  }
0xc: {  	[smem:$0x3FAB] =	sst s4  }
0xd: {  	[smem:$0x3FAC] =	sst s5  }
0xe: {  	[smem:$0x3FAD] =	sst s6  }
0xf: {  	[smem:$0x3FAE] =	sst s7  }
0x10: {  	[smem:$0x3FAF] =	sst s8  }
0x11: {  	[smem:$0x3FB0] =	sst s9;
	s0 =	simm.s32 @!p0 $0x0  }
0x12: {  	s1 =	sld [smem:$0x3F96];
	s0 =	simm.s32 @p0 $0x1  }
0x13: {  	[smem:$0x3FB1] =	sst s0;
	s0 =	simm.s32 @!p1 $0x0  }
0x14: {  	s2 =	sld [smem:$0x3F95];
	s0 =	simm.s32 @p1 $0x1  }
0x15: {  	[smem:$0x3FB2] =	sst s0;
	s0 =	simm.s32 @!p2 $0x0  }
0x16: {  	s3 =	sld [smem:$0x3FDB];
	s0 =	simm.s32 @p2 $0x1  }
0x17: {  	s4 =	simm.s32 $0x1BF5;
	[smem:$0x3FB4] =	sst s0  }
0x18: {  	s0 =	sld [smem:$0x3F97];
	_ =	swait.ge [sflag:s4], $0x0  }
0x19: {  	s7 =	sld [smem:$0x3F98]  }
0x1a: {  	s8 =	sadd.s32 $0xFFFFE003, lr  }
0x1b: {  	s9 =	sadd.s32 $0xFFFFFEF7, lr;
	s5 =	simm.s32 $0xFFFFFFFF;
	p2 =	slt.u32 s8, $0xFFFFF086  }
0x1c: {  	p1 =	slt.u32 s9, $0xF7A;
	s5 =	simm.s32 @!p2 $0x0  }
0x1d: {  	s5 =	simm.s32 @p1 $0x1;
	p0 =	seq.s32 s7, s2  }
0x1e: {  	s7 =	smul.u32 @!p0 $0xF7A, s2;
	p2 =	seq.s32 @!p0 s5, $0x0  }
0x1f: {  	s9 =	smul.u32 $0xF7A, s1;
	s8 =	simm.s32 @!p0 $0x1BF5;
	p2 =	por !p2, p0  }
0x20: {  	[sflag:s8] =	ssyncset.s32 @!p0 $0xFFFFF086;
	s6 =	sadd.s32 @!p0 s3, s7;
	s7 =	simm.s32 @!p0 $0x108  }
0x21: {  	s3 =	sadd.s32 s3, s9;
	s6 =	sadd.s32 @!p0 $0x88, s6;
	s7 =	simm.s32 @p2 $0x1082  }
0x22: {  	[simem:s7], [sflag:s8] =	dma.local @!p0 [hbm:s6], $0xF7A  }
0x23: {  	s9 =	sor.u32 $0xD0000000, s2;
	s6 =	simm.s32 $0x108;
	_ =	swait.ge @!p0 [sflag:s8], $0x0  }
0x24: {  	s3 =	sadd.s32 $0x88, s3;
	s6 =	simm.s32 @!p1 $0x1082;
	[sflag:s4] =	ssyncset.s32 $0xFFFFF086  }
0x25: {  	[simem:s6], [sflag:s4] =	dma.local [hbm:s3], $0xF7A  }
0x26: {  	[smem:$0x3F98] =	sst s1;
	(tag) =	ssettag s2;
	_ =	strace s9  }
0x27: {  	s1 =	sld [smem:$0x3FA8]  }
0x28: {  	s2 =	sld [smem:$0x3FA9]  }
0x29: {  	s4 =	sld [smem:$0x3FAB]  }
0x2a: {  	p0 =	seq.s32 s5, $0x0;
	s5 =	sld [smem:$0x3FAC]  }
0x2b: {  	s6 =	sld [smem:$0x3FAD]  }
0x2c: {  	s7 =	sld [smem:$0x3FAE]  }
0x2d: {  	s3 =	simm.s32 $0x108;
	s8 =	sld [smem:$0x3FAF]  }
0x2e: {  	s3 =	simm.s32 @!p0 $0x1082;
	s9 =	sld [smem:$0x3FB0]  }
0x2f: {  	lr =	sadd.s32 s0, s3;
	s0 =	sld [smem:$0x3FA7]  }
0x30: {  	s3 =	sld [smem:$0x3FAA]  }
0x31: {  	[smem:$0x3FB3] =	sst s10  }
0x32: {  	s10 =	sld [smem:$0x3FB1];
	_ =	sdelay $0x3  }
0x33: {  	p0 =	seq.s32 s10, $0x1;
	s10 =	sld [smem:$0x3FB3];
	_ =	sdelay $0x3  }
0x34: {  	[smem:$0x3FB3] =	sst s10  }
0x35: {  	s10 =	sld [smem:$0x3FB2];
	_ =	sdelay $0x3  }
0x36: {  	p1 =	seq.s32 s10, $0x1;
	s10 =	sld [smem:$0x3FB3];
	_ =	sdelay $0x3  }
0x37: {  	[smem:$0x3FB3] =	sst s10  }
0x38: {  	s10 =	sld [smem:$0x3FB4]  }
0x39: {  	_ = 	snop;
	(pc) =	sbr.ind lr, $3  }
0x3a: {  	_ = 	snop  }
0x3b: {  	_ = 	snop  }
0x3c: {  	p2 =	seq.s32 s10, $0x1;
	s10 =	sld [smem:$0x3FB3]  }
0x3d: {  	_ =	shalt  }
0x3e: {  	_ =	shalt  }
0x3f: {  	_ =	shalt  }
0x40: {  	_ =	shalt  }
0x41: {  	_ =	shalt  }
0x42: {  	_ =	shalt  }
0x43: {  	_ =	shalt  }
0x44: {  	_ =	shalt  }
0x45: {  	_ =	shalt  }
0x46: {  	_ =	shalt  }
0x47: {  	_ =	shalt  }
0x48: {  	_ =	shalt  }
0x49: {  	_ =	shalt  }
0x4a: {  	_ =	shalt  }
0x4b: {  	_ =	shalt  }
0x4c: {  	_ =	shalt  }
0x4d: {  	_ =	shalt  }
0x4e: {  	_ =	shalt  }
0x4f: {  	_ =	shalt  }
0x50: {  	_ =	shalt  }
0x51: {  	_ =	shalt  }
0x52: {  	_ =	shalt  }
0x53: {  	_ =	shalt  }
0x54: {  	_ =	shalt  }
0x55: {  	_ =	shalt  }
0x56: {  	_ =	shalt  }
0x57: {  	_ =	shalt  }
0x58: {  	_ =	shalt  }
0x59: {  	_ =	shalt  }
0x5a: {  	_ =	shalt  }
0x5b: {  	_ =	shalt  }
0x5c: {  	_ =	shalt  }
0x5d: {  	_ =	shalt  }
0x5e: {  	_ =	shalt  }
0x5f: {  	_ =	shalt  }
0x60: {  	_ =	shalt  }
0x61: {  	_ =	shalt  }
0x62: {  	_ =	shalt  }
0x63: {  	_ =	shalt  }
0x64: {  	_ =	shalt  }
0x65: {  	_ =	shalt  }
0x66: {  	_ =	shalt  }
0x67: {  	_ =	shalt  }
0x68: {  	_ =	shalt  }
0x69: {  	_ =	shalt  }
0x6a: {  	_ =	shalt  }
0x6b: {  	_ =	shalt  }
0x6c: {  	_ =	shalt  }
0x6d: {  	_ =	shalt  }
0x6e: {  	_ =	shalt  }
0x6f: {  	_ =	shalt  }
0x70: {  	_ =	shalt  }
0x71: {  	_ =	shalt  }
0x72: {  	_ =	shalt  }
0x73: {  	_ =	shalt  }
0x74: {  	_ =	shalt  }
0x75: {  	_ =	shalt  }
0x76: {  	_ =	shalt  }
0x77: {  	_ =	shalt  }
0x78: {  	_ =	shalt  }
0x79: {  	_ =	shalt  }
0x7a: {  	_ =	shalt  }
0x7b: {  	_ =	shalt  }
0x7c: {  	_ =	shalt  }
0x7d: {  	_ =	shalt  }
0x7e: {  	_ =	shalt  }
0x7f: {  	_ =	shalt  }
0x80: {  	_ =	shalt  }
0x81: {  	_ =	shalt  }
0x82: {  	_ =	shalt  }
0x83: {  	_ =	shalt  }
0x84: {  	_ =	shalt  }
0x85: {  	_ =	shalt  }
0x86: {  	_ =	shalt  }
0x87: {  	_ =	shalt  }
.Lfunc_end0:
.L_simem_size_0:
called_computation_lowered:
.L_overlay_start_0:
0x88: {  	s2 =	sld [smem:$0x3FD9]  }
0x89: {  	s3 =	sld [smem:$0x3FFE];
	_ =	sdelay $0x1  }
0x8a: {  	s1 =	srdreg.scid  }
0x8b: {  	s0 =	sand.u32 $0x1, s1  }
0x8c: {  	s17 =	sshll.u32 s0, $0xA;
	s2 =	sadd.s32 s3, s2  }
0x8d: {  	s2 =	sadd.s32 s2, s17  }
0x8e: {  	[smem:$0x3FBF] =	sst s2  }
0x8f: {  	_ = 	snop  }
0x90: {  	s2 =	sld [smem:$0x3FC4]  }
0x91: {  	s18 =	sld [smem:$0x3FC3];
	(tm) =	ssettm $0x1  }
0x92: {  	s4 =	sld [smem:$0x3FFB];
	_ =	sdelay $0x3  }
0x93: {  	_ =	strace s4  }
0x94: {  	s4 =	sld [smem:$0x3FFC];
	_ =	sdelay $0x3  }
0x95: {  	_ =	strace s4  }
0x96: {  	s4 =	sld [smem:$0x3FFD];
	_ =	sdelay $0x3  }
0x97: {  	_ =	strace s4  }
0x98: {  	_ =	strace $0x8FFFFFFF  }
0x99: {  	s19 =	sld [smem:$0x3FDB];
	_ =	sdelay $0x1  }
0x9a: {  	s5 =	simm.s32 $_scs_section_size  }
0x9b: {  	s6 =	simm.s32 $_size__tile_overlayer_lowered;
	s7 =	simm.s32 $_tile_overlayer_lowered  }
0x9c: {  	s22 =	simm.s32 $0x1BFF;
	s21 =	sshll.u32 s7, $0x1;
	s4 =	sadd.s32 s5, s19  }
0x9d: {  	s8 =	simm.s32 $0x0;
	s20 =	sshll.u32 s6, $0x1;
	s6 =	sadd.s32 s21, s4  }
0x9e: {  	[timem:s8], [sflag:s22] =	dma.local [hbm:s6], s20  }
0x9f: {  	_ =	swait.ge [sflag:s22], s20  }
0xa0: {  	s5 =	ssub.s32 $0x0, s20;
	[sflag:s22] =	ssyncset.done $0x0  }
0xa1: {  	[sflag:s22] =	ssyncadd.s32 s5;
	_ =	sdelay $0x1  }
0xa2: {  	s23 =	simm.s32 $0x1B8B  }
0xa3: {  	_ =	swait.ge [sflag:s23], $0x1  }
0xa4: {  	[sflag:s23] =	ssyncset.done $0x0  }
0xa5: {  	s25 =	simm.s32 $0x1B8E;
	s24 =	sld [smem:$0x3FFE];
	[sflag:s23] =	ssyncadd.s32 $0xFFFFFFFF  }
0xa6: {  	s26 =	simm.s32 $execute0_lowered;
	[smem:$0x3FD2] =	sst s25  }
0xa7: {  	s6 =	sshll.u32 s26, $0x1;
	_ =	strace $0x80000046;
	[dreg:$0x1] =	wrdreg $0xFFFFFFFF  }
0xa8: {  	s28 =	simm.s32 $_size_execute0_lowered;
	s4 =	sadd.s32 s4, s6;
	[dreg:$0x0] =	wrdreg $0x0  }
0xa9: {  	s6 =	sshll.u32 s28, $0x1;
	[dreg:$0x2] =	wrdreg s4  }
0xaa: {  	[dreg:$0x3] =	wrdreg s6  }
0xab: {  	[dreg:$0x4] =	wrdreg $0xC0  }
0xac: {  	_ =	task [dreg:s8], $0x5FFFF  }
0xad: {  	[dreg:$0x1] =	wrdreg $0xFFFFFFFF  }
0xae: {  	[dreg:$0x0] =	wrdreg $0x60  }
0xaf: {  	[dreg:$0x2] =	wrdreg s2  }
0xb0: {  	[dreg:$0x3] =	wrdreg s18  }
0xb1: {  	[dreg:$0x4] =	wrdreg s24  }
0xb2: {  	[dreg:$0x5] =	wrdreg $0x9  }
0xb3: {  	_ =	task.clear_ibuf [dreg:s8], $0x6FFFF;
	_ =	strace $0x90000046  }
0xb4: {  	s29 =	simm.s32 $0x9;
	_ =	strace $0x80000048  }
0xb5: {  	_ =	swait.ge [sflag:s29], $0x1  }
0xb6: {  	[sflag:s29] =	ssyncadd.s32 $0xFFFFFFFF  }
0xb7: {  	_ =	strace $0x90000048  }
0xb8: {  	_ =	sfence  }
0xb9: {  	s30 =	sld [smem:$0x0];
	_ =	sdelay $0x2  }
0xba: {  	s31 =	sshll.u32 s1, $0xD;
	s1 =	sshrl.u32 s1, $0x2  }
0xbb: {  	s3 =	sand.u32 $0x4000, s31;
	s1 =	sadd.s32 s1, s30  }
0xbc: {  	s0 =	sor.u32 s3, s0;
	s1 =	sshll.u32 s1, $0x11  }
0xbd: {  	s0 =	sor.u32 s1, s0  }
0xbe: {  	s0 =	sadd.s32 $0x8F2B, s0  }
0xbf: {  	[sflag:s0] =	ssyncadd.remote.s32 $0x1  }
0xc0: {  	_ =	sfence.sel $0xFFFF  }
0xc1: {  	[dreg:$0x0] =	wrdreg $0xFFFFFFFF;
	(pc) =	sbr.abs _section_cstart, $3  }
0xc2: {  	[dreg:$0x1] =	wrdreg $0xFFFFFFFF  }
0xc3: {  	_ =	task.clear_ibuf [dreg:s8], $0x2FFFF;
	_ =	strace $0x9FFFFFFF  }
0xc4: {  	(tm) =	ssettm $0x7FFFFFFF  }
0xc5: {  	_ =	shalt  }
tec
execute0_lowered:
.L_overlay_start_1:
0x0: {  	(tag) =	ssettag $0x1  }
0x1: {  	s3 =	rddreg [dreg:$0x0]  }
0x2: {  	s4 =	rddreg [dreg:$0x1]  }
0x3: {  	s5 =	rddreg [dreg:$0x2]  }
0x4: {  	s0 =	rddreg [dreg:$0x3];
	s2 =	simm.s32 $0x0;
	s6 =	srdreg.scid  }
0x5: {  	s1 =	stileid.u32;
	s9 =	simm.s32 $0x0;
	s6 =	sand.u32 $0x1, s6  }
0x6: {  	[smem:$0x7FF] =	sst s2;
	s7 =	sshll.u32 s1, $0x9;
	s8 =	sshll.u32 s6, $0x8  }
0x7: {  	s6 =	ssub.s32 $0x2, s6;
	_ =	strace $0x80000047;
	s7 =	sor.u32 s8, s7  }
0x8: {  	s31 =	sshrl.u32 s6, $0x1;
	s8 =	simm.s32 $0x800;
	s5 =	sadd.s32 s7, s5  }
0x9: {  	s6 =	ssub.s32 s6, s31;
	s3 =	sadd.s32 s3, s7;
	s4 =	sadd.s32 s4, s7  }
0xa: {  	s7 =	simm.s32 $0x1;
	s5 =	sadd.s32 $0xE00, s5;
	s6 =	smax.u32 s6, $0x1  }
.LBB2_1:
0xb: {  	[tilespmem:s2], [sflag:$0x1] =	stream.linear.gather [hbm4b:s3+s2], $0x800, $0x38;
	[tilespmem:$0x1000] =	vst v63  }
0xc: {  	_ =	swait.ge [sflag:s7], $0x800  }
0xd: {  	[sflag:s7] =	ssyncset.done $0x0  }
0xe: {  	[sflag:s7] =	ssyncadd.s32 $0xFFFFF800  }
0xf: {  	[tilespmem:s8], [sflag:$0x1] =	stream.linear.gather [hbm4b:s4+s2], $0x800, $0x38;
	[tilespmem:$0x1000] =	vst v63  }
0x10: {  	_ =	swait.ge [sflag:s7], $0x800  }
0x11: {  	[sflag:s7] =	ssyncset.done $0x0  }
0x12: {  	s10 =	simm.s32 $0x100;
	[sflag:s7] =	ssyncadd.s32 $0xFFFFF800  }
0x13: {  	s11 =	simm.s32 $0x900;
	v0 =	vld [tilespmem:s10+$0xFFFFFF00]  }
0x14: {  	v1 =	vld [tilespmem:s11+$0xFFFFFF00];
	_ =	sdelay $0x4  }
0x15: {  	v0 =	vadd.f32 v1, v0;
	_ =	sdelay $0x1  }
0x16: {  	[tilespmem:s10+$0xFFFFFF00] =	vst v0;
	v0 =	vld [tilespmem:s10+$0xFFFFFF10]  }
0x17: {  	v1 =	vld [tilespmem:s11+$0xFFFFFF10];
	_ =	sdelay $0x4  }
0x18: {  	v0 =	vadd.f32 v1, v0;
	_ =	sdelay $0x1  }
0x19: {  	[tilespmem:s10+$0xFFFFFF10] =	vst v0;
	v0 =	vld [tilespmem:s10+$0xFFFFFF20]  }
0x1a: {  	v1 =	vld [tilespmem:s11+$0xFFFFFF20];
	_ =	sdelay $0x4  }
0x1b: {  	v0 =	vadd.f32 v1, v0;
	_ =	sdelay $0x1  }
0x1c: {  	[tilespmem:s10+$0xFFFFFF20] =	vst v0;
	v0 =	vld [tilespmem:s10+$0xFFFFFF30]  }
0x1d: {  	v1 =	vld [tilespmem:s11+$0xFFFFFF30];
	_ =	sdelay $0x4  }
0x1e: {  	v0 =	vadd.f32 v1, v0;
	_ =	sdelay $0x1  }
0x1f: {  	[tilespmem:s10+$0xFFFFFF30] =	vst v0;
	v0 =	vld [tilespmem:s10+$0xFFFFFF40]  }
0x20: {  	v1 =	vld [tilespmem:s11+$0xFFFFFF40];
	_ =	sdelay $0x4  }
0x21: {  	v0 =	vadd.f32 v1, v0;
	_ =	sdelay $0x1  }
0x22: {  	[tilespmem:s10+$0xFFFFFF40] =	vst v0;
	v0 =	vld [tilespmem:s10+$0xFFFFFF50]  }
0x23: {  	v1 =	vld [tilespmem:s11+$0xFFFFFF50];
	_ =	sdelay $0x4  }
0x24: {  	v0 =	vadd.f32 v1, v0;
	_ =	sdelay $0x1  }
0x25: {  	[tilespmem:s10+$0xFFFFFF50] =	vst v0;
	v0 =	vld [tilespmem:s10+$0xFFFFFF60]  }
0x26: {  	v1 =	vld [tilespmem:s11+$0xFFFFFF60];
	_ =	sdelay $0x4  }
0x27: {  	v0 =	vadd.f32 v1, v0;
	_ =	sdelay $0x1  }
0x28: {  	[tilespmem:s10+$0xFFFFFF60] =	vst v0;
	v0 =	vld [tilespmem:s10+$0xFFFFFF70]  }
0x29: {  	v1 =	vld [tilespmem:s11+$0xFFFFFF70];
	_ =	sdelay $0x4  }
0x2a: {  	v0 =	vadd.f32 v1, v0;
	_ =	sdelay $0x1  }
0x2b: {  	[tilespmem:s10+$0xFFFFFF70] =	vst v0;
	v0 =	vld [tilespmem:s10+$0xFFFFFF80]  }
0x2c: {  	v1 =	vld [tilespmem:s11+$0xFFFFFF80];
	_ =	sdelay $0x4  }
0x2d: {  	v0 =	vadd.f32 v1, v0;
	_ =	sdelay $0x1  }
0x2e: {  	[tilespmem:s10+$0xFFFFFF80] =	vst v0;
	v0 =	vld [tilespmem:s10+$0xFFFFFF90]  }
0x2f: {  	v1 =	vld [tilespmem:s11+$0xFFFFFF90];
	_ =	sdelay $0x4  }
0x30: {  	v0 =	vadd.f32 v1, v0;
	_ =	sdelay $0x1  }
0x31: {  	[tilespmem:s10+$0xFFFFFF90] =	vst v0;
	v0 =	vld [tilespmem:s10+$0xFFFFFFA0]  }
0x32: {  	v1 =	vld [tilespmem:s11+$0xFFFFFFA0];
	_ =	sdelay $0x4  }
0x33: {  	v0 =	vadd.f32 v1, v0;
	_ =	sdelay $0x1  }
0x34: {  	[tilespmem:s10+$0xFFFFFFA0] =	vst v0;
	v0 =	vld [tilespmem:s10+$0xFFFFFFB0]  }
0x35: {  	v1 =	vld [tilespmem:s11+$0xFFFFFFB0];
	_ =	sdelay $0x4  }
0x36: {  	v0 =	vadd.f32 v1, v0;
	_ =	sdelay $0x1  }
0x37: {  	[tilespmem:s10+$0xFFFFFFB0] =	vst v0;
	v0 =	vld [tilespmem:s10+$0xFFFFFFC0]  }
0x38: {  	v1 =	vld [tilespmem:s11+$0xFFFFFFC0];
	_ =	sdelay $0x4  }
0x39: {  	v0 =	vadd.f32 v1, v0;
	_ =	sdelay $0x1  }
0x3a: {  	[tilespmem:s10+$0xFFFFFFC0] =	vst v0;
	v0 =	vld [tilespmem:s10+$0xFFFFFFD0]  }
0x3b: {  	v1 =	vld [tilespmem:s11+$0xFFFFFFD0];
	_ =	sdelay $0x4  }
0x3c: {  	v0 =	vadd.f32 v1, v0;
	_ =	sdelay $0x1  }
0x3d: {  	[tilespmem:s10+$0xFFFFFFD0] =	vst v0;
	v0 =	vld [tilespmem:s10+$0xFFFFFFE0]  }
0x3e: {  	v1 =	vld [tilespmem:s11+$0xFFFFFFE0];
	_ =	sdelay $0x4  }
0x3f: {  	v0 =	vadd.f32 v1, v0;
	_ =	sdelay $0x1  }
0x40: {  	[tilespmem:s10+$0xFFFFFFE0] =	vst v0;
	v0 =	vld [tilespmem:s10+$0xFFFFFFF0]  }
0x41: {  	v1 =	vld [tilespmem:s11+$0xFFFFFFF0];
	_ =	sdelay $0x4  }
0x42: {  	v0 =	vadd.f32 v1, v0;
	_ =	sdelay $0x1  }
0x43: {  	[tilespmem:s10+$0xFFFFFFF0] =	vst v0;
	v0 =	vld [tilespmem:s10+$0x0]  }
0x44: {  	v1 =	vld [tilespmem:s11+$0x0];
	_ =	sdelay $0x4  }
0x45: {  	v0 =	vadd.f32 v1, v0;
	_ =	sdelay $0x1  }
0x46: {  	[tilespmem:s10+$0x0] =	vst v0;
	v0 =	vld [tilespmem:s10+$0x10]  }
0x47: {  	v1 =	vld [tilespmem:s11+$0x10];
	_ =	sdelay $0x4  }
0x48: {  	v0 =	vadd.f32 v1, v0;
	_ =	sdelay $0x1  }
0x49: {  	[tilespmem:s10+$0x10] =	vst v0;
	v0 =	vld [tilespmem:s10+$0x20]  }
0x4a: {  	v1 =	vld [tilespmem:s11+$0x20];
	_ =	sdelay $0x4  }
0x4b: {  	v0 =	vadd.f32 v1, v0;
	_ =	sdelay $0x1  }
0x4c: {  	[tilespmem:s10+$0x20] =	vst v0;
	v0 =	vld [tilespmem:s10+$0x30]  }
0x4d: {  	v1 =	vld [tilespmem:s11+$0x30];
	_ =	sdelay $0x4  }
0x4e: {  	v0 =	vadd.f32 v1, v0;
	_ =	sdelay $0x1  }
0x4f: {  	[tilespmem:s10+$0x30] =	vst v0;
	v0 =	vld [tilespmem:s10+$0x40]  }
0x50: {  	v1 =	vld [tilespmem:s11+$0x40];
	_ =	sdelay $0x4  }
0x51: {  	v0 =	vadd.f32 v1, v0;
	_ =	sdelay $0x1  }
0x52: {  	[tilespmem:s10+$0x40] =	vst v0;
	v0 =	vld [tilespmem:s10+$0x50]  }
0x53: {  	v1 =	vld [tilespmem:s11+$0x50];
	_ =	sdelay $0x4  }
0x54: {  	v0 =	vadd.f32 v1, v0;
	_ =	sdelay $0x1  }
0x55: {  	[tilespmem:s10+$0x50] =	vst v0;
	v0 =	vld [tilespmem:s10+$0x60]  }
0x56: {  	v1 =	vld [tilespmem:s11+$0x60];
	_ =	sdelay $0x4  }
0x57: {  	v0 =	vadd.f32 v1, v0;
	_ =	sdelay $0x1  }
0x58: {  	[tilespmem:s10+$0x60] =	vst v0;
	v0 =	vld [tilespmem:s10+$0x70]  }
0x59: {  	v1 =	vld [tilespmem:s11+$0x70];
	_ =	sdelay $0x4  }
0x5a: {  	v0 =	vadd.f32 v1, v0;
	_ =	sdelay $0x1  }
0x5b: {  	[tilespmem:s10+$0x70] =	vst v0;
	v0 =	vld [tilespmem:s10+$0x80]  }
0x5c: {  	v1 =	vld [tilespmem:s11+$0x80];
	_ =	sdelay $0x4  }
0x5d: {  	v0 =	vadd.f32 v1, v0;
	_ =	sdelay $0x1  }
0x5e: {  	[tilespmem:s10+$0x80] =	vst v0;
	v0 =	vld [tilespmem:s10+$0x90]  }
0x5f: {  	v1 =	vld [tilespmem:s11+$0x90];
	_ =	sdelay $0x4  }
0x60: {  	v0 =	vadd.f32 v1, v0;
	_ =	sdelay $0x1  }
0x61: {  	[tilespmem:s10+$0x90] =	vst v0;
	v0 =	vld [tilespmem:s10+$0xA0]  }
0x62: {  	v1 =	vld [tilespmem:s11+$0xA0];
	_ =	sdelay $0x4  }
0x63: {  	v0 =	vadd.f32 v1, v0;
	_ =	sdelay $0x1  }
0x64: {  	[tilespmem:s10+$0xA0] =	vst v0;
	v0 =	vld [tilespmem:s10+$0xB0]  }
0x65: {  	v1 =	vld [tilespmem:s11+$0xB0];
	_ =	sdelay $0x4  }
0x66: {  	v0 =	vadd.f32 v1, v0;
	_ =	sdelay $0x1  }
0x67: {  	[tilespmem:s10+$0xB0] =	vst v0;
	v0 =	vld [tilespmem:s10+$0xC0]  }
0x68: {  	v1 =	vld [tilespmem:s11+$0xC0];
	_ =	sdelay $0x4  }
0x69: {  	v0 =	vadd.f32 v1, v0;
	_ =	sdelay $0x1  }
0x6a: {  	[tilespmem:s10+$0xC0] =	vst v0;
	v0 =	vld [tilespmem:s10+$0xD0]  }
0x6b: {  	v1 =	vld [tilespmem:s11+$0xD0];
	_ =	sdelay $0x4  }
0x6c: {  	v0 =	vadd.f32 v1, v0;
	_ =	sdelay $0x1  }
0x6d: {  	[tilespmem:s10+$0xD0] =	vst v0;
	v0 =	vld [tilespmem:s10+$0xE0]  }
0x6e: {  	v1 =	vld [tilespmem:s11+$0xE0];
	_ =	sdelay $0x4  }
0x6f: {  	v0 =	vadd.f32 v1, v0;
	_ =	sdelay $0x1  }
0x70: {  	[tilespmem:s10+$0xE0] =	vst v0;
	v0 =	vld [tilespmem:s10+$0xF0]  }
0x71: {  	v1 =	vld [tilespmem:s11+$0xF0];
	_ =	sdelay $0x4  }
0x72: {  	v0 =	vadd.f32 v1, v0  }
0x73: {  	s12 =	simm.s32 $0x0;
	s13 =	simm.s32 $0x300  }
.LBB2_2:
0x74: {  	v1 =	vld [tilespmem:s13+$0xFFFFFF00];
	[tilespmem:s10+$0xF0] =	vst v0;
	s11 =	sadd.s32 $0x200, s11;
	s10 =	smov.u32 s13  }
0x75: {  	s12 =	sadd.s32 $0x4, s12;
	v0 =	vld [tilespmem:s11+$0xFFFFFF00]  }
0x76: {  	p0 =	slt.u32 s12, $0xC;
	_ =	sdelay $0x3  }
0x77: {  	v0 =	vadd.f32 v0, v1;
	_ =	sdelay $0x1  }
0x78: {  	[tilespmem:s13+$0xFFFFFF00] =	vst v0;
	v0 =	vld [tilespmem:s13+$0xFFFFFF10]  }
0x79: {  	v1 =	vld [tilespmem:s11+$0xFFFFFF10];
	_ =	sdelay $0x4  }
0x7a: {  	v0 =	vadd.f32 v1, v0;
	_ =	sdelay $0x1  }
0x7b: {  	[tilespmem:s13+$0xFFFFFF10] =	vst v0;
	v0 =	vld [tilespmem:s13+$0xFFFFFF20]  }
0x7c: {  	v1 =	vld [tilespmem:s11+$0xFFFFFF20];
	_ =	sdelay $0x4  }
0x7d: {  	v0 =	vadd.f32 v1, v0;
	_ =	sdelay $0x1  }
0x7e: {  	[tilespmem:s13+$0xFFFFFF20] =	vst v0;
	v0 =	vld [tilespmem:s13+$0xFFFFFF30]  }
0x7f: {  	v1 =	vld [tilespmem:s11+$0xFFFFFF30];
	_ =	sdelay $0x4  }
0x80: {  	v0 =	vadd.f32 v1, v0;
	_ =	sdelay $0x1  }
0x81: {  	[tilespmem:s13+$0xFFFFFF30] =	vst v0;
	v0 =	vld [tilespmem:s13+$0xFFFFFF40]  }
0x82: {  	v1 =	vld [tilespmem:s11+$0xFFFFFF40];
	_ =	sdelay $0x4  }
0x83: {  	v0 =	vadd.f32 v1, v0;
	_ =	sdelay $0x1  }
0x84: {  	[tilespmem:s13+$0xFFFFFF40] =	vst v0;
	v0 =	vld [tilespmem:s13+$0xFFFFFF50]  }
0x85: {  	v1 =	vld [tilespmem:s11+$0xFFFFFF50];
	_ =	sdelay $0x4  }
0x86: {  	v0 =	vadd.f32 v1, v0;
	_ =	sdelay $0x1  }
0x87: {  	[tilespmem:s13+$0xFFFFFF50] =	vst v0;
	v0 =	vld [tilespmem:s13+$0xFFFFFF60]  }
0x88: {  	v1 =	vld [tilespmem:s11+$0xFFFFFF60];
	_ =	sdelay $0x4  }
0x89: {  	v0 =	vadd.f32 v1, v0;
	_ =	sdelay $0x1  }
0x8a: {  	[tilespmem:s13+$0xFFFFFF60] =	vst v0;
	v0 =	vld [tilespmem:s13+$0xFFFFFF70]  }
0x8b: {  	v1 =	vld [tilespmem:s11+$0xFFFFFF70];
	_ =	sdelay $0x4  }
0x8c: {  	v0 =	vadd.f32 v1, v0;
	_ =	sdelay $0x1  }
0x8d: {  	[tilespmem:s13+$0xFFFFFF70] =	vst v0;
	v0 =	vld [tilespmem:s13+$0xFFFFFF80]  }
0x8e: {  	v1 =	vld [tilespmem:s11+$0xFFFFFF80];
	_ =	sdelay $0x4  }
0x8f: {  	v0 =	vadd.f32 v1, v0;
	_ =	sdelay $0x1  }
0x90: {  	[tilespmem:s13+$0xFFFFFF80] =	vst v0;
	v0 =	vld [tilespmem:s13+$0xFFFFFF90]  }
0x91: {  	v1 =	vld [tilespmem:s11+$0xFFFFFF90];
	_ =	sdelay $0x4  }
0x92: {  	v0 =	vadd.f32 v1, v0;
	_ =	sdelay $0x1  }
0x93: {  	[tilespmem:s13+$0xFFFFFF90] =	vst v0;
	v0 =	vld [tilespmem:s13+$0xFFFFFFA0]  }
0x94: {  	v1 =	vld [tilespmem:s11+$0xFFFFFFA0];
	_ =	sdelay $0x4  }
0x95: {  	v0 =	vadd.f32 v1, v0;
	_ =	sdelay $0x1  }
0x96: {  	[tilespmem:s13+$0xFFFFFFA0] =	vst v0;
	v0 =	vld [tilespmem:s13+$0xFFFFFFB0]  }
0x97: {  	v1 =	vld [tilespmem:s11+$0xFFFFFFB0];
	_ =	sdelay $0x4  }
0x98: {  	v0 =	vadd.f32 v1, v0;
	_ =	sdelay $0x1  }
0x99: {  	[tilespmem:s13+$0xFFFFFFB0] =	vst v0;
	v0 =	vld [tilespmem:s13+$0xFFFFFFC0]  }
0x9a: {  	v1 =	vld [tilespmem:s11+$0xFFFFFFC0];
	_ =	sdelay $0x4  }
0x9b: {  	v0 =	vadd.f32 v1, v0;
	_ =	sdelay $0x1  }
0x9c: {  	[tilespmem:s13+$0xFFFFFFC0] =	vst v0;
	v0 =	vld [tilespmem:s13+$0xFFFFFFD0]  }
0x9d: {  	v1 =	vld [tilespmem:s11+$0xFFFFFFD0];
	_ =	sdelay $0x4  }
0x9e: {  	v0 =	vadd.f32 v1, v0;
	_ =	sdelay $0x1  }
0x9f: {  	[tilespmem:s13+$0xFFFFFFD0] =	vst v0;
	v0 =	vld [tilespmem:s13+$0xFFFFFFE0]  }
0xa0: {  	v1 =	vld [tilespmem:s11+$0xFFFFFFE0];
	_ =	sdelay $0x4  }
0xa1: {  	v0 =	vadd.f32 v1, v0;
	_ =	sdelay $0x1  }
0xa2: {  	[tilespmem:s13+$0xFFFFFFE0] =	vst v0;
	v0 =	vld [tilespmem:s13+$0xFFFFFFF0]  }
0xa3: {  	v1 =	vld [tilespmem:s11+$0xFFFFFFF0];
	_ =	sdelay $0x4  }
0xa4: {  	v0 =	vadd.f32 v1, v0;
	_ =	sdelay $0x1  }
0xa5: {  	[tilespmem:s13+$0xFFFFFFF0] =	vst v0;
	v0 =	vld [tilespmem:s13+$0x0]  }
0xa6: {  	v1 =	vld [tilespmem:s11+$0x0];
	_ =	sdelay $0x4  }
0xa7: {  	v0 =	vadd.f32 v1, v0;
	_ =	sdelay $0x1  }
0xa8: {  	[tilespmem:s13+$0x0] =	vst v0;
	v0 =	vld [tilespmem:s13+$0x10]  }
0xa9: {  	v1 =	vld [tilespmem:s11+$0x10];
	_ =	sdelay $0x4  }
0xaa: {  	v0 =	vadd.f32 v1, v0;
	_ =	sdelay $0x1  }
0xab: {  	[tilespmem:s13+$0x10] =	vst v0;
	v0 =	vld [tilespmem:s13+$0x20]  }
0xac: {  	v1 =	vld [tilespmem:s11+$0x20];
	_ =	sdelay $0x4  }
0xad: {  	v0 =	vadd.f32 v1, v0;
	_ =	sdelay $0x1  }
0xae: {  	[tilespmem:s13+$0x20] =	vst v0;
	v0 =	vld [tilespmem:s13+$0x30]  }
0xaf: {  	v1 =	vld [tilespmem:s11+$0x30];
	_ =	sdelay $0x4  }
0xb0: {  	v0 =	vadd.f32 v1, v0;
	_ =	sdelay $0x1  }
0xb1: {  	[tilespmem:s13+$0x30] =	vst v0;
	v0 =	vld [tilespmem:s13+$0x40]  }
0xb2: {  	v1 =	vld [tilespmem:s11+$0x40];
	_ =	sdelay $0x4  }
0xb3: {  	v0 =	vadd.f32 v1, v0;
	_ =	sdelay $0x1  }
0xb4: {  	[tilespmem:s13+$0x40] =	vst v0;
	v0 =	vld [tilespmem:s13+$0x50]  }
0xb5: {  	v1 =	vld [tilespmem:s11+$0x50];
	_ =	sdelay $0x4  }
0xb6: {  	v0 =	vadd.f32 v1, v0;
	_ =	sdelay $0x1  }
0xb7: {  	[tilespmem:s13+$0x50] =	vst v0;
	v0 =	vld [tilespmem:s13+$0x60]  }
0xb8: {  	v1 =	vld [tilespmem:s11+$0x60];
	_ =	sdelay $0x4  }
0xb9: {  	v0 =	vadd.f32 v1, v0;
	_ =	sdelay $0x1  }
0xba: {  	[tilespmem:s13+$0x60] =	vst v0;
	v0 =	vld [tilespmem:s13+$0x70]  }
0xbb: {  	v1 =	vld [tilespmem:s11+$0x70];
	_ =	sdelay $0x4  }
0xbc: {  	v0 =	vadd.f32 v1, v0;
	_ =	sdelay $0x1  }
0xbd: {  	[tilespmem:s13+$0x70] =	vst v0;
	v0 =	vld [tilespmem:s13+$0x80]  }
0xbe: {  	v1 =	vld [tilespmem:s11+$0x80];
	_ =	sdelay $0x4  }
0xbf: {  	v0 =	vadd.f32 v1, v0;
	_ =	sdelay $0x1  }
0xc0: {  	[tilespmem:s13+$0x80] =	vst v0;
	v0 =	vld [tilespmem:s13+$0x90]  }
0xc1: {  	v1 =	vld [tilespmem:s11+$0x90];
	_ =	sdelay $0x4  }
0xc2: {  	v0 =	vadd.f32 v1, v0;
	_ =	sdelay $0x1  }
0xc3: {  	[tilespmem:s13+$0x90] =	vst v0;
	v0 =	vld [tilespmem:s13+$0xA0]  }
0xc4: {  	v1 =	vld [tilespmem:s11+$0xA0];
	_ =	sdelay $0x4  }
0xc5: {  	v0 =	vadd.f32 v1, v0;
	_ =	sdelay $0x1  }
0xc6: {  	[tilespmem:s13+$0xA0] =	vst v0;
	v0 =	vld [tilespmem:s13+$0xB0]  }
0xc7: {  	v1 =	vld [tilespmem:s11+$0xB0];
	_ =	sdelay $0x4  }
0xc8: {  	v0 =	vadd.f32 v1, v0;
	_ =	sdelay $0x1  }
0xc9: {  	[tilespmem:s13+$0xB0] =	vst v0;
	v0 =	vld [tilespmem:s13+$0xC0]  }
0xca: {  	v1 =	vld [tilespmem:s11+$0xC0];
	_ =	sdelay $0x4  }
0xcb: {  	v0 =	vadd.f32 v1, v0;
	_ =	sdelay $0x1  }
0xcc: {  	[tilespmem:s13+$0xC0] =	vst v0;
	v0 =	vld [tilespmem:s13+$0xD0]  }
0xcd: {  	v1 =	vld [tilespmem:s11+$0xD0];
	_ =	sdelay $0x4  }
0xce: {  	v0 =	vadd.f32 v1, v0;
	_ =	sdelay $0x1  }
0xcf: {  	[tilespmem:s13+$0xD0] =	vst v0;
	v0 =	vld [tilespmem:s13+$0xE0]  }
0xd0: {  	v1 =	vld [tilespmem:s11+$0xE0];
	_ =	sdelay $0x4  }
0xd1: {  	v0 =	vadd.f32 v1, v0;
	_ =	sdelay $0x1  }
0xd2: {  	[tilespmem:s13+$0xE0] =	vst v0;
	v0 =	vld [tilespmem:s13+$0xF0]  }
0xd3: {  	v1 =	vld [tilespmem:s11+$0xF0];
	_ =	sdelay $0x1  }
.Ltmp0:
0xd4: {  	(pc) =	sbr.rel @p0 .LBB2_2-.Ltmp0, $3  }
0xd5: {  	_ =	sdelay $0x1  }
0xd6: {  	v0 =	vadd.f32 v1, v0  }
0xd7: {  	s13 =	sadd.s32 $0x200, s13  }
0xd8: {  	s9 =	sadd.s32 $0x1, s9  }
0xd9: {  	p0 =	sne.s32 s9, s6  }
.Ltmp1:
0xda: {  	[tilespmem:s10+$0xF0] =	vst v0;
	(pc) =	sbr.rel @p0 .LBB2_1-.Ltmp1, $4  }
0xdb: {  	[hbm4b:s5+s2] =	stream.linear.scatter [tilespmem:s2], [sflag:$0x1], $0x800, $0x38;
	[tilespmem:$0x1000] =	vst v63  }
0xdc: {  	_ =	swait.ge [sflag:s7], $0x800  }
0xdd: {  	[sflag:s7] =	ssyncset.done $0x0  }
0xde: {  	[sflag:s7] =	ssyncadd.s32 $0xFFFFF800  }
0xdf: {  	_ =	sfence.sel $0x180000  }
0xe0: {  	[bflag:$0x0] =	sbarrier.arrive $0xFFFF  }
0xe1: {  	p0 =	sne.s32 s1, $0x0;
	_ =	strace $0x90000047  }
0xe2: {  	s0 =	sadd.s32 @!p0 $0x100000, s0;
	[bflag:$0x2] =	sbarrier.arrive $0xFFFF  }
0xe3: {  	[sflag:s0] =	ssyncadd.tile.s32 @!p0 $0x1;
	_ =	shalt  }
.Lfunc_end2:
_tile_overlayer_lowered:
.L_overlay_start_2:
0xe4: {  	(tag) =	ssettag $0x2  }
0xe5: {  	s0 =	rddreg [dreg:$0x0];
	s2 =	stileid.u32  }
0xe6: {  	s1 =	rddreg [dreg:$0x1];
	p0 =	sne.s32 s2, $0x0  }
0xe7: {  	s3 =	rddreg [dreg:$0x2];
	[bflag:$0x3] =	sbarrier.arrive $0xFFFF;
	s2 =	simm.s32 @!p0 $0x1C01  }
0xe8: {  	[timem:s3], [sflag:s2] =	dma.local @!p0 [hbm:s0], s1  }
0xe9: {  	s0 =	simm.s32 @!p0 $0x1  }
0xea: {  	_ =	swait.ge @!p0 [sflag:s0], s1  }
0xeb: {  	s1 =	ssub.s32 @!p0 $0x0, s1;
	[sflag:s0] =	ssyncset.done @!p0 $0x0  }
0xec: {  	[sflag:s0] =	ssyncadd.s32 @!p0 s1  }
0xed: {  	[bflag:$0x3] =	sbarrier.arrive $0xFFFF  }
0xee: {  	_ =	shalt  }

// kernel: kernel.7.cloned.1.call-start
scs
__scs_entry_jumppad:
0x0: {  	(pc) =	sbr.rel $0x88, $3  }
0x1: {  	(tag) =	ssettag $0x0;
	lr =	simm.s32 $0x1  }
0x2: {  	[smem:$0x3F98] =	sst lr;
	_ =	strace $0xD0000000  }
0x3: {  	_ = 	snop  }
0x4: {  	_ = 	snop  }
0x5: {  	_ = 	snop  }
0x6: {  	_ = 	snop  }
0x7: {  	_ = 	snop  }
__scs_overlays_trampoline_lowered:
0x8: {  	[smem:$0x3FA7] =	sst s0  }
0x9: {  	[smem:$0x3FA8] =	sst s1  }
0xa: {  	[smem:$0x3FA9] =	sst s2  }
0xb: {  	[smem:$0x3FAA] =	sst s3  }
0xc: {  	[smem:$0x3FAB] =	sst s4  }
0xd: {  	[smem:$0x3FAC] =	sst s5  }
0xe: {  	[smem:$0x3FAD] =	sst s6  }
0xf: {  	[smem:$0x3FAE] =	sst s7  }
0x10: {  	[smem:$0x3FAF] =	sst s8  }
0x11: {  	[smem:$0x3FB0] =	sst s9;
	s0 =	simm.s32 @!p0 $0x0  }
0x12: {  	s1 =	sld [smem:$0x3F96];
	s0 =	simm.s32 @p0 $0x1  }
0x13: {  	[smem:$0x3FB1] =	sst s0;
	s0 =	simm.s32 @!p1 $0x0  }
0x14: {  	s2 =	sld [smem:$0x3F95];
	s0 =	simm.s32 @p1 $0x1  }
0x15: {  	[smem:$0x3FB2] =	sst s0;
	s0 =	simm.s32 @!p2 $0x0  }
0x16: {  	s3 =	sld [smem:$0x3FDB];
	s0 =	simm.s32 @p2 $0x1  }
0x17: {  	s4 =	simm.s32 $0x1BF5;
	[smem:$0x3FB4] =	sst s0  }
0x18: {  	s0 =	sld [smem:$0x3F97];
	_ =	swait.ge [sflag:s4], $0x0  }
0x19: {  	s7 =	sld [smem:$0x3F98]  }
0x1a: {  	s8 =	sadd.s32 $0xFFFFE003, lr  }
0x1b: {  	s9 =	sadd.s32 $0xFFFFFEF7, lr;
	s5 =	simm.s32 $0xFFFFFFFF;
	p2 =	slt.u32 s8, $0xFFFFF086  }
0x1c: {  	p1 =	slt.u32 s9, $0xF7A;
	s5 =	simm.s32 @!p2 $0x0  }
0x1d: {  	s5 =	simm.s32 @p1 $0x1;
	p0 =	seq.s32 s7, s2  }
0x1e: {  	s7 =	smul.u32 @!p0 $0xF7A, s2;
	p2 =	seq.s32 @!p0 s5, $0x0  }
0x1f: {  	s9 =	smul.u32 $0xF7A, s1;
	s8 =	simm.s32 @!p0 $0x1BF5;
	p2 =	por !p2, p0  }
0x20: {  	[sflag:s8] =	ssyncset.s32 @!p0 $0xFFFFF086;
	s6 =	sadd.s32 @!p0 s3, s7;
	s7 =	simm.s32 @!p0 $0x108  }
0x21: {  	s3 =	sadd.s32 s3, s9;
	s6 =	sadd.s32 @!p0 $0x88, s6;
	s7 =	simm.s32 @p2 $0x1082  }
0x22: {  	[simem:s7], [sflag:s8] =	dma.local @!p0 [hbm:s6], $0xF7A  }
0x23: {  	s9 =	sor.u32 $0xD0000000, s2;
	s6 =	simm.s32 $0x108;
	_ =	swait.ge @!p0 [sflag:s8], $0x0  }
0x24: {  	s3 =	sadd.s32 $0x88, s3;
	s6 =	simm.s32 @!p1 $0x1082;
	[sflag:s4] =	ssyncset.s32 $0xFFFFF086  }
0x25: {  	[simem:s6], [sflag:s4] =	dma.local [hbm:s3], $0xF7A  }
0x26: {  	[smem:$0x3F98] =	sst s1;
	(tag) =	ssettag s2;
	_ =	strace s9  }
0x27: {  	s1 =	sld [smem:$0x3FA8]  }
0x28: {  	s2 =	sld [smem:$0x3FA9]  }
0x29: {  	s4 =	sld [smem:$0x3FAB]  }
0x2a: {  	p0 =	seq.s32 s5, $0x0;
	s5 =	sld [smem:$0x3FAC]  }
0x2b: {  	s6 =	sld [smem:$0x3FAD]  }
0x2c: {  	s7 =	sld [smem:$0x3FAE]  }
0x2d: {  	s3 =	simm.s32 $0x108;
	s8 =	sld [smem:$0x3FAF]  }
0x2e: {  	s3 =	simm.s32 @!p0 $0x1082;
	s9 =	sld [smem:$0x3FB0]  }
0x2f: {  	lr =	sadd.s32 s0, s3;
	s0 =	sld [smem:$0x3FA7]  }
0x30: {  	s3 =	sld [smem:$0x3FAA]  }
0x31: {  	[smem:$0x3FB3] =	sst s10  }
0x32: {  	s10 =	sld [smem:$0x3FB1];
	_ =	sdelay $0x3  }
0x33: {  	p0 =	seq.s32 s10, $0x1;
	s10 =	sld [smem:$0x3FB3];
	_ =	sdelay $0x3  }
0x34: {  	[smem:$0x3FB3] =	sst s10  }
0x35: {  	s10 =	sld [smem:$0x3FB2];
	_ =	sdelay $0x3  }
0x36: {  	p1 =	seq.s32 s10, $0x1;
	s10 =	sld [smem:$0x3FB3];
	_ =	sdelay $0x3  }
0x37: {  	[smem:$0x3FB3] =	sst s10  }
0x38: {  	s10 =	sld [smem:$0x3FB4]  }
0x39: {  	_ = 	snop;
	(pc) =	sbr.ind lr, $3  }
0x3a: {  	_ = 	snop  }
0x3b: {  	_ = 	snop  }
0x3c: {  	p2 =	seq.s32 s10, $0x1;
	s10 =	sld [smem:$0x3FB3]  }
0x3d: {  	_ =	shalt  }
0x3e: {  	_ =	shalt  }
0x3f: {  	_ =	shalt  }
0x40: {  	_ =	shalt  }
0x41: {  	_ =	shalt  }
0x42: {  	_ =	shalt  }
0x43: {  	_ =	shalt  }
0x44: {  	_ =	shalt  }
0x45: {  	_ =	shalt  }
0x46: {  	_ =	shalt  }
0x47: {  	_ =	shalt  }
0x48: {  	_ =	shalt  }
0x49: {  	_ =	shalt  }
0x4a: {  	_ =	shalt  }
0x4b: {  	_ =	shalt  }
0x4c: {  	_ =	shalt  }
0x4d: {  	_ =	shalt  }
0x4e: {  	_ =	shalt  }
0x4f: {  	_ =	shalt  }
0x50: {  	_ =	shalt  }
0x51: {  	_ =	shalt  }
0x52: {  	_ =	shalt  }
0x53: {  	_ =	shalt  }
0x54: {  	_ =	shalt  }
0x55: {  	_ =	shalt  }
0x56: {  	_ =	shalt  }
0x57: {  	_ =	shalt  }
0x58: {  	_ =	shalt  }
0x59: {  	_ =	shalt  }
0x5a: {  	_ =	shalt  }
0x5b: {  	_ =	shalt  }
0x5c: {  	_ =	shalt  }
0x5d: {  	_ =	shalt  }
0x5e: {  	_ =	shalt  }
0x5f: {  	_ =	shalt  }
0x60: {  	_ =	shalt  }
0x61: {  	_ =	shalt  }
0x62: {  	_ =	shalt  }
0x63: {  	_ =	shalt  }
0x64: {  	_ =	shalt  }
0x65: {  	_ =	shalt  }
0x66: {  	_ =	shalt  }
0x67: {  	_ =	shalt  }
0x68: {  	_ =	shalt  }
0x69: {  	_ =	shalt  }
0x6a: {  	_ =	shalt  }
0x6b: {  	_ =	shalt  }
0x6c: {  	_ =	shalt  }
0x6d: {  	_ =	shalt  }
0x6e: {  	_ =	shalt  }
0x6f: {  	_ =	shalt  }
0x70: {  	_ =	shalt  }
0x71: {  	_ =	shalt  }
0x72: {  	_ =	shalt  }
0x73: {  	_ =	shalt  }
0x74: {  	_ =	shalt  }
0x75: {  	_ =	shalt  }
0x76: {  	_ =	shalt  }
0x77: {  	_ =	shalt  }
0x78: {  	_ =	shalt  }
0x79: {  	_ =	shalt  }
0x7a: {  	_ =	shalt  }
0x7b: {  	_ =	shalt  }
0x7c: {  	_ =	shalt  }
0x7d: {  	_ =	shalt  }
0x7e: {  	_ =	shalt  }
0x7f: {  	_ =	shalt  }
0x80: {  	_ =	shalt  }
0x81: {  	_ =	shalt  }
0x82: {  	_ =	shalt  }
0x83: {  	_ =	shalt  }
0x84: {  	_ =	shalt  }
0x85: {  	_ =	shalt  }
0x86: {  	_ =	shalt  }
0x87: {  	_ =	shalt  }
.Lfunc_end0:
.L_simem_size_0:
called_computation.1_lowered:
.L_overlay_start_0:
0x88: {  	s2 =	sld [smem:$0x3FD9]  }
0x89: {  	s3 =	sld [smem:$0x3FFE];
	_ =	sdelay $0x1  }
0x8a: {  	s1 =	srdreg.scid  }
0x8b: {  	s0 =	sand.u32 $0x1, s1  }
0x8c: {  	s17 =	sshll.u32 s0, $0xA;
	s2 =	sadd.s32 s3, s2  }
0x8d: {  	s2 =	sadd.s32 s2, s17  }
0x8e: {  	[smem:$0x3FBF] =	sst s2  }
0x8f: {  	_ = 	snop  }
0x90: {  	s2 =	sld [smem:$0x3FC6]  }
0x91: {  	s18 =	sld [smem:$0x3FC5]  }
0x92: {  	s4 =	sld [smem:$0x3FC2]  }
0x93: {  	s5 =	sld [smem:$0x3FC1]  }
0x94: {  	s6 =	sld [smem:$0x3FD0];
	(tm) =	ssettm $0x1  }
0x95: {  	s7 =	sld [smem:$0x3FFB];
	_ =	sdelay $0x3  }
0x96: {  	_ =	strace s7  }
0x97: {  	s7 =	sld [smem:$0x3FFC];
	_ =	sdelay $0x3  }
0x98: {  	_ =	strace s7  }
0x99: {  	s7 =	sld [smem:$0x3FFD];
	_ =	sdelay $0x3  }
0x9a: {  	_ =	strace s7  }
0x9b: {  	_ =	strace $0x8FFFFFFF  }
0x9c: {  	s19 =	sld [smem:$0x3FDB];
	_ =	sdelay $0x1  }
0x9d: {  	s8 =	simm.s32 $_scs_section_size  }
0x9e: {  	s9 =	simm.s32 $_size__tile_overlayer_lowered;
	s10 =	simm.s32 $_tile_overlayer_lowered  }
0x9f: {  	s22 =	simm.s32 $0x1BFF;
	s21 =	sshll.u32 s10, $0x1;
	s7 =	sadd.s32 s8, s19  }
0xa0: {  	s11 =	simm.s32 $0x0;
	s20 =	sshll.u32 s9, $0x1;
	s9 =	sadd.s32 s21, s7  }
0xa1: {  	[timem:s11], [sflag:s22] =	dma.local [hbm:s9], s20  }
0xa2: {  	_ =	swait.ge [sflag:s22], s20  }
0xa3: {  	s8 =	ssub.s32 $0x0, s20;
	[sflag:s22] =	ssyncset.done $0x0  }
0xa4: {  	[sflag:s22] =	ssyncadd.s32 s8;
	_ =	sdelay $0x1  }
0xa5: {  	s23 =	simm.s32 $0x1B8B  }
0xa6: {  	_ =	swait.ge [sflag:s23], $0x1  }
0xa7: {  	[sflag:s23] =	ssyncset.done $0x0  }
0xa8: {  	s25 =	simm.s32 $0x1B8E;
	s24 =	sld [smem:$0x3FFE];
	[sflag:s23] =	ssyncadd.s32 $0xFFFFFFFF  }
0xa9: {  	s26 =	simm.s32 $execute0_lowered;
	[smem:$0x3FD2] =	sst s25  }
0xaa: {  	s9 =	sshll.u32 s26, $0x1;
	_ =	strace $0x80000049;
	[dreg:$0x1] =	wrdreg $0xFFFFFFFF  }
0xab: {  	s28 =	simm.s32 $_size_execute0_lowered;
	s7 =	sadd.s32 s7, s9;
	[dreg:$0x0] =	wrdreg $0x0  }
0xac: {  	s9 =	sshll.u32 s28, $0x1;
	[dreg:$0x2] =	wrdreg s7  }
0xad: {  	[dreg:$0x3] =	wrdreg s9  }
0xae: {  	[dreg:$0x4] =	wrdreg $0xC0  }
0xaf: {  	_ =	task [dreg:s11], $0x5FFFF  }
0xb0: {  	[dreg:$0x1] =	wrdreg $0xFFFFFFFF  }
0xb1: {  	[dreg:$0x0] =	wrdreg $0x60  }
0xb2: {  	[dreg:$0x2] =	wrdreg s24  }
0xb3: {  	[dreg:$0x3] =	wrdreg s2  }
0xb4: {  	[dreg:$0x4] =	wrdreg s18  }
0xb5: {  	[dreg:$0x5] =	wrdreg s4  }
0xb6: {  	[dreg:$0x6] =	wrdreg s5  }
0xb7: {  	[dreg:$0x7] =	wrdreg s6  }
0xb8: {  	[dreg:$0x8] =	wrdreg $0x9  }
0xb9: {  	_ =	task.clear_ibuf [dreg:s11], $0x9FFFF;
	_ =	strace $0x90000049  }
0xba: {  	s29 =	simm.s32 $0x9;
	_ =	strace $0x8000004B  }
0xbb: {  	_ =	swait.ge [sflag:s29], $0x1  }
0xbc: {  	[sflag:s29] =	ssyncadd.s32 $0xFFFFFFFF  }
0xbd: {  	_ =	strace $0x9000004B  }
0xbe: {  	_ =	sfence  }
0xbf: {  	s30 =	sld [smem:$0x0];
	_ =	sdelay $0x2  }
0xc0: {  	s31 =	sshll.u32 s1, $0xD;
	s1 =	sshrl.u32 s1, $0x2  }
0xc1: {  	s3 =	sand.u32 $0x4000, s31;
	s1 =	sadd.s32 s1, s30  }
0xc2: {  	s0 =	sor.u32 s3, s0;
	s1 =	sshll.u32 s1, $0x11  }
0xc3: {  	s0 =	sor.u32 s1, s0  }
0xc4: {  	s0 =	sadd.s32 $0x8F2B, s0  }
0xc5: {  	[sflag:s0] =	ssyncadd.remote.s32 $0x1  }
0xc6: {  	_ =	sfence.sel $0xFFFF  }
0xc7: {  	[dreg:$0x0] =	wrdreg $0xFFFFFFFF;
	(pc) =	sbr.abs _section_cstart, $3  }
0xc8: {  	[dreg:$0x1] =	wrdreg $0xFFFFFFFF  }
0xc9: {  	_ =	task.clear_ibuf [dreg:s11], $0x2FFFF;
	_ =	strace $0x9FFFFFFF  }
0xca: {  	(tm) =	ssettm $0x7FFFFFFF  }
0xcb: {  	_ =	shalt  }
tec
execute0_lowered:
.L_overlay_start_1:
0x0: {  	(tag) =	ssettag $0x1  }
0x1: {  	s1 =	rddreg [dreg:$0x0]  }
0x2: {  	s0 =	rddreg [dreg:$0x1]  }
0x3: {  	s2 =	rddreg [dreg:$0x2]  }
0x4: {  	s3 =	srdreg.scid;
	s4 =	stileid.u32  }
0x5: {  	s6 =	rddreg [dreg:$0x5];
	s7 =	simm.s32 $0x0;
	v0 =	vimm.s32 $0xEFCDAB89;
	s17 =	simm.s32 $0x19  }
0x6: {  	v1 =	vimm.s32 $0x67452301;
	v2 =	vimm.s32 $0xDCFE98BA;
	s28 =	simm.s32 $0x3;
	s30 =	simm.s32 $0x7;
	s16 =	simm.s32 $0x15  }
0x7: {  	v3 =	vimm.s32 $0x54761032;
	v4 =	vimm.s32 $0xBA98FEDC;
	s19 =	simm.s32 $0x16;
	s3 =	sand.u32 $0x1, s3;
	s4 =	sshll.u32 s4, $0x1  }
0x8: {  	v5 =	vimm.s32 $0x32107654;
	v6 =	vimm.s32 $0xFEDCBA98;
	s22 =	simm.s32 $0x17;
	s29 =	simm.s32 $0x18;
	s4 =	sor.u32 s3, s4  }
0x9: {  	v7 =	vimm.s32 $0x76543210;
	s31 =	simm.s32 $0x13;
	[smem:$0x7FF] =	sst s7;
	v0 =	vunpack.c.l.s4.s8 v0;
	v1 =	vunpack.c.l.s4.s8 v1;
	s8 =	smul.u32 $0xA000, s4  }
0xa: {  	s9 =	sadd.s32 $0x2E00, s1;
	s10 =	sadd.s32 $0xE00, s1;
	v2 =	vunpack.c.l.s4.s8 v2;
	v3 =	vunpack.c.l.s4.s8 v3;
	v4 =	vunpack.c.l.s4.s8 v4;
	s1 =	simm.s32 $0x8  }
0xb: {  	v5 =	vunpack.c.l.s4.s8 v5;
	v6 =	vunpack.c.l.s4.s8 v6;
	v7 =	vunpack.c.l.s4.s8 v7;
	_ =	strace $0x8000004A;
	s3 =	ssub.s32 $0x2, s3;
	s11 =	sshrl.u32 s8, $0x3  }
0xc: {  	s5 =	sshrl.u32 s3, $0x1;
	s12 =	smul.u32 $0x1900, s4;
	v0 =	vunpack.c.0.s8.s32 v0;
	v1 =	vunpack.c.0.s8.s32 v1;
	v2 =	vunpack.c.0.s8.s32 v2;
	s11 =	sadd.s32 s9, s11  }
.Ltmp0:
0xd: {  	v3 =	vunpack.c.0.s8.s32 v3;
	v4 =	vunpack.c.0.s8.s32 v4;
	v5 =	vunpack.c.0.s8.s32 v5;
	s4 =	simm.s32 $0x14;
	s24 =	sadd.s32 $0x40, s11;
	(pc) =	sbr.rel .LBB2_1-.Ltmp0, $4  }
0xe: {  	s23 =	ssub.s32 s3, s5;
	v0 =	vcombine.low v1, v0;
	v1 =	vunpack.c.0.s8.s32 v6;
	s25 =	sadd.s32 $0x80, s11;
	[dreg:$0x7] =	wrdreg s24  }
0xf: {  	s3 =	simm.s32 $0x0;
	v2 =	vcombine.low v3, v2;
	v3 =	vcombine.low v5, v4;
	v4 =	vunpack.c.0.s8.s32 v7;
	s26 =	sadd.s32 $0xC0, s11;
	[dreg:$0x8] =	wrdreg s25  }
0x10: {  	s18 =	smax.u32 s23, $0x1;
	s23 =	simm.s32 $0x1;
	v0 =	vand.u32 $0xF, v0;
	v5 =	vand.u32 $0xF, v1;
	[dreg:$0x9] =	wrdreg s26  }
0x11: {  	v1 =	vand.u32 $0xF, v2;
	v2 =	vand.u32 $0xF, v3;
	s24 =	simm.s32 $0x50;
	s25 =	simm.s32 $0x2;
	s26 =	simm.s32 $0x3400;
	v3 =	vcombine.low v5, v4  }
.LBB2_11:
0x12: {  	_ =	swait.ge [sflag:s16], $0x2800  }
0x13: {  	[sflag:s16] =	ssyncset.done $0x0  }
0x14: {  	[sflag:s16] =	ssyncadd.s32 $0xFFFFD800  }
0x15: {  	_ =	swait.ge [sflag:s19], $0x2800  }
0x16: {  	[sflag:s19] =	ssyncset.done $0x0  }
0x17: {  	[sflag:s19] =	ssyncadd.s32 $0xFFFFD800  }
0x18: {  	_ =	swait.ge [sflag:s22], $0x2800  }
0x19: {  	[sflag:s22] =	ssyncset.done $0x0  }
0x1a: {  	[sflag:s22] =	ssyncadd.s32 $0xFFFFD800  }
0x1b: {  	_ =	swait.ge [sflag:s29], $0x2800  }
0x1c: {  	[sflag:s29] =	ssyncset.done $0x0  }
0x1d: {  	s3 =	sadd.s32 $0x1, s3;
	[sflag:s29] =	ssyncadd.s32 $0xFFFFD800  }
0x1e: {  	p0 =	sne.s32 s3, s18;
	_ =	swait.ge [sflag:s31], $0x2800  }
.Ltmp1:
0x1f: {  	[sflag:s31] =	ssyncset.done $0x0;
	(pc) =	sbr.rel @!p0 .LBB2_12-.Ltmp1, $4  }
0x20: {  	[sflag:s31] =	ssyncadd.s32 $0xFFFFD800  }
0x21: {  	_ =	swait.ge [sflag:s4], $0x2800  }
0x22: {  	[sflag:s4] =	ssyncset.done $0x0  }
0x23: {  	[sflag:s4] =	ssyncadd.s32 $0xFFFFD800  }
.LBB2_1:
0x24: {  	s5 =	rddreg [dreg:$0x3];
	s13 =	simm.s32 $0xFC00  }
0x25: {  	[tilespmem:s13], [sflag:$0x19] =	stream.linear.gather [hbm4b:s5+s7], $0x80, $0x38;
	[tilespmem:$0xFD00] =	vst v63  }
0x26: {  	_ =	swait.ge [sflag:s17], $0x80  }
0x27: {  	[sflag:s17] =	ssyncset.done $0x0  }
0x28: {  	[sflag:s17] =	ssyncadd.s32 $0xFFFFFF80  }
0x29: {  	s15 =	simm.s32 $0xFC80;
	s14 =	rddreg [dreg:$0x4]  }
0x2a: {  	[tilespmem:s15], [sflag:$0x19] =	stream.linear.gather [hbm4b:s14+s7], $0x80, $0x38;
	[tilespmem:$0xFD00] =	vst v63  }
0x2b: {  	_ =	swait.ge [sflag:s17], $0x80  }
0x2c: {  	[sflag:s17] =	ssyncset.done $0x0  }
0x2d: {  	[sflag:s17] =	ssyncadd.s32 $0xFFFFFF80  }
0x2e: {  	v4 =	vld [tilespmem:$0xFC00]  }
0x2f: {  	v5 =	vld [tilespmem:$0xFC10]  }
0x30: {  	v6 =	vld [tilespmem:$0xFC20]  }
0x31: {  	v7 =	vld [tilespmem:$0xFC30]  }
0x32: {  	v8 =	vld [tilespmem:$0xFC40]  }
0x33: {  	v9 =	vld [tilespmem:$0xFC50]  }
0x34: {  	v10 =	vld [tilespmem:$0xFC60]  }
0x35: {  	v11 =	vld [tilespmem:$0xFC70]  }
0x36: {  	v12 =	vld [tilespmem:$0xFC80]  }
0x37: {  	v13 =	vld [tilespmem:$0xFC90]  }
0x38: {  	v14 =	vld [tilespmem:$0xFCA0]  }
0x39: {  	v15 =	vld [tilespmem:$0xFCB0]  }
0x3a: {  	v16 =	vld [tilespmem:$0xFCC0]  }
0x3b: {  	v17 =	vld [tilespmem:$0xFCD0]  }
0x3c: {  	v18 =	vld [tilespmem:$0xFCE0]  }
0x3d: {  	v19 =	vld [tilespmem:$0xFCF0];
	[tilespmem:s7], [sflag:$0x1] =	stream.linear.gather [hbm4b:s11+s7], $0x180, $0x38  }
0x3e: {  	s21 =	simm.s32 $0x200;
	s20 =	rddreg [dreg:$0x7]  }
0x3f: {  	[tilespmem:s21], [sflag:$0x2] =	stream.linear.gather [hbm4b:s20+s7], $0x180, $0x38;
	[tilespmem:$0xFD00] =	vst v63  }
0x40: {  	s14 =	simm.s32 $0x400;
	s15 =	rddreg [dreg:$0x8]  }
0x41: {  	[tilespmem:s14], [sflag:$0x3] =	stream.linear.gather [hbm4b:s15+s7], $0x180, $0x38;
	[tilespmem:$0xFD00] =	vst v63  }
0x42: {  	s20 =	rddreg [dreg:$0x9];
	s15 =	simm.s32 $0x600  }
0x43: {  	[tilespmem:s15], [sflag:$0x4] =	stream.linear.gather [hbm4b:s20+s7], $0x180, $0x38;
	[tilespmem:$0xFD00] =	vst v63  }
0x44: {  	_ =	swait.ge [sflag:s23], $0x180  }
0x45: {  	[sflag:s23] =	ssyncset.done $0x0  }
0x46: {  	s5 =	simm.s32 $0xC00;
	[sflag:s23] =	ssyncadd.s32 $0xFFFFFE80  }
0x47: {  	[tilespmem:s5], [sflag:$0x7] =	stream.indirect.gather [hbm4b:s0+s24], $0x80, s7, s24, $0xb8;
	[tilespmem:$0xFD00] =	vst v63  }
0x48: {  	_ =	swait.ge [sflag:s25], $0x180  }
0x49: {  	[sflag:s25] =	ssyncset.done $0x0  }
0x4a: {  	[sflag:s25] =	ssyncadd.s32 $0xFFFFFE80  }
0x4b: {  	[tilespmem:s26], [sflag:$0x8] =	stream.indirect.gather [hbm4b:s0+s24], $0x80, s21, s24, $0xb8;
	[tilespmem:$0xFD00] =	vst v63  }
0x4c: {  	_ =	swait.ge [sflag:s28], $0x180  }
0x4d: {  	[sflag:s28] =	ssyncset.done $0x0  }
0x4e: {  	s21 =	simm.s32 $0x5C00;
	[sflag:s28] =	ssyncadd.s32 $0xFFFFFE80  }
0x4f: {  	[tilespmem:s21], [sflag:$0x9] =	stream.indirect.gather [hbm4b:s0+s24], $0x80, s14, s24, $0xb8;
	[tilespmem:$0xFD00] =	vst v63  }
0x50: {  	_ =	swait.ge [sflag:s30], $0x2800  }
0x51: {  	[sflag:s30] =	ssyncset.done $0x0  }
0x52: {  	s14 =	simm.s32 $0x80;
	[sflag:s30] =	ssyncadd.s32 $0xFFFFD800  }
0x53: {  	[tilespmem:s5], [sflag:$0xD] =	stream.indirect.gather.add.f32 [hbm:s2], $0x80, s14, s24, $0xb8;
	[tilespmem:$0xFD00] =	vst v63  }
0x54: {  	s15 =	simm.s32 $0x100  }
0x55: {  	[tilespmem:s5], [sflag:$0xD] =	stream.indirect.gather.add.f32 [hbm:s10], $0x80, s15, s24, $0xb8;
	[tilespmem:$0xFD00] =	vst v63  }
0x56: {  	_ =	swait.ge [sflag:s1], $0x2800  }
0x57: {  	[sflag:s1] =	ssyncset.done $0x0  }
0x58: {  	s20 =	simm.s32 $0x280;
	[sflag:s1] =	ssyncadd.s32 $0xFFFFD800  }
0x59: {  	[tilespmem:s26], [sflag:$0xE] =	stream.indirect.gather.add.f32 [hbm:s2], $0x80, s20, s24, $0xb8;
	[tilespmem:$0xFD00] =	vst v63  }
0x5a: {  	s13 =	simm.s32 $0x0;
	s21 =	simm.s32 $0x300  }
0x5b: {  	[tilespmem:s26], [sflag:$0xE] =	stream.indirect.gather.add.f32 [hbm:s10], $0x80, s21, s24, $0xb8;
	[tilespmem:$0xFD00] =	vst v63  }
.LBB2_2:
0x5c: {  	p0 =	sgt.u32 s13, $0x4B  }
.Ltmp2:
0x5d: {  	_ = 	snop;
	(pc) =	sbr.rel @p0 .LBB2_4-.Ltmp2, $1  }
0x5e: {  	_ =	sdelay $0x3  }
0x5f: {  	s14 =	sadd.s32 $0x4, s13  }
0x60: {  	s15 =	smul.u32 $0xAB, s14;
	_ =	sdelay $0x1  }
0x61: {  	s15 =	sshrl.u32 s15, $0xA  }
0x62: {  	s15 =	sand.u32 $0x3F, s15  }
0x63: {  	s15 =	smul.u32 $0x6, s15  }
.Ltmp3:
0x64: {  	s20 =	sshll.u32 s14, $0x9;
	(pc) =	sbr.rel .LBB2_5-.Ltmp3, $4  }
0x65: {  	s20 =	sadd.s32 s8, s20;
	s14 =	ssub.s32 s14, s15  }
0x66: {  	s20 =	sshrl.u32 s20, $0x3;
	s14 =	sand.u32 $0xFF, s14  }
0x67: {  	s15 =	sadd.s32 s9, s20;
	s21 =	sshll.u32 s14, $0x9;
	s14 =	sadd.s32 $0x1, s14  }
0x68: {  	[tilespmem:s21], [sflag:s14] =	stream.linear.gather [hbm4b:s15+s7], $0x180, $0x38;
	[tilespmem:$0xFD00] =	vst v63  }
.LBB2_4:
0x69: {  	p0 =	sne.s32 s13, $0x4C  }
.Ltmp4:
0x6a: {  	_ = 	snop;
	(pc) =	sbr.rel @p0 .LBB2_6-.Ltmp4, $1  }
0x6b: {  	_ =	sdelay $0x3  }
.LBB2_5:
0x6c: {  	s14 =	sadd.s32 $0x3, s13  }
0x6d: {  	s15 =	sand.u32 $0xFF, s14  }
0x6e: {  	s15 =	smul.u32 $0xAB, s15;
	_ =	sdelay $0x1  }
0x6f: {  	s15 =	sshrl.u32 s15, $0xA  }
0x70: {  	s15 =	smul.u32 $0x6, s15;
	_ =	sdelay $0x1  }
0x71: {  	s14 =	ssub.s32 s14, s15  }
0x72: {  	s14 =	sand.u32 $0xFF, s14  }
0x73: {  	s21 =	sadd.s32 $0x1, s14  }
0x74: {  	_ =	swait.ge [sflag:s21], $0x180  }
0x75: {  	p0 =	slt.u32 s13, $0x3;
	[sflag:s21] =	ssyncset.done $0x0  }
0x76: {  	s15 =	sadd.s32 @!p0 $0x13, s14;
	s20 =	smul.u32 $0xA000, s14;
	[sflag:s21] =	ssyncadd.s32 $0xFFFFFE80  }
0x77: {  	_ =	swait.ge @!p0 [sflag:s15], $0x2800  }
0x78: {  	s20 =	sshrl.u32 s20, $0x2;
	s21 =	sshll.u32 s14, $0x9;
	[sflag:s15] =	ssyncset.done @!p0 $0x0  }
0x79: {  	s14 =	sadd.s32 $0x7, s14;
	[sflag:s15] =	ssyncadd.s32 @!p0 $0xFFFFD800;
	s15 =	sadd.s32 $0xC00, s20  }
0x7a: {  	[tilespmem:s15], [sflag:s14] =	stream.indirect.gather [hbm4b:s0+s24], $0x80, s21, s24, $0xb8;
	[tilespmem:$0xFD00] =	vst v63  }
.LBB2_7:
0x7b: {  	s14 =	sadd.s32 $0x2, s13  }
0x7c: {  	s15 =	sand.u32 $0xFF, s14  }
0x7d: {  	s15 =	smul.u32 $0xAB, s15;
	_ =	sdelay $0x1  }
0x7e: {  	s15 =	sshrl.u32 s15, $0xA  }
0x7f: {  	s15 =	smul.u32 $0x6, s15;
	_ =	sdelay $0x1  }
0x80: {  	s14 =	ssub.s32 s14, s15  }
0x81: {  	s14 =	sand.u32 $0xFF, s14  }
0x82: {  	s21 =	smul.u32 $0xA000, s14  }
0x83: {  	s20 =	sadd.s32 $0x7, s14  }
0x84: {  	_ =	swait.ge [sflag:s20], $0x2800;
	s15 =	sshrl.u32 s21, $0x2  }
0x85: {  	[sflag:s20] =	ssyncset.done $0x0;
	s21 =	sshll.u32 s14, $0x9;
	s14 =	sadd.s32 $0xD, s14  }
0x86: {  	s15 =	sadd.s32 $0xC00, s15;
	[sflag:s20] =	ssyncadd.s32 $0xFFFFD800;
	s20 =	sor.u32 $0x80, s21  }
0x87: {  	[tilespmem:s15], [sflag:s14] =	stream.indirect.gather.add.f32 [hbm:s2], $0x80, s20, s24, $0xb8;
	[tilespmem:$0xFD00] =	vst v63  }
0x88: {  	s21 =	sor.u32 $0x100, s21  }
0x89: {  	[tilespmem:s15], [sflag:s14] =	stream.indirect.gather.add.f32 [hbm:s10], $0x80, s21, s24, $0xb8;
	[tilespmem:$0xFD00] =	vst v63  }
.LBB2_8:
0x8a: {  	s14 =	smul.u32 $0xAB, s13;
	_ =	sdelay $0x1  }
0x8b: {  	s14 =	sshrl.u32 s14, $0xA  }
0x8c: {  	s14 =	sand.u32 $0x3F, s14  }
0x8d: {  	s14 =	smul.u32 $0x6, s14;
	_ =	sdelay $0x1  }
0x8e: {  	s14 =	ssub.s32 s13, s14  }
0x8f: {  	s15 =	smulhi.u32 $0xAAAAAAAB, s13;
	s20 =	sand.u32 $0xFF, s14  }
0x90: {  	s14 =	sadd.s32 $0xD, s20  }
0x91: {  	s15 =	sshrl.u32 s15, $0x2;
	_ =	swait.ge [sflag:s14], $0x2800  }
0x92: {  	s15 =	smul.u32 $0xFFFC4000, s15;
	[sflag:s14] =	ssyncset.done $0x0  }
0x93: {  	s21 =	smul.u32 $0xA000, s20;
	[sflag:s14] =	ssyncadd.s32 $0xFFFFD800  }
0x94: {  	s15 =	sshra.s32 s15, $0x2;
	_ =	swait.ge [sflag:s14], $0x2800  }
0x95: {  	s15 =	sadd.s32 s15, s5;
	s21 =	sshrl.u32 s21, $0x2;
	[sflag:s14] =	ssyncset.done $0x0  }
0x96: {  	[sflag:s14] =	ssyncadd.s32 $0xFFFFD800;
	s14 =	sadd.s32 $0xC00, s21;
	s21 =	simm.s32 $0xFFFFFFFC  }
.LBB2_9:
0x97: {  	v20 =	vld [tilespmem:s15+$0x0];
	_ =	sdelay $0x1  }
0x98: {  	v21 =	vld [tilespmem:s15+$0x10];
	_ =	sdelay $0x1  }
0x99: {  	v22 =	vld [tilespmem:s15+$0x20]  }
0x9a: {  	v23 =	vadd.f32 $0.0e+00, v20  }
0x9b: {  	v24 =	vld [tilespmem:s15+$0x30]  }
0x9c: {  	v25 =	vmul.f32 v20, v20;
	v26 =	vmul.f32 v21, v21;
	v23 =	vadd.f32 v21, v23  }
0x9d: {  	v27 =	vld [tilespmem:s15+$0x40]  }
0x9e: {  	v41 =	vmul.f32 v22, v22;
	v25 =	vadd.f32 v26, v25;
	v23 =	vadd.f32 v22, v23  }
0x9f: {  	v28 =	vld [tilespmem:s15+$0x50]  }
0xa0: {  	v42 =	vmul.f32 v24, v24;
	v25 =	vadd.f32 v41, v25;
	v23 =	vadd.f32 v24, v23  }
0xa1: {  	v29 =	vld [tilespmem:s15+$0x60]  }
0xa2: {  	v43 =	vmul.f32 v27, v27;
	v25 =	vadd.f32 v42, v25;
	v23 =	vadd.f32 v27, v23  }
0xa3: {  	v30 =	vld [tilespmem:s15+$0x70]  }
0xa4: {  	v44 =	vmul.f32 v28, v28;
	v25 =	vadd.f32 v43, v25;
	v23 =	vadd.f32 v28, v23;
	_ =	sdelay $0x1  }
0xa5: {  	v45 =	vmul.f32 v29, v29;
	v25 =	vadd.f32 v44, v25;
	v23 =	vadd.f32 v29, v23;
	_ =	sdelay $0x1  }
0xa6: {  	v46 =	vmul.f32 v30, v30;
	v25 =	vadd.f32 v45, v25;
	v23 =	vadd.f32 v30, v23;
	_ =	sdelay $0x1  }
0xa7: {  	v25 =	vadd.f32 v46, v25;
	v47 =	vperm.xlane v23, v0;
	_ =	sdelay $0x1  }
0xa8: {  	v48 =	vperm.xlane v25, v0;
	v23 =	vadd.f32 v47, v23;
	_ =	sdelay $0x1  }
0xa9: {  	v25 =	vadd.f32 v48, v25;
	v31 =	vperm.xlane v23, v1;
	_ =	sdelay $0x1  }
0xaa: {  	v26 =	vperm.xlane v25, v1;
	v23 =	vadd.f32 v31, v23;
	_ =	sdelay $0x1  }
0xab: {  	v25 =	vadd.f32 v26, v25;
	v31 =	vperm.xlane v23, v2;
	_ =	sdelay $0x1  }
0xac: {  	v26 =	vperm.xlane v25, v2;
	v23 =	vadd.f32 v31, v23;
	_ =	sdelay $0x1  }
0xad: {  	v25 =	vadd.f32 v26, v25;
	v31 =	vperm.xlane v23, v3;
	_ =	sdelay $0x1  }
0xae: {  	v26 =	vperm.xlane v25, v3;
	v23 =	vadd.f32 v31, v23;
	_ =	sdelay $0x1  }
0xaf: {  	v25 =	vadd.f32 v26, v25;
	v23 =	vmul.f32 $7.812500000e-03, v23;
	_ =	sdelay $0x1  }
0xb0: {  	v25 =	vmul.f32 $7.812500000e-03, v25;
	v49 =	vmul.f32 v23, v23;
	_ =	sdelay $0x1  }
0xb1: {  	v25 =	vsub.f32 v25, v49;
	_ =	sdelay $0x1  }
0xb2: {  	v25 =	vadd.f32 $9.999999960e-13, v25;
	_ =	sdelay $0x1  }
0xb3: {  	v50 =	vshra.s32 v25, $0x1;
	v25 =	vmul.f32 $5.000000000e-01, v25  }
0xb4: {  	v26 =	vsub.s32 $0x5F3759DF, v50  }
0xb5: {  	v51 =	vmul.f32 v26, v25;
	_ =	sdelay $0x1  }
0xb6: {  	v31 =	vmul.f32 v26, v51;
	_ =	sdelay $0x1  }
0xb7: {  	v31 =	vsub.f32 $1.500000000e+00, v31;
	_ =	sdelay $0x1  }
0xb8: {  	v26 =	vmul.f32 v26, v31;
	_ =	sdelay $0x1  }
0xb9: {  	v25 =	vmul.f32 v26, v25;
	_ =	sdelay $0x1  }
0xba: {  	v25 =	vmul.f32 v25, v26;
	_ =	sdelay $0x1  }
0xbb: {  	v25 =	vsub.f32 $1.500000000e+00, v25;
	_ =	sdelay $0x1  }
0xbc: {  	v20 =	vsub.f32 v20, v23;
	v25 =	vmul.f32 v25, v26;
	_ =	sdelay $0x1  }
0xbd: {  	v22 =	vsub.f32 v22, v23;
	v20 =	vmul.f32 v25, v20;
	_ =	sdelay $0x1  }
0xbe: {  	v52 =	vsub.f32 v27, v23;
	v22 =	vmul.f32 v25, v22;
	v20 =	vmul.f32 v20, v4  }
0xbf: {  	v54 =	vsub.f32 v29, v23  }
0xc0: {  	v26 =	vmul.f32 v25, v52;
	v22 =	vmul.f32 v22, v6;
	v20 =	vadd.f32 v20, v12;
	_ =	sdelay $0x1  }
0xc1: {  	v56 =	vmul.f32 v25, v54;
	v55 =	vmul.f32 v26, v8;
	[tilespmem:s15+$0x0] =	vst v20;
	v20 =	vadd.f32 v22, v14;
	_ =	sdelay $0x1  }
0xc2: {  	v59 =	vmul.f32 v56, v10;
	[tilespmem:s15+$0x20] =	vst v20;
	v20 =	vadd.f32 v55, v16;
	_ =	sdelay $0x1  }
0xc3: {  	[tilespmem:s15+$0x40] =	vst v20;
	v20 =	vadd.f32 v59, v18  }
0xc4: {  	v62 =	vld [tilespmem:s15+$0x90]  }
0xc5: {  	v21 =	vsub.f32 v21, v23;
	v24 =	vsub.f32 v24, v23;
	[tilespmem:s15+$0x60] =	vst v20;
	v20 =	vld [tilespmem:s15+$0x80]  }
0xc6: {  	v63 =	vld [tilespmem:s15+$0xA0];
	v53 =	vsub.f32 v28, v23;
	v23 =	vsub.f32 v30, v23;
	_ =	sdelay $0x1  }
0xc7: {  	v23 =	vmul.f32 v25, v23;
	_ =	sdelay $0x1  }
0xc8: {  	v23 =	vmul.f32 v23, v11;
	v32 =	vadd.f32 $0.0e+00, v20  }
0xc9: {  	v33 =	vld [tilespmem:s15+$0xB0];
	v35 =	vmul.f32 v62, v62;
	v37 =	vmul.f32 v63, v63  }
0xca: {  	v61 =	vadd.f32 v23, v19;
	v34 =	vmul.f32 v20, v20;
	v23 =	vadd.f32 v62, v32  }
0xcb: {  	v36 =	vld [tilespmem:s15+$0xC0];
	v21 =	vmul.f32 v25, v21;
	v24 =	vmul.f32 v25, v24  }
0xcc: {  	v27 =	vmul.f32 v25, v53;
	v25 =	vadd.f32 v35, v34;
	v23 =	vadd.f32 v63, v23  }
0xcd: {  	v38 =	vld [tilespmem:s15+$0xD0]  }
0xce: {  	v39 =	vmul.f32 v33, v33;
	v25 =	vadd.f32 v37, v25;
	v23 =	vadd.f32 v33, v23  }
0xcf: {  	v40 =	vld [tilespmem:s15+$0xE0]  }
0xd0: {  	v41 =	vmul.f32 v36, v36;
	v25 =	vadd.f32 v39, v25;
	v23 =	vadd.f32 v36, v23  }
0xd1: {  	v42 =	vld [tilespmem:s15+$0xF0]  }
0xd2: {  	v43 =	vmul.f32 v38, v38;
	v25 =	vadd.f32 v41, v25;
	v23 =	vadd.f32 v38, v23;
	_ =	sdelay $0x1  }
0xd3: {  	v44 =	vmul.f32 v40, v40;
	v25 =	vadd.f32 v43, v25;
	v23 =	vadd.f32 v40, v23;
	_ =	sdelay $0x1  }
0xd4: {  	v45 =	vmul.f32 v42, v42;
	v25 =	vadd.f32 v44, v25;
	v23 =	vadd.f32 v42, v23;
	_ =	sdelay $0x1  }
0xd5: {  	v25 =	vadd.f32 v45, v25;
	v46 =	vperm.xlane v23, v0;
	_ =	sdelay $0x1  }
0xd6: {  	v47 =	vperm.xlane v25, v0;
	v23 =	vadd.f32 v46, v23;
	_ =	sdelay $0x1  }
0xd7: {  	v25 =	vadd.f32 v47, v25;
	v48 =	vperm.xlane v23, v1;
	_ =	sdelay $0x1  }
0xd8: {  	v26 =	vperm.xlane v25, v1;
	v23 =	vadd.f32 v48, v23;
	_ =	sdelay $0x1  }
0xd9: {  	v25 =	vadd.f32 v26, v25;
	v31 =	vperm.xlane v23, v2;
	_ =	sdelay $0x1  }
0xda: {  	v26 =	vperm.xlane v25, v2;
	v23 =	vadd.f32 v31, v23;
	_ =	sdelay $0x1  }
0xdb: {  	v25 =	vadd.f32 v26, v25;
	v31 =	vperm.xlane v23, v3;
	_ =	sdelay $0x1  }
0xdc: {  	v26 =	vperm.xlane v25, v3;
	v23 =	vadd.f32 v31, v23;
	_ =	sdelay $0x1  }
0xdd: {  	v25 =	vadd.f32 v26, v25;
	v23 =	vmul.f32 $7.812500000e-03, v23;
	_ =	sdelay $0x1  }
0xde: {  	v25 =	vmul.f32 $7.812500000e-03, v25;
	v49 =	vmul.f32 v23, v23;
	_ =	sdelay $0x1  }
0xdf: {  	v25 =	vsub.f32 v25, v49;
	_ =	sdelay $0x1  }
0xe0: {  	v25 =	vadd.f32 $9.999999960e-13, v25;
	_ =	sdelay $0x1  }
0xe1: {  	v50 =	vshra.s32 v25, $0x1;
	v25 =	vmul.f32 $5.000000000e-01, v25  }
0xe2: {  	v26 =	vsub.s32 $0x5F3759DF, v50  }
0xe3: {  	v51 =	vmul.f32 v26, v25;
	_ =	sdelay $0x1  }
0xe4: {  	v31 =	vmul.f32 v26, v51;
	_ =	sdelay $0x1  }
0xe5: {  	v31 =	vsub.f32 $1.500000000e+00, v31;
	_ =	sdelay $0x1  }
0xe6: {  	v26 =	vmul.f32 v26, v31;
	_ =	sdelay $0x1  }
0xe7: {  	v25 =	vmul.f32 v26, v25;
	_ =	sdelay $0x1  }
0xe8: {  	v25 =	vmul.f32 v25, v26;
	_ =	sdelay $0x1  }
0xe9: {  	v25 =	vsub.f32 $1.500000000e+00, v25;
	_ =	sdelay $0x1  }
0xea: {  	v20 =	vsub.f32 v20, v23;
	v25 =	vmul.f32 v25, v26;
	_ =	sdelay $0x1  }
0xeb: {  	v22 =	vsub.f32 v63, v23;
	v20 =	vmul.f32 v25, v20;
	_ =	sdelay $0x1  }
0xec: {  	v52 =	vsub.f32 v36, v23;
	v22 =	vmul.f32 v25, v22;
	v20 =	vmul.f32 v20, v4  }
0xed: {  	v54 =	vsub.f32 v40, v23  }
0xee: {  	v26 =	vmul.f32 v25, v52;
	v22 =	vmul.f32 v22, v6;
	v20 =	vadd.f32 v20, v12;
	_ =	sdelay $0x1  }
0xef: {  	v56 =	vmul.f32 v25, v54;
	v55 =	vmul.f32 v26, v8;
	[tilespmem:s15+$0x80] =	vst v20;
	v20 =	vadd.f32 v22, v14  }
0xf0: {  	v21 =	vmul.f32 v21, v5  }
0xf1: {  	v59 =	vmul.f32 v56, v10;
	[tilespmem:s15+$0xA0] =	vst v20;
	v20 =	vadd.f32 v55, v16  }
0xf2: {  	v21 =	vadd.f32 v21, v13  }
0xf3: {  	v24 =	vmul.f32 v24, v7;
	[tilespmem:s15+$0xC0] =	vst v20;
	v20 =	vadd.f32 v59, v18  }
0xf4: {  	[tilespmem:s15+$0x10] =	vst v21;
	v21 =	vsub.f32 v62, v23;
	v62 =	vld [tilespmem:s15+$0x110]  }
0xf5: {  	v57 =	vadd.f32 v24, v15;
	v24 =	vsub.f32 v33, v23;
	[tilespmem:s15+$0xE0] =	vst v20;
	v20 =	vld [tilespmem:s15+$0x100]  }
0xf6: {  	v53 =	vsub.f32 v38, v23;
	v23 =	vsub.f32 v42, v23;
	v63 =	vld [tilespmem:s15+$0x120];
	_ =	sdelay $0x1  }
0xf7: {  	v23 =	vmul.f32 v25, v23;
	_ =	sdelay $0x1  }
0xf8: {  	v58 =	vmul.f32 v27, v9;
	v23 =	vmul.f32 v23, v11;
	v33 =	vadd.f32 $0.0e+00, v20  }
0xf9: {  	v34 =	vld [tilespmem:s15+$0x130];
	v36 =	vmul.f32 v62, v62;
	v38 =	vmul.f32 v63, v63  }
0xfa: {  	[tilespmem:s15+$0x70] =	vst v61;
	v61 =	vadd.f32 v23, v19;
	v35 =	vmul.f32 v20, v20;
	v23 =	vadd.f32 v62, v33  }
0xfb: {  	v37 =	vld [tilespmem:s15+$0x140];
	v21 =	vmul.f32 v25, v21;
	v24 =	vmul.f32 v25, v24  }
0xfc: {  	v27 =	vmul.f32 v25, v53;
	v25 =	vadd.f32 v36, v35;
	v23 =	vadd.f32 v63, v23  }
0xfd: {  	v39 =	vld [tilespmem:s15+$0x150]  }
0xfe: {  	v40 =	vmul.f32 v34, v34;
	v25 =	vadd.f32 v38, v25;
	v23 =	vadd.f32 v34, v23  }
0xff: {  	v41 =	vld [tilespmem:s15+$0x160]  }
0x100: {  	v42 =	vmul.f32 v37, v37;
	v25 =	vadd.f32 v40, v25;
	v23 =	vadd.f32 v37, v23  }
0x101: {  	v43 =	vld [tilespmem:s15+$0x170]  }
0x102: {  	v44 =	vmul.f32 v39, v39;
	v25 =	vadd.f32 v42, v25;
	v23 =	vadd.f32 v39, v23;
	_ =	sdelay $0x1  }
0x103: {  	v45 =	vmul.f32 v41, v41;
	v25 =	vadd.f32 v44, v25;
	v23 =	vadd.f32 v41, v23;
	_ =	sdelay $0x1  }
0x104: {  	v46 =	vmul.f32 v43, v43;
	v25 =	vadd.f32 v45, v25;
	v23 =	vadd.f32 v43, v23;
	_ =	sdelay $0x1  }
0x105: {  	v25 =	vadd.f32 v46, v25;
	v47 =	vperm.xlane v23, v0;
	_ =	sdelay $0x1  }
0x106: {  	v48 =	vperm.xlane v25, v0;
	v23 =	vadd.f32 v47, v23;
	_ =	sdelay $0x1  }
0x107: {  	v25 =	vadd.f32 v48, v25;
	v49 =	vperm.xlane v23, v1;
	_ =	sdelay $0x1  }
0x108: {  	v26 =	vperm.xlane v25, v1;
	v23 =	vadd.f32 v49, v23;
	_ =	sdelay $0x1  }
0x109: {  	v25 =	vadd.f32 v26, v25;
	v31 =	vperm.xlane v23, v2;
	_ =	sdelay $0x1  }
0x10a: {  	v26 =	vperm.xlane v25, v2;
	v23 =	vadd.f32 v31, v23;
	_ =	sdelay $0x1  }
0x10b: {  	v25 =	vadd.f32 v26, v25;
	v31 =	vperm.xlane v23, v3;
	_ =	sdelay $0x1  }
0x10c: {  	v26 =	vperm.xlane v25, v3;
	v23 =	vadd.f32 v31, v23;
	_ =	sdelay $0x1  }
0x10d: {  	v25 =	vadd.f32 v26, v25;
	v23 =	vmul.f32 $7.812500000e-03, v23;
	_ =	sdelay $0x1  }
0x10e: {  	v25 =	vmul.f32 $7.812500000e-03, v25;
	v50 =	vmul.f32 v23, v23;
	_ =	sdelay $0x1  }
0x10f: {  	v25 =	vsub.f32 v25, v50;
	_ =	sdelay $0x1  }
0x110: {  	v25 =	vadd.f32 $9.999999960e-13, v25;
	_ =	sdelay $0x1  }
0x111: {  	v51 =	vshra.s32 v25, $0x1;
	v25 =	vmul.f32 $5.000000000e-01, v25  }
0x112: {  	v26 =	vsub.s32 $0x5F3759DF, v51  }
0x113: {  	v52 =	vmul.f32 v26, v25;
	_ =	sdelay $0x1  }
0x114: {  	v31 =	vmul.f32 v26, v52;
	_ =	sdelay $0x1  }
0x115: {  	v31 =	vsub.f32 $1.500000000e+00, v31;
	_ =	sdelay $0x1  }
0x116: {  	v26 =	vmul.f32 v26, v31;
	_ =	sdelay $0x1  }
0x117: {  	v25 =	vmul.f32 v26, v25;
	_ =	sdelay $0x1  }
0x118: {  	v25 =	vmul.f32 v25, v26;
	_ =	sdelay $0x1  }
0x119: {  	v25 =	vsub.f32 $1.500000000e+00, v25;
	_ =	sdelay $0x1  }
0x11a: {  	v20 =	vsub.f32 v20, v23;
	v25 =	vmul.f32 v25, v26;
	_ =	sdelay $0x1  }
0x11b: {  	v22 =	vsub.f32 v63, v23;
	v20 =	vmul.f32 v25, v20  }
0x11c: {  	v60 =	vadd.f32 v58, v17;
	v24 =	vmul.f32 v24, v7  }
0x11d: {  	v53 =	vsub.f32 v37, v23;
	v22 =	vmul.f32 v25, v22;
	v20 =	vmul.f32 v20, v4  }
0x11e: {  	[tilespmem:s15+$0x30] =	vst v57;
	v58 =	vmul.f32 v27, v9;
	v57 =	vadd.f32 v24, v15;
	v55 =	vsub.f32 v41, v23  }
0x11f: {  	[tilespmem:s15+$0x50] =	vst v60;
	v26 =	vmul.f32 v25, v53;
	v22 =	vmul.f32 v22, v6;
	v20 =	vadd.f32 v20, v12  }
0x120: {  	v60 =	vadd.f32 v58, v17;
	[tilespmem:s15+$0xB0] =	vst v57  }
0x121: {  	v57 =	vmul.f32 v25, v55;
	v56 =	vmul.f32 v26, v8;
	[tilespmem:s15+$0x100] =	vst v20;
	v20 =	vadd.f32 v22, v14  }
0x122: {  	v21 =	vmul.f32 v21, v5;
	[tilespmem:s15+$0xD0] =	vst v60  }
0x123: {  	v60 =	vmul.f32 v57, v10;
	[tilespmem:s15+$0x120] =	vst v20;
	v20 =	vadd.f32 v56, v16  }
0x124: {  	v21 =	vadd.f32 v21, v13  }
0x125: {  	[tilespmem:s15+$0x140] =	vst v20;
	v20 =	vadd.f32 v60, v18  }
0x126: {  	[tilespmem:s15+$0x90] =	vst v21;
	v33 =	vld [tilespmem:s15+$0x1A0]  }
0x127: {  	v21 =	vsub.f32 v62, v23;
	v24 =	vsub.f32 v34, v23;
	[tilespmem:s15+$0x160] =	vst v20;
	v20 =	vld [tilespmem:s15+$0x180]  }
0x128: {  	v54 =	vsub.f32 v39, v23;
	v23 =	vsub.f32 v43, v23;
	v63 =	vld [tilespmem:s15+$0x190];
	_ =	sdelay $0x1  }
0x129: {  	v23 =	vmul.f32 v25, v23;
	_ =	sdelay $0x1  }
0x12a: {  	v23 =	vmul.f32 v23, v11;
	v34 =	vadd.f32 $0.0e+00, v20  }
0x12b: {  	v35 =	vld [tilespmem:s15+$0x1B0];
	v39 =	vmul.f32 v33, v33;
	v37 =	vmul.f32 v63, v63  }
0x12c: {  	v62 =	vadd.f32 v23, v19;
	v36 =	vmul.f32 v20, v20;
	v23 =	vadd.f32 v63, v34  }
0x12d: {  	v38 =	vld [tilespmem:s15+$0x1C0];
	v21 =	vmul.f32 v25, v21;
	v24 =	vmul.f32 v25, v24  }
0x12e: {  	v27 =	vmul.f32 v25, v54;
	v25 =	vadd.f32 v37, v36;
	v23 =	vadd.f32 v33, v23  }
0x12f: {  	v40 =	vld [tilespmem:s15+$0x1D0]  }
0x130: {  	v41 =	vmul.f32 v35, v35;
	v25 =	vadd.f32 v39, v25;
	v23 =	vadd.f32 v35, v23  }
0x131: {  	v42 =	vld [tilespmem:s15+$0x1E0]  }
0x132: {  	v43 =	vmul.f32 v38, v38;
	v25 =	vadd.f32 v41, v25;
	v23 =	vadd.f32 v38, v23  }
0x133: {  	v44 =	vld [tilespmem:s15+$0x1F0]  }
0x134: {  	v45 =	vmul.f32 v40, v40;
	v25 =	vadd.f32 v43, v25;
	v23 =	vadd.f32 v40, v23;
	_ =	sdelay $0x1  }
0x135: {  	v46 =	vmul.f32 v42, v42;
	v25 =	vadd.f32 v45, v25;
	v23 =	vadd.f32 v42, v23;
	_ =	sdelay $0x1  }
0x136: {  	v47 =	vmul.f32 v44, v44;
	v25 =	vadd.f32 v46, v25;
	v23 =	vadd.f32 v44, v23;
	_ =	sdelay $0x1  }
0x137: {  	v25 =	vadd.f32 v47, v25;
	v48 =	vperm.xlane v23, v0;
	_ =	sdelay $0x1  }
0x138: {  	v49 =	vperm.xlane v25, v0;
	v23 =	vadd.f32 v48, v23;
	_ =	sdelay $0x1  }
0x139: {  	v25 =	vadd.f32 v49, v25;
	v50 =	vperm.xlane v23, v1;
	_ =	sdelay $0x1  }
0x13a: {  	v26 =	vperm.xlane v25, v1;
	v23 =	vadd.f32 v50, v23;
	_ =	sdelay $0x1  }
0x13b: {  	v25 =	vadd.f32 v26, v25;
	v31 =	vperm.xlane v23, v2;
	_ =	sdelay $0x1  }
0x13c: {  	v26 =	vperm.xlane v25, v2;
	v23 =	vadd.f32 v31, v23;
	_ =	sdelay $0x1  }
0x13d: {  	v25 =	vadd.f32 v26, v25;
	v31 =	vperm.xlane v23, v3;
	_ =	sdelay $0x1  }
0x13e: {  	v26 =	vperm.xlane v25, v3;
	v23 =	vadd.f32 v31, v23;
	_ =	sdelay $0x1  }
0x13f: {  	v25 =	vadd.f32 v26, v25;
	v23 =	vmul.f32 $7.812500000e-03, v23;
	_ =	sdelay $0x1  }
0x140: {  	v25 =	vmul.f32 $7.812500000e-03, v25;
	v51 =	vmul.f32 v23, v23;
	_ =	sdelay $0x1  }
0x141: {  	v25 =	vsub.f32 v25, v51;
	_ =	sdelay $0x1  }
0x142: {  	v25 =	vadd.f32 $9.999999960e-13, v25;
	_ =	sdelay $0x1  }
0x143: {  	v52 =	vshra.s32 v25, $0x1;
	v25 =	vmul.f32 $5.000000000e-01, v25  }
0x144: {  	v26 =	vsub.s32 $0x5F3759DF, v52  }
0x145: {  	v53 =	vmul.f32 v26, v25;
	_ =	sdelay $0x1  }
0x146: {  	v31 =	vmul.f32 v26, v53;
	_ =	sdelay $0x1  }
0x147: {  	v31 =	vsub.f32 $1.500000000e+00, v31;
	_ =	sdelay $0x1  }
0x148: {  	v26 =	vmul.f32 v26, v31;
	_ =	sdelay $0x1  }
0x149: {  	v25 =	vmul.f32 v26, v25;
	_ =	sdelay $0x1  }
0x14a: {  	v25 =	vmul.f32 v25, v26  }
0x14b: {  	v21 =	vmul.f32 v21, v5  }
0x14c: {  	v24 =	vmul.f32 v24, v7;
	v25 =	vsub.f32 $1.500000000e+00, v25  }
0x14d: {  	v59 =	vmul.f32 v27, v9;
	v21 =	vadd.f32 v21, v13  }
0x14e: {  	[tilespmem:s15+$0xF0] =	vst v61;
	v58 =	vadd.f32 v24, v15;
	v20 =	vsub.f32 v20, v23;
	v25 =	vmul.f32 v25, v26  }
0x14f: {  	v61 =	vadd.f32 v59, v17;
	[tilespmem:s15+$0x110] =	vst v21;
	v21 =	vsub.f32 v63, v23  }
0x150: {  	v22 =	vsub.f32 v33, v23;
	v24 =	vsub.f32 v35, v23;
	v20 =	vmul.f32 v25, v20  }
0x151: {  	v54 =	vsub.f32 v38, v23;
	v55 =	vsub.f32 v40, v23;
	v21 =	vmul.f32 v25, v21  }
0x152: {  	v56 =	vsub.f32 v42, v23;
	v24 =	vmul.f32 v25, v24;
	v20 =	vmul.f32 v20, v4  }
0x153: {  	[tilespmem:s15+$0x130] =	vst v58;
	v23 =	vsub.f32 v44, v23;
	v22 =	vmul.f32 v25, v22;
	v21 =	vmul.f32 v21, v5  }
0x154: {  	[tilespmem:s15+$0x150] =	vst v61;
	v27 =	vmul.f32 v25, v55;
	v24 =	vmul.f32 v24, v7;
	v20 =	vadd.f32 v20, v12  }
0x155: {  	[tilespmem:s15+$0x170] =	vst v62;
	v26 =	vmul.f32 v25, v54;
	v22 =	vmul.f32 v22, v6;
	v21 =	vadd.f32 v21, v13  }
0x156: {  	v23 =	vmul.f32 v25, v23;
	v60 =	vmul.f32 v27, v9;
	v59 =	vadd.f32 v24, v15;
	[tilespmem:s15+$0x180] =	vst v20  }
0x157: {  	s21 =	sadd.s32 $0x4, s21;
	v58 =	vmul.f32 v25, v56;
	v57 =	vmul.f32 v26, v8;
	v20 =	vadd.f32 v22, v14;
	[tilespmem:s15+$0x190] =	vst v21  }
0x158: {  	p0 =	slt.u32 s21, $0x4C;
	v23 =	vmul.f32 v23, v11;
	v62 =	vadd.f32 v60, v17;
	[tilespmem:s15+$0x1B0] =	vst v59  }
.Ltmp5:
0x159: {  	v61 =	vmul.f32 v58, v10;
	[tilespmem:s15+$0x1A0] =	vst v20;
	v20 =	vadd.f32 v57, v16;
	(pc) =	sbr.rel @p0 .LBB2_9-.Ltmp5, $4  }
0x15a: {  	v63 =	vadd.f32 v23, v19;
	[tilespmem:s15+$0x1D0] =	vst v62  }
0x15b: {  	[tilespmem:s15+$0x1C0] =	vst v20;
	v20 =	vadd.f32 v61, v18  }
0x15c: {  	[tilespmem:s15+$0x1F0] =	vst v63  }
0x15d: {  	[tilespmem:s15+$0x1E0] =	vst v20;
	s15 =	sadd.s32 $0x200, s15  }
0x15e: {  	s15 =	smul.u32 $0x50, s13;
	s13 =	sadd.s32 $0x1, s13  }
0x15f: {  	p0 =	sne.s32 s13, $0x50  }
.Ltmp6:
0x160: {  	_ = 	snop;
	(pc) =	sbr.rel @p0 .LBB2_2-.Ltmp6, $4  }
.Ltmp7:
0x161: {  	s15 =	sadd.s32 s12, s15;
	(pc) =	sbr.rel @!p0 .LBB2_11-.Ltmp7, $4  }
0x162: {  	s15 =	sshll.u32 s15, $0x4  }
0x163: {  	s20 =	sadd.s32 $0x13, s20;
	s5 =	sadd.s32 $0x2800, s5;
	s15 =	sadd.s32 s6, s15  }
0x164: {  	[hbm4b:s15+s7] =	stream.linear.scatter [tilespmem:s14], [sflag:s20], $0x2800, $0x38;
	[tilespmem:$0xFD00] =	vst v63  }
0x165: {  	_ = 	snop  }
.LBB2_6:
0x166: {  	p0 =	sgt.u32 s13, $0x4D  }
.Ltmp8:
0x167: {  	_ = 	snop;
	(pc) =	sbr.rel @p0 .LBB2_8-.Ltmp8, $4  }
.Ltmp9:
0x168: {  	_ = 	snop;
	(pc) =	sbr.rel @!p0 .LBB2_7-.Ltmp9, $4  }
0x169: {  	_ = 	snop  }
0x16a: {  	_ = 	snop  }
0x16b: {  	_ = 	snop  }
0x16c: {  	_ = 	snop  }
.LBB2_12:
0x16d: {  	_ =	sfence.sel $0x180000  }
0x16e: {  	[bflag:$0x0] =	sbarrier.arrive $0xFFFF  }
0x16f: {  	_ =	strace $0x9000004A  }
0x170: {  	s0 =	stileid.u32;
	[bflag:$0x2] =	sbarrier.arrive $0xFFFF  }
0x171: {  	p0 =	sne.s32 s0, $0x0;
	s0 =	rddreg [dreg:$0x6]  }
0x172: {  	s0 =	sadd.s32 @!p0 $0x100000, s0  }
0x173: {  	[sflag:s0] =	ssyncadd.tile.s32 @!p0 $0x1;
	_ =	shalt  }
.Lfunc_end2:
_tile_overlayer_lowered:
.L_overlay_start_2:
0x174: {  	(tag) =	ssettag $0x2  }
0x175: {  	s0 =	rddreg [dreg:$0x0];
	s2 =	stileid.u32  }
0x176: {  	s1 =	rddreg [dreg:$0x1];
	p0 =	sne.s32 s2, $0x0  }
0x177: {  	s3 =	rddreg [dreg:$0x2];
	[bflag:$0x3] =	sbarrier.arrive $0xFFFF;
	s2 =	simm.s32 @!p0 $0x1C19  }
0x178: {  	[timem:s3], [sflag:s2] =	dma.local @!p0 [hbm:s0], s1  }
0x179: {  	s0 =	simm.s32 @!p0 $0x19  }
0x17a: {  	_ =	swait.ge @!p0 [sflag:s0], s1  }
0x17b: {  	s1 =	ssub.s32 @!p0 $0x0, s1;
	[sflag:s0] =	ssyncset.done @!p0 $0x0  }
0x17c: {  	[sflag:s0] =	ssyncadd.s32 @!p0 s1  }
0x17d: {  	[bflag:$0x3] =	sbarrier.arrive $0xFFFF  }
0x17e: {  	_ =	shalt  }

</sc_bundles>
